<compile_context>
chip_gen: v7x
topology: tpu7x:2x2x1
jax: 0.10.2.dev20260603
libtpu: 0.0.44.dev20260713+nightly
codegen_flags: <defaults>
</compile_context>

<pallas_src>
import functools

import jax
import jax.numpy as jnp
from jax import lax
from jax.experimental import pallas as pl
from jax.experimental.pallas import tpu as pltpu
from jax.experimental.pallas import tpu_sc as plsc

_NC = 2
_NS = 16
_K = 128
_BR = 1000



def _stripes(n):
    full = -(-(n // _NS) // 8) * 8
    last = n - (_NS - 1) * full
    return full, last


def _striped_rows(s, n, copy_fn):
    full, last = _stripes(n)

    @pl.when(s < _NS - 1)
    def _():
        copy_fn(s * full, full)

    @pl.when(s == _NS - 1)
    def _():
        copy_fn((_NS - 1) * full, last)


def _deg_body(dst_hbm, ones_hbm, zeros_hbm, out_hbm,
              dv_a, dv_b, dv_t, ones_v, stripe_v, acc_sh, sem_a, sem_b):
    c = lax.axis_index("c")
    s = lax.axis_index("s")
    n = zeros_hbm.shape[0]
    e = dst_hbm.shape[0]
    ept = e // (_NC * _NS)
    base = (s * _NC + c) * ept
    nch = ept // _K
    full, _ = _stripes(n)

    pltpu.sync_copy(ones_hbm, ones_v)

    def init(r0, nr):
        pltpu.sync_copy(zeros_hbm.at[pl.ds(r0, nr)], stripe_v.at[pl.ds(0, nr)])
        pltpu.sync_copy(stripe_v.at[pl.ds(0, nr)], acc_sh.at[pl.ds(r0, nr)])

    _striped_rows(s, n, init)
    plsc.subcore_barrier()

    nbig = ept // _K
    tail = ept - nbig * _K

    def start(ch, dv, sem, sz=_K):
        pltpu.async_copy(dst_hbm.at[pl.ds(base + ch * _K, sz)], dv, sem)

    def finish(dv, sem, ones=ones_v, sz=_K):
        pltpu.make_async_copy(dst_hbm.at[pl.ds(base, sz)], dv, sem).wait()
        pltpu.sync_copy(ones, acc_sh.at[dv], add=True)

    start(0, dv_a, sem_a)

    def body(j, carry):
        start(2 * j + 1, dv_b, sem_b)
        finish(dv_a, sem_a)
        start(2 * j + 2, dv_a, sem_a)
        finish(dv_b, sem_b)
        return carry

    lax.fori_loop(0, (nbig - 2) // 2, body, 0)
    start(nbig - 1, dv_b, sem_b)
    finish(dv_a, sem_a)
    finish(dv_b, sem_b)
    if tail:
        start(nbig, dv_t, sem_a, sz=tail)
        finish(dv_t, sem_a, ones=ones_v.at[pl.ds(0, tail)], sz=tail)

    plsc.subcore_barrier()

    def writeback(r0, nr):
        pltpu.sync_copy(acc_sh.at[pl.ds(r0, nr)], stripe_v.at[pl.ds(0, nr)])
        pltpu.sync_copy(stripe_v.at[pl.ds(0, nr)],
                        out_hbm.at[pl.ds(c * n + r0, nr)])

    _striped_rows(s, n, writeback)


def _msg_body(hn_hbm, src_hbm, dst_hbm, zeros_hbm, out_hbm,
              src_all, dv_a, dv_b, dv_t, rv_a, rv_b, rv_t,
              acc_sh, sem_a, sem_b):
    c = lax.axis_index("c")
    s = lax.axis_index("s")
    n = zeros_hbm.shape[0]
    e = src_hbm.shape[0]
    ept = e // (_NC * _NS)
    base = (s * _NC + c) * ept
    nbig = ept // _K
    tail = ept - nbig * _K

    pltpu.sync_copy(src_hbm.at[pl.ds(base, ept)], src_all)
    _striped_rows(s, n, lambda r0, nr: pltpu.sync_copy(
        zeros_hbm.at[pl.ds(r0, nr)], acc_sh.at[pl.ds(r0, nr)]))
    plsc.subcore_barrier()

    def start(ch, dv, rv, sem, sz=_K):
        pltpu.async_copy(dst_hbm.at[pl.ds(base + ch * _K, sz)], dv, sem)
        pltpu.async_copy(hn_hbm.at[src_all.at[pl.ds(ch * _K, sz)]], rv, sem)

    def finish(dv, rv, sem, sz=_K):
        pltpu.make_async_copy(dst_hbm.at[pl.ds(base, sz)], dv, sem).wait()
        pltpu.make_async_copy(
            hn_hbm.at[src_all.at[pl.ds(0, sz)]], rv, sem).wait()
        pltpu.sync_copy(rv, acc_sh.at[dv], add=True)

    start(0, dv_a, rv_a, sem_a)

    def body(j, carry):
        start(2 * j + 1, dv_b, rv_b, sem_b)
        finish(dv_a, rv_a, sem_a)
        start(2 * j + 2, dv_a, rv_a, sem_a)
        finish(dv_b, rv_b, sem_b)
        return carry

    lax.fori_loop(0, (nbig - 2) // 2, body, 0)
    start(nbig - 1, dv_b, rv_b, sem_b)
    finish(dv_a, rv_a, sem_a)
    finish(dv_b, rv_b, sem_b)
    if tail:
        start(nbig, dv_t, rv_t, sem_a, sz=tail)
        finish(dv_t, rv_t, sem_a, sz=tail)

    plsc.subcore_barrier()
    _striped_rows(s, n, lambda r0, nr: pltpu.sync_copy(
        acc_sh.at[pl.ds(r0, nr)], out_hbm.at[pl.ds(c * n + r0, nr)]))


def _sc_degree(dst, n):
    mesh = plsc.VectorSubcoreMesh(core_axis_name="c", subcore_axis_name="s")
    fn = pl.kernel(
        _deg_body,
        out_type=jax.ShapeDtypeStruct((_NC * n,), jnp.float32),
        mesh=mesh,
        scratch_types=[
            pltpu.VMEM((_K,), jnp.int32),
            pltpu.VMEM((_K,), jnp.int32),
            pltpu.VMEM((dst.shape[0] // (_NC * _NS) % _K or _K,), jnp.int32),
            pltpu.VMEM((_K,), jnp.float32),
            pltpu.VMEM((_stripes(n)[0],), jnp.float32),
            pltpu.VMEM_SHARED((n,), jnp.float32),
            pltpu.SemaphoreType.DMA,
            pltpu.SemaphoreType.DMA,
        ],
    )
    return fn(dst, jnp.ones((_K,), jnp.float32),
              jnp.zeros((n,), jnp.float32))


def _sc_message(hn, src, dst, n, d):
    mesh = plsc.VectorSubcoreMesh(core_axis_name="c", subcore_axis_name="s")
    e = src.shape[0]
    fn = pl.kernel(
        _msg_body,
        out_type=jax.ShapeDtypeStruct((_NC * n, d), jnp.float32),
        mesh=mesh,
        scratch_types=[
            pltpu.VMEM((e // (_NC * _NS),), jnp.int32),
            pltpu.VMEM((_K,), jnp.int32),
            pltpu.VMEM((_K,), jnp.int32),
            pltpu.VMEM((e // (_NC * _NS) % _K or _K,), jnp.int32),
            pltpu.VMEM((_K, d), jnp.float32),
            pltpu.VMEM((_K, d), jnp.float32),
            pltpu.VMEM((e // (_NC * _NS) % _K or _K, d), jnp.float32),
            pltpu.VMEM_SHARED((n, d), jnp.float32),
            pltpu.SemaphoreType.DMA,
            pltpu.SemaphoreType.DMA,
        ],
    )
    return fn(hn, src, dst, jnp.zeros((n, d), jnp.float32))



def _dot(a, b):
    return jnp.dot(a, b, preferred_element_type=jnp.float32)


def _dinvb(d0_ref, d1_ref, shape):
    deg = d0_ref[...] + d1_ref[...] + 1.0
    return jnp.broadcast_to(lax.rsqrt(deg), shape)


def _encA_kernel(d0_ref, d1_ref, x_ref, we_ref, be_ref, wc_ref, hn_o):
    dinvb = _dinvb(d0_ref, d1_ref, hn_o.shape)
    h = _dot(x_ref[...], we_ref[...]) + be_ref[...]
    hn_o[...] = _dot(h, wc_ref[...]) * dinvb


def _ln_relu(p0, p1, hn, dinv, bc, g, b):
    t = (p0 + p1 + hn) * dinv + bc
    mu = jnp.mean(t, axis=1, keepdims=True)
    dlt = t - mu
    var = jnp.mean(dlt * dlt, axis=1, keepdims=True)
    y = dlt * lax.rsqrt(var + 1e-5) * g + b
    return jnp.maximum(y, 0.0)


def _postB_kernel(d0_ref, d1_ref, p0_ref, p1_ref, hn_ref, bc_ref, g_ref,
                  b_ref, wc_ref, hn_o):
    dinvb = _dinvb(d0_ref, d1_ref, hn_o.shape)
    h = _ln_relu(p0_ref[...], p1_ref[...], hn_ref[...], dinvb,
                 bc_ref[...], g_ref[...], b_ref[...])
    hn_o[...] = _dot(h, wc_ref[...]) * dinvb


def _postC_kernel(d0_ref, d1_ref, p0_ref, p1_ref, hn_ref, bc_ref, g_ref,
                  b_ref, w1_ref, b1_ref, w2_ref, b2_ref, o_ref):
    dinvb = _dinvb(d0_ref, d1_ref, o_ref.shape)
    h = _ln_relu(p0_ref[...], p1_ref[...], hn_ref[...], dinvb,
                 bc_ref[...], g_ref[...], b_ref[...])
    t = jnp.maximum(_dot(h, w1_ref[...]) + b1_ref[...], 0.0)
    o_ref[...] = _dot(t, w2_ref[...]) + b2_ref[...]


def _row_spec(d):
    return pl.BlockSpec((_BR, d), lambda i: (i, 0))


def _full_spec(r, c):
    return pl.BlockSpec((r, c), lambda i: (0, 0))


def _deg_specs(nb):
    return [pl.BlockSpec((_BR, 1), lambda i: (i, 0)),
            pl.BlockSpec((_BR, 1), lambda i: (i + nb, 0))]


def _part_specs(d, nb):
    return [pl.BlockSpec((_BR, d), lambda i: (i, 0)),
            pl.BlockSpec((_BR, d), lambda i: (i + nb, 0))]


def _tc_encA(deg2, x, we, be, wc):
    n, d = x.shape
    nb = n // _BR
    d2 = deg2.reshape(_NC * n, 1)
    return pl.pallas_call(
        _encA_kernel,
        grid=(nb,),
        in_specs=_deg_specs(nb) + [
            _row_spec(d), _full_spec(d, d), _full_spec(1, d),
            _full_spec(d, d),
        ],
        out_specs=_row_spec(d),
        out_shape=jax.ShapeDtypeStruct((n, d), jnp.float32),
    )(d2, d2, x, we, be.reshape(1, d), wc)


def _tc_postB(d2, p, hn, bc, g, b, wc):
    n, d = hn.shape
    nb = n // _BR
    return pl.pallas_call(
        _postB_kernel,
        grid=(nb,),
        in_specs=_deg_specs(nb) + _part_specs(d, nb) + [
            _row_spec(d),
            _full_spec(1, d), _full_spec(1, d), _full_spec(1, d),
            _full_spec(d, d),
        ],
        out_specs=_row_spec(d),
        out_shape=jax.ShapeDtypeStruct((n, d), jnp.float32),
    )(d2, d2, p, p, hn, bc.reshape(1, d), g.reshape(1, d), b.reshape(1, d),
      wc)


def _tc_postC(d2, p, hn, bc, g, b, w1p, b1p, w2p, b2p):
    n, d = hn.shape
    nb = n // _BR
    return pl.pallas_call(
        _postC_kernel,
        grid=(nb,),
        in_specs=_deg_specs(nb) + _part_specs(d, nb) + [
            _row_spec(d),
            _full_spec(1, d), _full_spec(1, d), _full_spec(1, d),
            _full_spec(d, d), _full_spec(1, d),
            _full_spec(d, d), _full_spec(1, d),
        ],
        out_specs=_row_spec(d),
        out_shape=jax.ShapeDtypeStruct((n, d), jnp.float32),
    )(d2, d2, p, p, hn, bc.reshape(1, d), g.reshape(1, d), b.reshape(1, d),
      w1p, b1p, w2p, b2p)



def kernel(x, edge_index, batch, W_enc, b_enc, Wc, bc, gamma, beta,
           W1, b1, W2, b2):
    del batch
    n, d = x.shape
    src = edge_index[0]
    dst = edge_index[1]

    deg2 = _sc_degree(dst, n)
    d2 = deg2.reshape(_NC * n, 1)
    hn = _tc_encA(deg2, x, W_enc, b_enc, Wc[0])

    dh = W1.shape[1]
    w1p = jnp.pad(W1, ((0, 0), (0, d - dh)))
    b1p = jnp.pad(b1, (0, d - dh)).reshape(1, d)
    w2p = jnp.pad(W2, ((0, d - dh), (0, d - 1)))
    b2p = jnp.broadcast_to(b2.reshape(1, 1), (1, d))

    num_layers = Wc.shape[0]
    for i in range(num_layers):
        p = _sc_message(hn, src, dst, n, d)
        if i + 1 < num_layers:
            hn = _tc_postB(d2, p, hn, bc[i], gamma[i], beta[i], Wc[i + 1])
        else:
            out = _tc_postC(d2, p, hn, bc[i], gamma[i], beta[i],
                            w1p, b1p, w2p, b2p)
    return out[:, :1]

# --- scband reference (transcript-rebuilt; emitter-appended) ---
"""Pipeline reference for scband-stress-gcn-conv-28724741275672 (READ-ONLY COPY).

The authoritative reference and input builder live on the scoring server;
editing this copy changes nothing except your own understanding.
"""

import jax, jax.numpy as jnp
import numpy as np

N = 10000
E = 320000
D = 128
L = 3

def setup_inputs(seed: int = 0):
    key = jax.random.key(seed)
    ks = jax.random.split(key, 8)
    s = 0.05
    x = jax.random.normal(ks[0], (N, D), dtype=jnp.float32)
    edge_index = jax.random.randint(ks[1], (2, E), 0, N, dtype=jnp.int32)
    batch = jnp.zeros((N,), dtype=jnp.int32)
    W_enc = jax.random.normal(ks[2], (D, D), dtype=jnp.float32) * s
    b_enc = jnp.zeros((D,), dtype=jnp.float32)
    Wc = jax.random.normal(ks[3], (L, D, D), dtype=jnp.float32) * s
    bc = jnp.zeros((L, D), dtype=jnp.float32)
    gamma = jnp.ones((L, D), dtype=jnp.float32)
    beta = jnp.zeros((L, D), dtype=jnp.float32)
    W1 = jax.random.normal(ks[4], (D, D // 2), dtype=jnp.float32) * s
    b1 = jnp.zeros((D // 2,), dtype=jnp.float32)
    W2 = jax.random.normal(ks[5], (D // 2, 1), dtype=jnp.float32) * s
    b2 = jnp.zeros((1,), dtype=jnp.float32)
    return {"x": x, "edge_index": edge_index, "batch": batch, "W_enc": W_enc, "b_enc": b_enc,
            "Wc": Wc, "bc": bc, "gamma": gamma, "beta": beta, "W1": W1, "b1": b1, "W2": W2, "b2": b2}

def _gcn_layer(h, src, dst, norm, W, b):
    h = h @ W
    msg = h[src] * norm[:, None]
    out = jnp.zeros_like(h).at[dst].add(msg)
    return out + b

def _layer_norm(h, g, b):
    mu = jnp.mean(h, axis=-1, keepdims=True)
    var = jnp.var(h, axis=-1, keepdims=True)
    return (h - mu) / jnp.sqrt(var + 1e-5) * g + b

def reference(x, edge_index, batch, W_enc, b_enc, Wc, bc, gamma, beta, W1, b1, W2, b2):
    num_nodes = x.shape[0]
    loop = jnp.arange(num_nodes, dtype=edge_index.dtype)
    src = jnp.concatenate([edge_index[0], loop])
    dst = jnp.concatenate([edge_index[1], loop])
    deg = jnp.zeros((num_nodes,), dtype=x.dtype).at[dst].add(1.0)
    dinv = jnp.where(deg > 0, 1.0 / jnp.sqrt(deg), 0.0)
    norm = dinv[src] * dinv[dst]
    h = x @ W_enc + b_enc
    for i in range(L):
        h = _gcn_layer(h, src, dst, norm, Wc[i], bc[i])
        h = _layer_norm(h, gamma[i], beta[i])
        h = jax.nn.relu(h)
        # dropout p=0.1 inactive in eval mode
    h = jax.nn.relu(h @ W1 + b1)
    return h @ W2 + b2

if __name__ == "__main__":
    import jax
    _d = setup_inputs()
    print(jax.jit(kernel)(*tuple(_d.values())))

</pallas_src>

<mosaic_0001>
#map = affine_map<(d0, d1) -> (0)>
module attributes {stable_mosaic.version = 14 : i64} {
  func.func @_deg_body(%arg0: i32, %arg1: i32, %arg2: memref<320000xi32, #tpu.memory_space<hbm>>, %arg3: memref<128xf32, #tpu.memory_space<hbm>>, %arg4: memref<10000xf32, #tpu.memory_space<hbm>>, %arg5: memref<20000xf32, #tpu.memory_space<hbm>>, %arg6: memref<128xi32, #tpu.memory_space<vmem>>, %arg7: memref<128xi32, #tpu.memory_space<vmem>>, %arg8: memref<16xi32, #tpu.memory_space<vmem>>, %arg9: memref<128xf32, #tpu.memory_space<vmem>>, %arg10: memref<632xf32, #tpu.memory_space<vmem>>, %arg11: memref<10000xf32, #tpu.memory_space<vmem_shared>>, %arg12: memref<!tpu.dma_semaphore, #tpu.memory_space<semaphore_mem>>, %arg13: memref<!tpu.dma_semaphore, #tpu.memory_space<semaphore_mem>>) attributes {dimension_semantics = [#tpu.dimension_semantics<core_parallel>, #tpu.dimension_semantics<subcore_parallel>], iteration_bounds = array<i64: 2, 16>, scalar_prefetch = 0 : i64, scratch_operands = 8 : i64, tpu.core_type = #tpu.core_type<sc_vector_subcore>, window_params = [{transform_indices = #map}, {transform_indices = #map}, {transform_indices = #map}, {transform_indices = #map}]} {
    %mul3A = arith.constant 2 : i32
    %mul3A_0 = arith.muli %arg1, %mul3A : i32
    %add3A = arith.addi %mul3A_0, %arg0 : i32
    %mul3A_1 = arith.constant 10000 : i32
    %mul3A_2 = arith.muli %add3A, %mul3A_1 : i32
    "tpu.region"() ({
      %run_scoped3A = tpu.sem_alloc : memref<!tpu.dma_semaphore, #tpu.memory_space<semaphore_mem>>
      tpu.enqueue_dma source(%arg3 : memref<128xf32, #tpu.memory_space<hbm>>) target(%arg9 : memref<128xf32, #tpu.memory_space<vmem>>) target_semaphore(%run_scoped3A : memref<!tpu.dma_semaphore, #tpu.memory_space<semaphore_mem>>)
      tpu.wait_dma2 semaphore(%run_scoped3A : memref<!tpu.dma_semaphore, #tpu.memory_space<semaphore_mem>>) src(%arg3 : memref<128xf32, #tpu.memory_space<hbm>>) dst(%arg9 : memref<128xf32, #tpu.memory_space<vmem>>)
      tpu.yield
    }) : () -> ()
    %lt3A = arith.constant 15 : i32
    %lt3A_3 = arith.cmpi slt, %arg1, %lt3A : i32
    %convert_element_type3A = arith.extui %lt3A_3 : i1 to i32
    %cond3A = arith.constant 0 : i32
    %cond3A_4 = arith.cmpi ne, %convert_element_type3A, %cond3A : i32
    scf.if %cond3A_4 {
      %mul3A_41 = arith.constant 632 : i32
      %mul3A_42 = arith.muli %arg1, %mul3A_41 : i32
      "tpu.region"() ({
        %run_scoped3A = tpu.sem_alloc : memref<!tpu.dma_semaphore, #tpu.memory_space<semaphore_mem>>
        %dma_start3A_43 = arith.constant 0 : i32
        %dma_start3A_44 = tpu.memref_slice %arg10[%dma_start3A_43] : memref<632xf32, #tpu.memory_space<vmem>> -> memref<632xf32, #tpu.memory_space<vmem>>
        %dma_start3A_45 = tpu.memref_slice %arg4[%mul3A_42] : memref<10000xf32, #tpu.memory_space<hbm>> -> memref<632xf32, #tpu.memory_space<hbm>>
        %dma_start3A_46 = arith.constant 0 : i32
        %dma_start3A_47 = tpu.memref_slice %arg10[%dma_start3A_46] : memref<632xf32, #tpu.memory_space<vmem>> -> memref<632xf32, #tpu.memory_space<vmem>>
        %dma_start3A_48 = tpu.memref_slice %arg4[%mul3A_42] : memref<10000xf32, #tpu.memory_space<hbm>> -> memref<632xf32, #tpu.memory_space<hbm>>
        tpu.enqueue_dma source(%dma_start3A_48 : memref<632xf32, #tpu.memory_space<hbm>>) target(%dma_start3A_47 : memref<632xf32, #tpu.memory_space<vmem>>) target_semaphore(%run_scoped3A : memref<!tpu.dma_semaphore, #tpu.memory_space<semaphore_mem>>)
        %dma_wait3A_49 = arith.constant 0 : i32
        %dma_wait3A_50 = tpu.memref_slice %arg10[%dma_wait3A_49] : memref<632xf32, #tpu.memory_space<vmem>> -> memref<632xf32, #tpu.memory_space<vmem>>
        %dma_wait3A_51 = tpu.memref_slice %arg4[%mul3A_42] : memref<10000xf32, #tpu.memory_space<hbm>> -> memref<632xf32, #tpu.memory_space<hbm>>
        %dma_wait3A_52 = arith.constant 0 : i32
        %dma_wait3A_53 = tpu.memref_slice %arg10[%dma_wait3A_52] : memref<632xf32, #tpu.memory_space<vmem>> -> memref<632xf32, #tpu.memory_space<vmem>>
        %dma_wait3A_54 = tpu.memref_slice %arg4[%mul3A_42] : memref<10000xf32, #tpu.memory_space<hbm>> -> memref<632xf32, #tpu.memory_space<hbm>>
        tpu.wait_dma2 semaphore(%run_scoped3A : memref<!tpu.dma_semaphore, #tpu.memory_space<semaphore_mem>>) src(%dma_wait3A_54 : memref<632xf32, #tpu.memory_space<hbm>>) dst(%dma_wait3A_53 : memref<632xf32, #tpu.memory_space<vmem>>)
        tpu.yield
      }) : () -> ()
      "tpu.region"() ({
        %run_scoped3A = tpu.sem_alloc : memref<!tpu.dma_semaphore, #tpu.memory_space<semaphore_mem>>
        %dma_start3A_43 = arith.constant 0 : i32
        %dma_start3A_44 = tpu.memref_slice %arg10[%dma_start3A_43] : memref<632xf32, #tpu.memory_space<vmem>> -> memref<632xf32, #tpu.memory_space<vmem>>
        %dma_start3A_45 = tpu.memref_slice %arg11[%mul3A_42] : memref<10000xf32, #tpu.memory_space<vmem_shared>> -> memref<632xf32, #tpu.memory_space<vmem_shared>>
        %dma_start3A_46 = tpu.memref_slice %arg11[%mul3A_42] : memref<10000xf32, #tpu.memory_space<vmem_shared>> -> memref<632xf32, #tpu.memory_space<vmem_shared>>
        %dma_start3A_47 = arith.constant 0 : i32
        %dma_start3A_48 = tpu.memref_slice %arg10[%dma_start3A_47] : memref<632xf32, #tpu.memory_space<vmem>> -> memref<632xf32, #tpu.memory_space<vmem>>
        tpu.enqueue_dma source(%dma_start3A_48 : memref<632xf32, #tpu.memory_space<vmem>>) target(%dma_start3A_46 : memref<632xf32, #tpu.memory_space<vmem_shared>>) target_semaphore(%run_scoped3A : memref<!tpu.dma_semaphore, #tpu.memory_space<semaphore_mem>>)
        %dma_wait3A_49 = arith.constant 0 : i32
        %dma_wait3A_50 = tpu.memref_slice %arg10[%dma_wait3A_49] : memref<632xf32, #tpu.memory_space<vmem>> -> memref<632xf32, #tpu.memory_space<vmem>>
        %dma_wait3A_51 = tpu.memref_slice %arg11[%mul3A_42] : memref<10000xf32, #tpu.memory_space<vmem_shared>> -> memref<632xf32, #tpu.memory_space<vmem_shared>>
        %dma_wait3A_52 = tpu.memref_slice %arg11[%mul3A_42] : memref<10000xf32, #tpu.memory_space<vmem_shared>> -> memref<632xf32, #tpu.memory_space<vmem_shared>>
        %dma_wait3A_53 = arith.constant 0 : i32
        %dma_wait3A_54 = tpu.memref_slice %arg10[%dma_wait3A_53] : memref<632xf32, #tpu.memory_space<vmem>> -> memref<632xf32, #tpu.memory_space<vmem>>
        tpu.wait_dma2 semaphore(%run_scoped3A : memref<!tpu.dma_semaphore, #tpu.memory_space<semaphore_mem>>) src(%dma_wait3A_54 : memref<632xf32, #tpu.memory_space<vmem>>) dst(%dma_wait3A_52 : memref<632xf32, #tpu.memory_space<vmem_shared>>)
        tpu.yield
      }) : () -> ()
    } else {
    }
    %eq3A = arith.constant 15 : i32
    %eq3A_5 = arith.cmpi eq, %arg1, %eq3A : i32
    %convert_element_type3A_6 = arith.extui %eq3A_5 : i1 to i32
    %cond3A_7 = arith.constant 0 : i32
    %cond3A_8 = arith.cmpi ne, %convert_element_type3A_6, %cond3A_7 : i32
    scf.if %cond3A_8 {
      "tpu.region"() ({
        %run_scoped3A = tpu.sem_alloc : memref<!tpu.dma_semaphore, #tpu.memory_space<semaphore_mem>>
        %dma_start3A_41 = arith.constant 0 : i32
        %dma_start3A_42 = tpu.memref_slice %arg10[%dma_start3A_41] : memref<632xf32, #tpu.memory_space<vmem>> -> memref<520xf32, #tpu.memory_space<vmem>>
        %dma_start3A_43 = arith.constant 9480 : i32
        %dma_start3A_44 = tpu.memref_slice %arg4[%dma_start3A_43] : memref<10000xf32, #tpu.memory_space<hbm>> -> memref<520xf32, #tpu.memory_space<hbm>>
        %dma_start3A_45 = arith.constant 0 : i32
        %dma_start3A_46 = tpu.memref_slice %arg10[%dma_start3A_45] : memref<632xf32, #tpu.memory_space<vmem>> -> memref<520xf32, #tpu.memory_space<vmem>>
        %dma_start3A_47 = arith.constant 9480 : i32
        %dma_start3A_48 = tpu.memref_slice %arg4[%dma_start3A_47] : memref<10000xf32, #tpu.memory_space<hbm>> -> memref<520xf32, #tpu.memory_space<hbm>>
        tpu.enqueue_dma source(%dma_start3A_48 : memref<520xf32, #tpu.memory_space<hbm>>) target(%dma_start3A_46 : memref<520xf32, #tpu.memory_space<vmem>>) target_semaphore(%run_scoped3A : memref<!tpu.dma_semaphore, #tpu.memory_space<semaphore_mem>>)
        %dma_wait3A_49 = arith.constant 0 : i32
        %dma_wait3A_50 = tpu.memref_slice %arg10[%dma_wait3A_49] : memref<632xf32, #tpu.memory_space<vmem>> -> memref<520xf32, #tpu.memory_space<vmem>>
        %dma_wait3A_51 = arith.constant 9480 : i32
        %dma_wait3A_52 = tpu.memref_slice %arg4[%dma_wait3A_51] : memref<10000xf32, #tpu.memory_space<hbm>> -> memref<520xf32, #tpu.memory_space<hbm>>
        %dma_wait3A_53 = arith.constant 0 : i32
        %dma_wait3A_54 = tpu.memref_slice %arg10[%dma_wait3A_53] : memref<632xf32, #tpu.memory_space<vmem>> -> memref<520xf32, #tpu.memory_space<vmem>>
        %dma_wait3A_55 = arith.constant 9480 : i32
        %dma_wait3A_56 = tpu.memref_slice %arg4[%dma_wait3A_55] : memref<10000xf32, #tpu.memory_space<hbm>> -> memref<520xf32, #tpu.memory_space<hbm>>
        tpu.wait_dma2 semaphore(%run_scoped3A : memref<!tpu.dma_semaphore, #tpu.memory_space<semaphore_mem>>) src(%dma_wait3A_56 : memref<520xf32, #tpu.memory_space<hbm>>) dst(%dma_wait3A_54 : memref<520xf32, #tpu.memory_space<vmem>>)
        tpu.yield
      }) : () -> ()
      "tpu.region"() ({
        %run_scoped3A = tpu.sem_alloc : memref<!tpu.dma_semaphore, #tpu.memory_space<semaphore_mem>>
        %dma_start3A_41 = arith.constant 0 : i32
        %dma_start3A_42 = tpu.memref_slice %arg10[%dma_start3A_41] : memref<632xf32, #tpu.memory_space<vmem>> -> memref<520xf32, #tpu.memory_space<vmem>>
        %dma_start3A_43 = arith.constant 9480 : i32
        %dma_start3A_44 = tpu.memref_slice %arg11[%dma_start3A_43] : memref<10000xf32, #tpu.memory_space<vmem_shared>> -> memref<520xf32, #tpu.memory_space<vmem_shared>>
        %dma_start3A_45 = arith.constant 9480 : i32
        %dma_start3A_46 = tpu.memref_slice %arg11[%dma_start3A_45] : memref<10000xf32, #tpu.memory_space<vmem_shared>> -> memref<520xf32, #tpu.memory_space<vmem_shared>>
        %dma_start3A_47 = arith.constant 0 : i32
        %dma_start3A_48 = tpu.memref_slice %arg10[%dma_start3A_47] : memref<632xf32, #tpu.memory_space<vmem>> -> memref<520xf32, #tpu.memory_space<vmem>>
        tpu.enqueue_dma source(%dma_start3A_48 : memref<520xf32, #tpu.memory_space<vmem>>) target(%dma_start3A_46 : memref<520xf32, #tpu.memory_space<vmem_shared>>) target_semaphore(%run_scoped3A : memref<!tpu.dma_semaphore, #tpu.memory_space<semaphore_mem>>)
        %dma_wait3A_49 = arith.constant 0 : i32
        %dma_wait3A_50 = tpu.memref_slice %arg10[%dma_wait3A_49] : memref<632xf32, #tpu.memory_space<vmem>> -> memref<520xf32, #tpu.memory_space<vmem>>
        %dma_wait3A_51 = arith.constant 9480 : i32
        %dma_wait3A_52 = tpu.memref_slice %arg11[%dma_wait3A_51] : memref<10000xf32, #tpu.memory_space<vmem_shared>> -> memref<520xf32, #tpu.memory_space<vmem_shared>>
        %dma_wait3A_53 = arith.constant 9480 : i32
        %dma_wait3A_54 = tpu.memref_slice %arg11[%dma_wait3A_53] : memref<10000xf32, #tpu.memory_space<vmem_shared>> -> memref<520xf32, #tpu.memory_space<vmem_shared>>
        %dma_wait3A_55 = arith.constant 0 : i32
        %dma_wait3A_56 = tpu.memref_slice %arg10[%dma_wait3A_55] : memref<632xf32, #tpu.memory_space<vmem>> -> memref<520xf32, #tpu.memory_space<vmem>>
        tpu.wait_dma2 semaphore(%run_scoped3A : memref<!tpu.dma_semaphore, #tpu.memory_space<semaphore_mem>>) src(%dma_wait3A_56 : memref<520xf32, #tpu.memory_space<vmem>>) dst(%dma_wait3A_54 : memref<520xf32, #tpu.memory_space<vmem_shared>>)
        tpu.yield
      }) : () -> ()
    } else {
    }
    %barrier3A = arith.constant 0 : index
    tpu.barrier barrier_id(%barrier3A)
    %add3A_9 = arith.constant 0 : i32
    %add3A_10 = arith.addi %mul3A_2, %add3A_9 : i32
    %dma_start3A = tpu.memref_slice %arg2[%add3A_10] : memref<320000xi32, #tpu.memory_space<hbm>> -> memref<128xi32, #tpu.memory_space<hbm>>
    %dma_start3A_11 = tpu.memref_slice %arg2[%add3A_10] : memref<320000xi32, #tpu.memory_space<hbm>> -> memref<128xi32, #tpu.memory_space<hbm>>
    tpu.enqueue_dma source(%dma_start3A_11 : memref<128xi32, #tpu.memory_space<hbm>>) target(%arg6 : memref<128xi32, #tpu.memory_space<vmem>>) target_semaphore(%arg12 : memref<!tpu.dma_semaphore, #tpu.memory_space<semaphore_mem>>)
    %scan3A = arith.constant 0 : i32
    %scan3A_12 = arith.constant 0 : i32
    %scan3A_13 = arith.constant 38 : i32
    %scan3A_14 = arith.addi %scan3A_12, %scan3A_13 : i32
    %scan3A_15 = arith.constant 1 : i32
    scf.for %scan3A_41 = %scan3A_12 to %scan3A_14 step %scan3A_15  : i32 {
      %mul3A_42 = arith.constant 2 : i32
      %mul3A_43 = arith.muli %mul3A_42, %scan3A_41 : i32
      %add3A_44 = arith.constant 1 : i32
      %add3A_45 = arith.addi %mul3A_43, %add3A_44 : i32
      %mul3A_46 = arith.constant 128 : i32
      %mul3A_47 = arith.muli %add3A_45, %mul3A_46 : i32
      %add3A_48 = arith.addi %mul3A_2, %mul3A_47 : i32
      %dma_start3A_49 = tpu.memref_slice %arg2[%add3A_48] : memref<320000xi32, #tpu.memory_space<hbm>> -> memref<128xi32, #tpu.memory_space<hbm>>
      %dma_start3A_50 = tpu.memref_slice %arg2[%add3A_48] : memref<320000xi32, #tpu.memory_space<hbm>> -> memref<128xi32, #tpu.memory_space<hbm>>
      tpu.enqueue_dma source(%dma_start3A_50 : memref<128xi32, #tpu.memory_space<hbm>>) target(%arg7 : memref<128xi32, #tpu.memory_space<vmem>>) target_semaphore(%arg13 : memref<!tpu.dma_semaphore, #tpu.memory_space<semaphore_mem>>)
      %dma_wait3A_51 = tpu.memref_slice %arg2[%mul3A_2] : memref<320000xi32, #tpu.memory_space<hbm>> -> memref<128xi32, #tpu.memory_space<hbm>>
      %dma_wait3A_52 = tpu.memref_slice %arg2[%mul3A_2] : memref<320000xi32, #tpu.memory_space<hbm>> -> memref<128xi32, #tpu.memory_space<hbm>>
      tpu.wait_dma2 semaphore(%arg12 : memref<!tpu.dma_semaphore, #tpu.memory_space<semaphore_mem>>) src(%dma_wait3A_52 : memref<128xi32, #tpu.memory_space<hbm>>) dst(%arg6 : memref<128xi32, #tpu.memory_space<vmem>>)
      "tpu.region"() ({
        %run_scoped3A = tpu.sem_alloc : memref<!tpu.dma_semaphore, #tpu.memory_space<semaphore_mem>>
        %dma_start3A_64 = arith.constant 0 : i32
        %dma_start3A_65 = tpu.memref_slice %arg11[%dma_start3A_64] : memref<10000xf32, #tpu.memory_space<vmem_shared>> -> memref<10000xf32, #tpu.memory_space<vmem_shared>>
        tpu.enqueue_indirect_dma source(%arg9 : memref<128xf32, #tpu.memory_space<vmem>>) target(%dma_start3A_65 : memref<10000xf32, #tpu.memory_space<vmem_shared>>) offsets(%arg6 : memref<128xi32, #tpu.memory_space<vmem>>) semaphore(%run_scoped3A : memref<!tpu.dma_semaphore, #tpu.memory_space<semaphore_mem>>) {add = true}
        %dma_wait3A_66 = arith.constant 0 : i32
        %dma_wait3A_67 = tpu.memref_slice %arg11[%dma_wait3A_66] : memref<10000xf32, #tpu.memory_space<vmem_shared>> -> memref<10000xf32, #tpu.memory_space<vmem_shared>>
        tpu.wait_indirect_dma semaphore(%run_scoped3A : memref<!tpu.dma_semaphore, #tpu.memory_space<semaphore_mem>>) src(%arg9 : memref<128xf32, #tpu.memory_space<vmem>>) dst(%dma_wait3A_67 : memref<10000xf32, #tpu.memory_space<vmem_shared>>)
        tpu.yield
      }) : () -> ()
      %mul3A_53 = arith.constant 2 : i32
      %mul3A_54 = arith.muli %mul3A_53, %scan3A_41 : i32
      %add3A_55 = arith.constant 2 : i32
      %add3A_56 = arith.addi %mul3A_54, %add3A_55 : i32
      %mul3A_57 = arith.constant 128 : i32
      %mul3A_58 = arith.muli %add3A_56, %mul3A_57 : i32
      %add3A_59 = arith.addi %mul3A_2, %mul3A_58 : i32
      %dma_start3A_60 = tpu.memref_slice %arg2[%add3A_59] : memref<320000xi32, #tpu.memory_space<hbm>> -> memref<128xi32, #tpu.memory_space<hbm>>
      %dma_start3A_61 = tpu.memref_slice %arg2[%add3A_59] : memref<320000xi32, #tpu.memory_space<hbm>> -> memref<128xi32, #tpu.memory_space<hbm>>
      tpu.enqueue_dma source(%dma_start3A_61 : memref<128xi32, #tpu.memory_space<hbm>>) target(%arg6 : memref<128xi32, #tpu.memory_space<vmem>>) target_semaphore(%arg12 : memref<!tpu.dma_semaphore, #tpu.memory_space<semaphore_mem>>)
      %dma_wait3A_62 = tpu.memref_slice %arg2[%mul3A_2] : memref<320000xi32, #tpu.memory_space<hbm>> -> memref<128xi32, #tpu.memory_space<hbm>>
      %dma_wait3A_63 = tpu.memref_slice %arg2[%mul3A_2] : memref<320000xi32, #tpu.memory_space<hbm>> -> memref<128xi32, #tpu.memory_space<hbm>>
      tpu.wait_dma2 semaphore(%arg13 : memref<!tpu.dma_semaphore, #tpu.memory_space<semaphore_mem>>) src(%dma_wait3A_63 : memref<128xi32, #tpu.memory_space<hbm>>) dst(%arg7 : memref<128xi32, #tpu.memory_space<vmem>>)
      "tpu.region"() ({
        %run_scoped3A = tpu.sem_alloc : memref<!tpu.dma_semaphore, #tpu.memory_space<semaphore_mem>>
        %dma_start3A_64 = arith.constant 0 : i32
        %dma_start3A_65 = tpu.memref_slice %arg11[%dma_start3A_64] : memref<10000xf32, #tpu.memory_space<vmem_shared>> -> memref<10000xf32, #tpu.memory_space<vmem_shared>>
        tpu.enqueue_indirect_dma source(%arg9 : memref<128xf32, #tpu.memory_space<vmem>>) target(%dma_start3A_65 : memref<10000xf32, #tpu.memory_space<vmem_shared>>) offsets(%arg7 : memref<128xi32, #tpu.memory_space<vmem>>) semaphore(%run_scoped3A : memref<!tpu.dma_semaphore, #tpu.memory_space<semaphore_mem>>) {add = true}
        %dma_wait3A_66 = arith.constant 0 : i32
        %dma_wait3A_67 = tpu.memref_slice %arg11[%dma_wait3A_66] : memref<10000xf32, #tpu.memory_space<vmem_shared>> -> memref<10000xf32, #tpu.memory_space<vmem_shared>>
        tpu.wait_indirect_dma semaphore(%run_scoped3A : memref<!tpu.dma_semaphore, #tpu.memory_space<semaphore_mem>>) src(%arg9 : memref<128xf32, #tpu.memory_space<vmem>>) dst(%dma_wait3A_67 : memref<10000xf32, #tpu.memory_space<vmem_shared>>)
        tpu.yield
      }) : () -> ()
    }
    %scan3A_16 = arith.constant 38 : i32
    %add3A_17 = arith.constant 9856 : i32
    %add3A_18 = arith.addi %mul3A_2, %add3A_17 : i32
    %dma_start3A_19 = tpu.memref_slice %arg2[%add3A_18] : memref<320000xi32, #tpu.memory_space<hbm>> -> memref<128xi32, #tpu.memory_space<hbm>>
    %dma_start3A_20 = tpu.memref_slice %arg2[%add3A_18] : memref<320000xi32, #tpu.memory_space<hbm>> -> memref<128xi32, #tpu.memory_space<hbm>>
    tpu.enqueue_dma source(%dma_start3A_20 : memref<128xi32, #tpu.memory_space<hbm>>) target(%arg7 : memref<128xi32, #tpu.memory_space<vmem>>) target_semaphore(%arg13 : memref<!tpu.dma_semaphore, #tpu.memory_space<semaphore_mem>>)
    %dma_wait3A = tpu.memref_slice %arg2[%mul3A_2] : memref<320000xi32, #tpu.memory_space<hbm>> -> memref<128xi32, #tpu.memory_space<hbm>>
    %dma_wait3A_21 = tpu.memref_slice %arg2[%mul3A_2] : memref<320000xi32, #tpu.memory_space<hbm>> -> memref<128xi32, #tpu.memory_space<hbm>>
    tpu.wait_dma2 semaphore(%arg12 : memref<!tpu.dma_semaphore, #tpu.memory_space<semaphore_mem>>) src(%dma_wait3A_21 : memref<128xi32, #tpu.memory_space<hbm>>) dst(%arg6 : memref<128xi32, #tpu.memory_space<vmem>>)
    "tpu.region"() ({
      %run_scoped3A = tpu.sem_alloc : memref<!tpu.dma_semaphore, #tpu.memory_space<semaphore_mem>>
      %dma_start3A_41 = arith.constant 0 : i32
      %dma_start3A_42 = tpu.memref_slice %arg11[%dma_start3A_41] : memref<10000xf32, #tpu.memory_space<vmem_shared>> -> memref<10000xf32, #tpu.memory_space<vmem_shared>>
      tpu.enqueue_indirect_dma source(%arg9 : memref<128xf32, #tpu.memory_space<vmem>>) target(%dma_start3A_42 : memref<10000xf32, #tpu.memory_space<vmem_shared>>) offsets(%arg6 : memref<128xi32, #tpu.memory_space<vmem>>) semaphore(%run_scoped3A : memref<!tpu.dma_semaphore, #tpu.memory_space<semaphore_mem>>) {add = true}
      %dma_wait3A_43 = arith.constant 0 : i32
      %dma_wait3A_44 = tpu.memref_slice %arg11[%dma_wait3A_43] : memref<10000xf32, #tpu.memory_space<vmem_shared>> -> memref<10000xf32, #tpu.memory_space<vmem_shared>>
      tpu.wait_indirect_dma semaphore(%run_scoped3A : memref<!tpu.dma_semaphore, #tpu.memory_space<semaphore_mem>>) src(%arg9 : memref<128xf32, #tpu.memory_space<vmem>>) dst(%dma_wait3A_44 : memref<10000xf32, #tpu.memory_space<vmem_shared>>)
      tpu.yield
    }) : () -> ()
    %dma_wait3A_22 = tpu.memref_slice %arg2[%mul3A_2] : memref<320000xi32, #tpu.memory_space<hbm>> -> memref<128xi32, #tpu.memory_space<hbm>>
    %dma_wait3A_23 = tpu.memref_slice %arg2[%mul3A_2] : memref<320000xi32, #tpu.memory_space<hbm>> -> memref<128xi32, #tpu.memory_space<hbm>>
    tpu.wait_dma2 semaphore(%arg13 : memref<!tpu.dma_semaphore, #tpu.memory_space<semaphore_mem>>) src(%dma_wait3A_23 : memref<128xi32, #tpu.memory_space<hbm>>) dst(%arg7 : memref<128xi32, #tpu.memory_space<vmem>>)
    "tpu.region"() ({
      %run_scoped3A = tpu.sem_alloc : memref<!tpu.dma_semaphore, #tpu.memory_space<semaphore_mem>>
      %dma_start3A_41 = arith.constant 0 : i32
      %dma_start3A_42 = tpu.memref_slice %arg11[%dma_start3A_41] : memref<10000xf32, #tpu.memory_space<vmem_shared>> -> memref<10000xf32, #tpu.memory_space<vmem_shared>>
      tpu.enqueue_indirect_dma source(%arg9 : memref<128xf32, #tpu.memory_space<vmem>>) target(%dma_start3A_42 : memref<10000xf32, #tpu.memory_space<vmem_shared>>) offsets(%arg7 : memref<128xi32, #tpu.memory_space<vmem>>) semaphore(%run_scoped3A : memref<!tpu.dma_semaphore, #tpu.memory_space<semaphore_mem>>) {add = true}
      %dma_wait3A_43 = arith.constant 0 : i32
      %dma_wait3A_44 = tpu.memref_slice %arg11[%dma_wait3A_43] : memref<10000xf32, #tpu.memory_space<vmem_shared>> -> memref<10000xf32, #tpu.memory_space<vmem_shared>>
      tpu.wait_indirect_dma semaphore(%run_scoped3A : memref<!tpu.dma_semaphore, #tpu.memory_space<semaphore_mem>>) src(%arg9 : memref<128xf32, #tpu.memory_space<vmem>>) dst(%dma_wait3A_44 : memref<10000xf32, #tpu.memory_space<vmem_shared>>)
      tpu.yield
    }) : () -> ()
    %add3A_24 = arith.constant 9984 : i32
    %add3A_25 = arith.addi %mul3A_2, %add3A_24 : i32
    %dma_start3A_26 = tpu.memref_slice %arg2[%add3A_25] : memref<320000xi32, #tpu.memory_space<hbm>> -> memref<16xi32, #tpu.memory_space<hbm>>
    %dma_start3A_27 = tpu.memref_slice %arg2[%add3A_25] : memref<320000xi32, #tpu.memory_space<hbm>> -> memref<16xi32, #tpu.memory_space<hbm>>
    tpu.enqueue_dma source(%dma_start3A_27 : memref<16xi32, #tpu.memory_space<hbm>>) target(%arg8 : memref<16xi32, #tpu.memory_space<vmem>>) target_semaphore(%arg12 : memref<!tpu.dma_semaphore, #tpu.memory_space<semaphore_mem>>)
    %dma_wait3A_28 = tpu.memref_slice %arg2[%mul3A_2] : memref<320000xi32, #tpu.memory_space<hbm>> -> memref<16xi32, #tpu.memory_space<hbm>>
    %dma_wait3A_29 = tpu.memref_slice %arg2[%mul3A_2] : memref<320000xi32, #tpu.memory_space<hbm>> -> memref<16xi32, #tpu.memory_space<hbm>>
    tpu.wait_dma2 semaphore(%arg12 : memref<!tpu.dma_semaphore, #tpu.memory_space<semaphore_mem>>) src(%dma_wait3A_29 : memref<16xi32, #tpu.memory_space<hbm>>) dst(%arg8 : memref<16xi32, #tpu.memory_space<vmem>>)
    "tpu.region"() ({
      %run_scoped3A = tpu.sem_alloc : memref<!tpu.dma_semaphore, #tpu.memory_space<semaphore_mem>>
      %dma_start3A_41 = arith.constant 0 : i32
      %dma_start3A_42 = tpu.memref_slice %arg9[%dma_start3A_41] : memref<128xf32, #tpu.memory_space<vmem>> -> memref<16xf32, #tpu.memory_space<vmem>>
      %dma_start3A_43 = arith.constant 0 : i32
      %dma_start3A_44 = tpu.memref_slice %arg11[%dma_start3A_43] : memref<10000xf32, #tpu.memory_space<vmem_shared>> -> memref<10000xf32, #tpu.memory_space<vmem_shared>>
      tpu.enqueue_indirect_dma source(%dma_start3A_42 : memref<16xf32, #tpu.memory_space<vmem>>) target(%dma_start3A_44 : memref<10000xf32, #tpu.memory_space<vmem_shared>>) offsets(%arg8 : memref<16xi32, #tpu.memory_space<vmem>>) semaphore(%run_scoped3A : memref<!tpu.dma_semaphore, #tpu.memory_space<semaphore_mem>>) {add = true}
      %dma_wait3A_45 = arith.constant 0 : i32
      %dma_wait3A_46 = tpu.memref_slice %arg9[%dma_wait3A_45] : memref<128xf32, #tpu.memory_space<vmem>> -> memref<16xf32, #tpu.memory_space<vmem>>
      %dma_wait3A_47 = arith.constant 0 : i32
      %dma_wait3A_48 = tpu.memref_slice %arg11[%dma_wait3A_47] : memref<10000xf32, #tpu.memory_space<vmem_shared>> -> memref<10000xf32, #tpu.memory_space<vmem_shared>>
      tpu.wait_indirect_dma semaphore(%run_scoped3A : memref<!tpu.dma_semaphore, #tpu.memory_space<semaphore_mem>>) src(%dma_wait3A_46 : memref<16xf32, #tpu.memory_space<vmem>>) dst(%dma_wait3A_48 : memref<10000xf32, #tpu.memory_space<vmem_shared>>)
      tpu.yield
    }) : () -> ()
    %barrier3A_30 = arith.constant 0 : index
    tpu.barrier barrier_id(%barrier3A_30)
    %lt3A_31 = arith.constant 15 : i32
    %lt3A_32 = arith.cmpi slt, %arg1, %lt3A_31 : i32
    %convert_element_type3A_33 = arith.extui %lt3A_32 : i1 to i32
    %cond3A_34 = arith.constant 0 : i32
    %cond3A_35 = arith.cmpi ne, %convert_element_type3A_33, %cond3A_34 : i32
    scf.if %cond3A_35 {
      %mul3A_41 = arith.constant 632 : i32
      %mul3A_42 = arith.muli %arg1, %mul3A_41 : i32
      "tpu.region"() ({
        %run_scoped3A = tpu.sem_alloc : memref<!tpu.dma_semaphore, #tpu.memory_space<semaphore_mem>>
        %dma_start3A_46 = arith.constant 0 : i32
        %dma_start3A_47 = tpu.memref_slice %arg10[%dma_start3A_46] : memref<632xf32, #tpu.memory_space<vmem>> -> memref<632xf32, #tpu.memory_space<vmem>>
        %dma_start3A_48 = tpu.memref_slice %arg11[%mul3A_42] : memref<10000xf32, #tpu.memory_space<vmem_shared>> -> memref<632xf32, #tpu.memory_space<vmem_shared>>
        %dma_start3A_49 = arith.constant 0 : i32
        %dma_start3A_50 = tpu.memref_slice %arg10[%dma_start3A_49] : memref<632xf32, #tpu.memory_space<vmem>> -> memref<632xf32, #tpu.memory_space<vmem>>
        %dma_start3A_51 = tpu.memref_slice %arg11[%mul3A_42] : memref<10000xf32, #tpu.memory_space<vmem_shared>> -> memref<632xf32, #tpu.memory_space<vmem_shared>>
        tpu.enqueue_dma source(%dma_start3A_51 : memref<632xf32, #tpu.memory_space<vmem_shared>>) target(%dma_start3A_50 : memref<632xf32, #tpu.memory_space<vmem>>) target_semaphore(%run_scoped3A : memref<!tpu.dma_semaphore, #tpu.memory_space<semaphore_mem>>)
        %dma_wait3A_52 = arith.constant 0 : i32
        %dma_wait3A_53 = tpu.memref_slice %arg10[%dma_wait3A_52] : memref<632xf32, #tpu.memory_space<vmem>> -> memref<632xf32, #tpu.memory_space<vmem>>
        %dma_wait3A_54 = tpu.memref_slice %arg11[%mul3A_42] : memref<10000xf32, #tpu.memory_space<vmem_shared>> -> memref<632xf32, #tpu.memory_space<vmem_shared>>
        %dma_wait3A_55 = arith.constant 0 : i32
        %dma_wait3A_56 = tpu.memref_slice %arg10[%dma_wait3A_55] : memref<632xf32, #tpu.memory_space<vmem>> -> memref<632xf32, #tpu.memory_space<vmem>>
        %dma_wait3A_57 = tpu.memref_slice %arg11[%mul3A_42] : memref<10000xf32, #tpu.memory_space<vmem_shared>> -> memref<632xf32, #tpu.memory_space<vmem_shared>>
        tpu.wait_dma2 semaphore(%run_scoped3A : memref<!tpu.dma_semaphore, #tpu.memory_space<semaphore_mem>>) src(%dma_wait3A_57 : memref<632xf32, #tpu.memory_space<vmem_shared>>) dst(%dma_wait3A_56 : memref<632xf32, #tpu.memory_space<vmem>>)
        tpu.yield
      }) : () -> ()
      %mul3A_43 = arith.constant 10000 : i32
      %mul3A_44 = arith.muli %arg0, %mul3A_43 : i32
      %add3A_45 = arith.addi %mul3A_44, %mul3A_42 : i32
      "tpu.region"() ({
        %run_scoped3A = tpu.sem_alloc : memref<!tpu.dma_semaphore, #tpu.memory_space<semaphore_mem>>
        %dma_start3A_46 = arith.constant 0 : i32
        %dma_start3A_47 = tpu.memref_slice %arg10[%dma_start3A_46] : memref<632xf32, #tpu.memory_space<vmem>> -> memref<632xf32, #tpu.memory_space<vmem>>
        %dma_start3A_48 = tpu.memref_slice %arg5[%add3A_45] : memref<20000xf32, #tpu.memory_space<hbm>> -> memref<632xf32, #tpu.memory_space<hbm>>
        %dma_start3A_49 = tpu.memref_slice %arg5[%add3A_45] : memref<20000xf32, #tpu.memory_space<hbm>> -> memref<632xf32, #tpu.memory_space<hbm>>
        %dma_start3A_50 = arith.constant 0 : i32
        %dma_start3A_51 = tpu.memref_slice %arg10[%dma_start3A_50] : memref<632xf32, #tpu.memory_space<vmem>> -> memref<632xf32, #tpu.memory_space<vmem>>
        tpu.enqueue_dma source(%dma_start3A_51 : memref<632xf32, #tpu.memory_space<vmem>>) target(%dma_start3A_49 : memref<632xf32, #tpu.memory_space<hbm>>) target_semaphore(%run_scoped3A : memref<!tpu.dma_semaphore, #tpu.memory_space<semaphore_mem>>)
        %dma_wait3A_52 = arith.constant 0 : i32
        %dma_wait3A_53 = tpu.memref_slice %arg10[%dma_wait3A_52] : memref<632xf32, #tpu.memory_space<vmem>> -> memref<632xf32, #tpu.memory_space<vmem>>
        %dma_wait3A_54 = tpu.memref_slice %arg5[%add3A_45] : memref<20000xf32, #tpu.memory_space<hbm>> -> memref<632xf32, #tpu.memory_space<hbm>>
        %dma_wait3A_55 = tpu.memref_slice %arg5[%add3A_45] : memref<20000xf32, #tpu.memory_space<hbm>> -> memref<632xf32, #tpu.memory_space<hbm>>
        %dma_wait3A_56 = arith.constant 0 : i32
        %dma_wait3A_57 = tpu.memref_slice %arg10[%dma_wait3A_56] : memref<632xf32, #tpu.memory_space<vmem>> -> memref<632xf32, #tpu.memory_space<vmem>>
        tpu.wait_dma2 semaphore(%run_scoped3A : memref<!tpu.dma_semaphore, #tpu.memory_space<semaphore_mem>>) src(%dma_wait3A_57 : memref<632xf32, #tpu.memory_space<vmem>>) dst(%dma_wait3A_55 : memref<632xf32, #tpu.memory_space<hbm>>)
        tpu.yield
      }) : () -> ()
    } else {
    }
    %eq3A_36 = arith.constant 15 : i32
    %eq3A_37 = arith.cmpi eq, %arg1, %eq3A_36 : i32
    %convert_element_type3A_38 = arith.extui %eq3A_37 : i1 to i32
    %cond3A_39 = arith.constant 0 : i32
    %cond3A_40 = arith.cmpi ne, %convert_element_type3A_38, %cond3A_39 : i32
    scf.if %cond3A_40 {
      "tpu.region"() ({
        %run_scoped3A = tpu.sem_alloc : memref<!tpu.dma_semaphore, #tpu.memory_space<semaphore_mem>>
        %dma_start3A_45 = arith.constant 0 : i32
        %dma_start3A_46 = tpu.memref_slice %arg10[%dma_start3A_45] : memref<632xf32, #tpu.memory_space<vmem>> -> memref<520xf32, #tpu.memory_space<vmem>>
        %dma_start3A_47 = arith.constant 9480 : i32
        %dma_start3A_48 = tpu.memref_slice %arg11[%dma_start3A_47] : memref<10000xf32, #tpu.memory_space<vmem_shared>> -> memref<520xf32, #tpu.memory_space<vmem_shared>>
        %dma_start3A_49 = arith.constant 0 : i32
        %dma_start3A_50 = tpu.memref_slice %arg10[%dma_start3A_49] : memref<632xf32, #tpu.memory_space<vmem>> -> memref<520xf32, #tpu.memory_space<vmem>>
        %dma_start3A_51 = arith.constant 9480 : i32
        %dma_start3A_52 = tpu.memref_slice %arg11[%dma_start3A_51] : memref<10000xf32, #tpu.memory_space<vmem_shared>> -> memref<520xf32, #tpu.memory_space<vmem_shared>>
        tpu.enqueue_dma source(%dma_start3A_52 : memref<520xf32, #tpu.memory_space<vmem_shared>>) target(%dma_start3A_50 : memref<520xf32, #tpu.memory_space<vmem>>) target_semaphore(%run_scoped3A : memref<!tpu.dma_semaphore, #tpu.memory_space<semaphore_mem>>)
        %dma_wait3A_53 = arith.constant 0 : i32
        %dma_wait3A_54 = tpu.memref_slice %arg10[%dma_wait3A_53] : memref<632xf32, #tpu.memory_space<vmem>> -> memref<520xf32, #tpu.memory_space<vmem>>
        %dma_wait3A_55 = arith.constant 9480 : i32
        %dma_wait3A_56 = tpu.memref_slice %arg11[%dma_wait3A_55] : memref<10000xf32, #tpu.memory_space<vmem_shared>> -> memref<520xf32, #tpu.memory_space<vmem_shared>>
        %dma_wait3A_57 = arith.constant 0 : i32
        %dma_wait3A_58 = tpu.memref_slice %arg10[%dma_wait3A_57] : memref<632xf32, #tpu.memory_space<vmem>> -> memref<520xf32, #tpu.memory_space<vmem>>
        %dma_wait3A_59 = arith.constant 9480 : i32
        %dma_wait3A_60 = tpu.memref_slice %arg11[%dma_wait3A_59] : memref<10000xf32, #tpu.memory_space<vmem_shared>> -> memref<520xf32, #tpu.memory_space<vmem_shared>>
        tpu.wait_dma2 semaphore(%run_scoped3A : memref<!tpu.dma_semaphore, #tpu.memory_space<semaphore_mem>>) src(%dma_wait3A_60 : memref<520xf32, #tpu.memory_space<vmem_shared>>) dst(%dma_wait3A_58 : memref<520xf32, #tpu.memory_space<vmem>>)
        tpu.yield
      }) : () -> ()
      %mul3A_41 = arith.constant 10000 : i32
      %mul3A_42 = arith.muli %arg0, %mul3A_41 : i32
      %add3A_43 = arith.constant 9480 : i32
      %add3A_44 = arith.addi %mul3A_42, %add3A_43 : i32
      "tpu.region"() ({
        %run_scoped3A = tpu.sem_alloc : memref<!tpu.dma_semaphore, #tpu.memory_space<semaphore_mem>>
        %dma_start3A_45 = arith.constant 0 : i32
        %dma_start3A_46 = tpu.memref_slice %arg10[%dma_start3A_45] : memref<632xf32, #tpu.memory_space<vmem>> -> memref<520xf32, #tpu.memory_space<vmem>>
        %dma_start3A_47 = tpu.memref_slice %arg5[%add3A_44] : memref<20000xf32, #tpu.memory_space<hbm>> -> memref<520xf32, #tpu.memory_space<hbm>>
        %dma_start3A_48 = tpu.memref_slice %arg5[%add3A_44] : memref<20000xf32, #tpu.memory_space<hbm>> -> memref<520xf32, #tpu.memory_space<hbm>>
        %dma_start3A_49 = arith.constant 0 : i32
        %dma_start3A_50 = tpu.memref_slice %arg10[%dma_start3A_49] : memref<632xf32, #tpu.memory_space<vmem>> -> memref<520xf32, #tpu.memory_space<vmem>>
        tpu.enqueue_dma source(%dma_start3A_50 : memref<520xf32, #tpu.memory_space<vmem>>) target(%dma_start3A_48 : memref<520xf32, #tpu.memory_space<hbm>>) target_semaphore(%run_scoped3A : memref<!tpu.dma_semaphore, #tpu.memory_space<semaphore_mem>>)
        %dma_wait3A_51 = arith.constant 0 : i32
        %dma_wait3A_52 = tpu.memref_slice %arg10[%dma_wait3A_51] : memref<632xf32, #tpu.memory_space<vmem>> -> memref<520xf32, #tpu.memory_space<vmem>>
        %dma_wait3A_53 = tpu.memref_slice %arg5[%add3A_44] : memref<20000xf32, #tpu.memory_space<hbm>> -> memref<520xf32, #tpu.memory_space<hbm>>
        %dma_wait3A_54 = tpu.memref_slice %arg5[%add3A_44] : memref<20000xf32, #tpu.memory_space<hbm>> -> memref<520xf32, #tpu.memory_space<hbm>>
        %dma_wait3A_55 = arith.constant 0 : i32
        %dma_wait3A_56 = tpu.memref_slice %arg10[%dma_wait3A_55] : memref<632xf32, #tpu.memory_space<vmem>> -> memref<520xf32, #tpu.memory_space<vmem>>
        tpu.wait_dma2 semaphore(%run_scoped3A : memref<!tpu.dma_semaphore, #tpu.memory_space<semaphore_mem>>) src(%dma_wait3A_56 : memref<520xf32, #tpu.memory_space<vmem>>) dst(%dma_wait3A_54 : memref<520xf32, #tpu.memory_space<hbm>>)
        tpu.yield
      }) : () -> ()
    } else {
    }
    return
  }
}

#map = affine_map<(d0, d1) -> (0, 0)>
#map1 = affine_map<(d0, d1) -> (0)>
module attributes {stable_mosaic.version = 14 : i64} {
  func.func @_msg_body(%arg0: i32, %arg1: i32, %arg2: memref<10000x128xf32, #tpu.memory_space<hbm>>, %arg3: memref<320000xi32, #tpu.memory_space<hbm>>, %arg4: memref<320000xi32, #tpu.memory_space<hbm>>, %arg5: memref<10000x128xf32, #tpu.memory_space<hbm>>, %arg6: memref<20000x128xf32, #tpu.memory_space<hbm>>, %arg7: memref<10000xi32, #tpu.memory_space<vmem>>, %arg8: memref<128xi32, #tpu.memory_space<vmem>>, %arg9: memref<128xi32, #tpu.memory_space<vmem>>, %arg10: memref<16xi32, #tpu.memory_space<vmem>>, %arg11: memref<128x128xf32, #tpu.memory_space<vmem>>, %arg12: memref<128x128xf32, #tpu.memory_space<vmem>>, %arg13: memref<16x128xf32, #tpu.memory_space<vmem>>, %arg14: memref<10000x128xf32, #tpu.memory_space<vmem_shared>>, %arg15: memref<!tpu.dma_semaphore, #tpu.memory_space<semaphore_mem>>, %arg16: memref<!tpu.dma_semaphore, #tpu.memory_space<semaphore_mem>>) attributes {dimension_semantics = [#tpu.dimension_semantics<core_parallel>, #tpu.dimension_semantics<subcore_parallel>], iteration_bounds = array<i64: 2, 16>, scalar_prefetch = 0 : i64, scratch_operands = 10 : i64, tpu.core_type = #tpu.core_type<sc_vector_subcore>, window_params = [{transform_indices = #map}, {transform_indices = #map1}, {transform_indices = #map1}, {transform_indices = #map}, {transform_indices = #map}]} {
    %mul3A = arith.constant 2 : i32
    %mul3A_0 = arith.muli %arg1, %mul3A : i32
    %add3A = arith.addi %mul3A_0, %arg0 : i32
    %mul3A_1 = arith.constant 10000 : i32
    %mul3A_2 = arith.muli %add3A, %mul3A_1 : i32
    "tpu.region"() ({
      %run_scoped3A = tpu.sem_alloc : memref<!tpu.dma_semaphore, #tpu.memory_space<semaphore_mem>>
      %dma_start3A_71 = tpu.memref_slice %arg3[%mul3A_2] : memref<320000xi32, #tpu.memory_space<hbm>> -> memref<10000xi32, #tpu.memory_space<hbm>>
      %dma_start3A_72 = tpu.memref_slice %arg3[%mul3A_2] : memref<320000xi32, #tpu.memory_space<hbm>> -> memref<10000xi32, #tpu.memory_space<hbm>>
      tpu.enqueue_dma source(%dma_start3A_72 : memref<10000xi32, #tpu.memory_space<hbm>>) target(%arg7 : memref<10000xi32, #tpu.memory_space<vmem>>) target_semaphore(%run_scoped3A : memref<!tpu.dma_semaphore, #tpu.memory_space<semaphore_mem>>)
      %dma_wait3A_73 = tpu.memref_slice %arg3[%mul3A_2] : memref<320000xi32, #tpu.memory_space<hbm>> -> memref<10000xi32, #tpu.memory_space<hbm>>
      %dma_wait3A_74 = tpu.memref_slice %arg3[%mul3A_2] : memref<320000xi32, #tpu.memory_space<hbm>> -> memref<10000xi32, #tpu.memory_space<hbm>>
      tpu.wait_dma2 semaphore(%run_scoped3A : memref<!tpu.dma_semaphore, #tpu.memory_space<semaphore_mem>>) src(%dma_wait3A_74 : memref<10000xi32, #tpu.memory_space<hbm>>) dst(%arg7 : memref<10000xi32, #tpu.memory_space<vmem>>)
      tpu.yield
    }) : () -> ()
    %lt3A = arith.constant 15 : i32
    %lt3A_3 = arith.cmpi slt, %arg1, %lt3A : i32
    %convert_element_type3A = arith.extui %lt3A_3 : i1 to i32
    %cond3A = arith.constant 0 : i32
    %cond3A_4 = arith.cmpi ne, %convert_element_type3A, %cond3A : i32
    scf.if %cond3A_4 {
      %mul3A_71 = arith.constant 632 : i32
      %mul3A_72 = arith.muli %arg1, %mul3A_71 : i32
      "tpu.region"() ({
        %run_scoped3A = tpu.sem_alloc : memref<!tpu.dma_semaphore, #tpu.memory_space<semaphore_mem>>
        %dma_start3A_73 = arith.constant 0 : i32
        %dma_start3A_74 = tpu.memref_slice %arg14[%mul3A_72, %dma_start3A_73] : memref<10000x128xf32, #tpu.memory_space<vmem_shared>> -> memref<632x128xf32, #tpu.memory_space<vmem_shared>>
        %dma_start3A_75 = arith.constant 0 : i32
        %dma_start3A_76 = tpu.memref_slice %arg5[%mul3A_72, %dma_start3A_75] : memref<10000x128xf32, #tpu.memory_space<hbm>> -> memref<632x128xf32, #tpu.memory_space<hbm>>
        tpu.enqueue_dma source(%dma_start3A_76 : memref<632x128xf32, #tpu.memory_space<hbm>>) target(%dma_start3A_74 : memref<632x128xf32, #tpu.memory_space<vmem_shared>>) target_semaphore(%run_scoped3A : memref<!tpu.dma_semaphore, #tpu.memory_space<semaphore_mem>>)
        %dma_wait3A_77 = arith.constant 0 : i32
        %dma_wait3A_78 = tpu.memref_slice %arg14[%mul3A_72, %dma_wait3A_77] : memref<10000x128xf32, #tpu.memory_space<vmem_shared>> -> memref<632x128xf32, #tpu.memory_space<vmem_shared>>
        %dma_wait3A_79 = arith.constant 0 : i32
        %dma_wait3A_80 = tpu.memref_slice %arg5[%mul3A_72, %dma_wait3A_79] : memref<10000x128xf32, #tpu.memory_space<hbm>> -> memref<632x128xf32, #tpu.memory_space<hbm>>
        tpu.wait_dma2 semaphore(%run_scoped3A : memref<!tpu.dma_semaphore, #tpu.memory_space<semaphore_mem>>) src(%dma_wait3A_80 : memref<632x128xf32, #tpu.memory_space<hbm>>) dst(%dma_wait3A_78 : memref<632x128xf32, #tpu.memory_space<vmem_shared>>)
        tpu.yield
      }) : () -> ()
    } else {
    }
    %eq3A = arith.constant 15 : i32
    %eq3A_5 = arith.cmpi eq, %arg1, %eq3A : i32
    %convert_element_type3A_6 = arith.extui %eq3A_5 : i1 to i32
    %cond3A_7 = arith.constant 0 : i32
    %cond3A_8 = arith.cmpi ne, %convert_element_type3A_6, %cond3A_7 : i32
    scf.if %cond3A_8 {
      "tpu.region"() ({
        %run_scoped3A = tpu.sem_alloc : memref<!tpu.dma_semaphore, #tpu.memory_space<semaphore_mem>>
        %dma_start3A_71 = arith.constant 9480 : i32
        %dma_start3A_72 = arith.constant 0 : i32
        %dma_start3A_73 = tpu.memref_slice %arg14[%dma_start3A_71, %dma_start3A_72] : memref<10000x128xf32, #tpu.memory_space<vmem_shared>> -> memref<520x128xf32, #tpu.memory_space<vmem_shared>>
        %dma_start3A_74 = arith.constant 9480 : i32
        %dma_start3A_75 = arith.constant 0 : i32
        %dma_start3A_76 = tpu.memref_slice %arg5[%dma_start3A_74, %dma_start3A_75] : memref<10000x128xf32, #tpu.memory_space<hbm>> -> memref<520x128xf32, #tpu.memory_space<hbm>>
        tpu.enqueue_dma source(%dma_start3A_76 : memref<520x128xf32, #tpu.memory_space<hbm>>) target(%dma_start3A_73 : memref<520x128xf32, #tpu.memory_space<vmem_shared>>) target_semaphore(%run_scoped3A : memref<!tpu.dma_semaphore, #tpu.memory_space<semaphore_mem>>)
        %dma_wait3A_77 = arith.constant 9480 : i32
        %dma_wait3A_78 = arith.constant 0 : i32
        %dma_wait3A_79 = tpu.memref_slice %arg14[%dma_wait3A_77, %dma_wait3A_78] : memref<10000x128xf32, #tpu.memory_space<vmem_shared>> -> memref<520x128xf32, #tpu.memory_space<vmem_shared>>
        %dma_wait3A_80 = arith.constant 9480 : i32
        %dma_wait3A_81 = arith.constant 0 : i32
        %dma_wait3A_82 = tpu.memref_slice %arg5[%dma_wait3A_80, %dma_wait3A_81] : memref<10000x128xf32, #tpu.memory_space<hbm>> -> memref<520x128xf32, #tpu.memory_space<hbm>>
        tpu.wait_dma2 semaphore(%run_scoped3A : memref<!tpu.dma_semaphore, #tpu.memory_space<semaphore_mem>>) src(%dma_wait3A_82 : memref<520x128xf32, #tpu.memory_space<hbm>>) dst(%dma_wait3A_79 : memref<520x128xf32, #tpu.memory_space<vmem_shared>>)
        tpu.yield
      }) : () -> ()
    } else {
    }
    %barrier3A = arith.constant 0 : index
    tpu.barrier barrier_id(%barrier3A)
    %add3A_9 = arith.constant 0 : i32
    %add3A_10 = arith.addi %mul3A_2, %add3A_9 : i32
    %dma_start3A = tpu.memref_slice %arg4[%add3A_10] : memref<320000xi32, #tpu.memory_space<hbm>> -> memref<128xi32, #tpu.memory_space<hbm>>
    %dma_start3A_11 = tpu.memref_slice %arg4[%add3A_10] : memref<320000xi32, #tpu.memory_space<hbm>> -> memref<128xi32, #tpu.memory_space<hbm>>
    tpu.enqueue_dma source(%dma_start3A_11 : memref<128xi32, #tpu.memory_space<hbm>>) target(%arg8 : memref<128xi32, #tpu.memory_space<vmem>>) target_semaphore(%arg15 : memref<!tpu.dma_semaphore, #tpu.memory_space<semaphore_mem>>)
    %dma_start3A_12 = arith.constant 0 : i32
    %dma_start3A_13 = tpu.memref_slice %arg7[%dma_start3A_12] : memref<10000xi32, #tpu.memory_space<vmem>> -> memref<128xi32, #tpu.memory_space<vmem>>
    %dma_start3A_14 = arith.constant 0 : i32
    %dma_start3A_15 = arith.constant 0 : i32
    %dma_start3A_16 = tpu.memref_slice %arg2[%dma_start3A_14, %dma_start3A_15] : memref<10000x128xf32, #tpu.memory_space<hbm>> -> memref<10000x128xf32, #tpu.memory_space<hbm>>
    tpu.enqueue_indirect_dma source(%dma_start3A_16 : memref<10000x128xf32, #tpu.memory_space<hbm>>) target(%arg11 : memref<128x128xf32, #tpu.memory_space<vmem>>) offsets(%dma_start3A_13 : memref<128xi32, #tpu.memory_space<vmem>>) semaphore(%arg15 : memref<!tpu.dma_semaphore, #tpu.memory_space<semaphore_mem>>)
    %scan3A = arith.constant 0 : i32
    %scan3A_17 = arith.constant 0 : i32
    %scan3A_18 = arith.constant 38 : i32
    %scan3A_19 = arith.addi %scan3A_17, %scan3A_18 : i32
    %scan3A_20 = arith.constant 1 : i32
    scf.for %scan3A_71 = %scan3A_17 to %scan3A_19 step %scan3A_20  : i32 {
      %mul3A_72 = arith.constant 2 : i32
      %mul3A_73 = arith.muli %mul3A_72, %scan3A_71 : i32
      %add3A_74 = arith.constant 1 : i32
      %add3A_75 = arith.addi %mul3A_73, %add3A_74 : i32
      %mul3A_76 = arith.constant 128 : i32
      %mul3A_77 = arith.muli %add3A_75, %mul3A_76 : i32
      %add3A_78 = arith.addi %mul3A_2, %mul3A_77 : i32
      %dma_start3A_79 = tpu.memref_slice %arg4[%add3A_78] : memref<320000xi32, #tpu.memory_space<hbm>> -> memref<128xi32, #tpu.memory_space<hbm>>
      %dma_start3A_80 = tpu.memref_slice %arg4[%add3A_78] : memref<320000xi32, #tpu.memory_space<hbm>> -> memref<128xi32, #tpu.memory_space<hbm>>
      tpu.enqueue_dma source(%dma_start3A_80 : memref<128xi32, #tpu.memory_space<hbm>>) target(%arg9 : memref<128xi32, #tpu.memory_space<vmem>>) target_semaphore(%arg16 : memref<!tpu.dma_semaphore, #tpu.memory_space<semaphore_mem>>)
      %mul3A_81 = arith.constant 128 : i32
      %mul3A_82 = arith.muli %add3A_75, %mul3A_81 : i32
      %dma_start3A_83 = tpu.memref_slice %arg7[%mul3A_82] : memref<10000xi32, #tpu.memory_space<vmem>> -> memref<128xi32, #tpu.memory_space<vmem>>
      %dma_start3A_84 = arith.constant 0 : i32
      %dma_start3A_85 = arith.constant 0 : i32
      %dma_start3A_86 = tpu.memref_slice %arg2[%dma_start3A_84, %dma_start3A_85] : memref<10000x128xf32, #tpu.memory_space<hbm>> -> memref<10000x128xf32, #tpu.memory_space<hbm>>
      tpu.enqueue_indirect_dma source(%dma_start3A_86 : memref<10000x128xf32, #tpu.memory_space<hbm>>) target(%arg12 : memref<128x128xf32, #tpu.memory_space<vmem>>) offsets(%dma_start3A_83 : memref<128xi32, #tpu.memory_space<vmem>>) semaphore(%arg16 : memref<!tpu.dma_semaphore, #tpu.memory_space<semaphore_mem>>)
      %dma_wait3A_87 = tpu.memref_slice %arg4[%mul3A_2] : memref<320000xi32, #tpu.memory_space<hbm>> -> memref<128xi32, #tpu.memory_space<hbm>>
      %dma_wait3A_88 = tpu.memref_slice %arg4[%mul3A_2] : memref<320000xi32, #tpu.memory_space<hbm>> -> memref<128xi32, #tpu.memory_space<hbm>>
      tpu.wait_dma2 semaphore(%arg15 : memref<!tpu.dma_semaphore, #tpu.memory_space<semaphore_mem>>) src(%dma_wait3A_88 : memref<128xi32, #tpu.memory_space<hbm>>) dst(%arg8 : memref<128xi32, #tpu.memory_space<vmem>>)
      %dma_wait3A_89 = arith.constant 0 : i32
      %dma_wait3A_90 = tpu.memref_slice %arg7[%dma_wait3A_89] : memref<10000xi32, #tpu.memory_space<vmem>> -> memref<128xi32, #tpu.memory_space<vmem>>
      %dma_wait3A_91 = arith.constant 0 : i32
      %dma_wait3A_92 = arith.constant 0 : i32
      %dma_wait3A_93 = tpu.memref_slice %arg2[%dma_wait3A_91, %dma_wait3A_92] : memref<10000x128xf32, #tpu.memory_space<hbm>> -> memref<10000x128xf32, #tpu.memory_space<hbm>>
      tpu.wait_indirect_dma semaphore(%arg15 : memref<!tpu.dma_semaphore, #tpu.memory_space<semaphore_mem>>) src(%dma_wait3A_93 : memref<10000x128xf32, #tpu.memory_space<hbm>>) dst(%arg11 : memref<128x128xf32, #tpu.memory_space<vmem>>)
      "tpu.region"() ({
        %run_scoped3A = tpu.sem_alloc : memref<!tpu.dma_semaphore, #tpu.memory_space<semaphore_mem>>
        %dma_start3A_116 = arith.constant 0 : i32
        %dma_start3A_117 = arith.constant 0 : i32
        %dma_start3A_118 = tpu.memref_slice %arg14[%dma_start3A_116, %dma_start3A_117] : memref<10000x128xf32, #tpu.memory_space<vmem_shared>> -> memref<10000x128xf32, #tpu.memory_space<vmem_shared>>
        tpu.enqueue_indirect_dma source(%arg11 : memref<128x128xf32, #tpu.memory_space<vmem>>) target(%dma_start3A_118 : memref<10000x128xf32, #tpu.memory_space<vmem_shared>>) offsets(%arg8 : memref<128xi32, #tpu.memory_space<vmem>>) semaphore(%run_scoped3A : memref<!tpu.dma_semaphore, #tpu.memory_space<semaphore_mem>>) {add = true}
        %dma_wait3A_119 = arith.constant 0 : i32
        %dma_wait3A_120 = arith.constant 0 : i32
        %dma_wait3A_121 = tpu.memref_slice %arg14[%dma_wait3A_119, %dma_wait3A_120] : memref<10000x128xf32, #tpu.memory_space<vmem_shared>> -> memref<10000x128xf32, #tpu.memory_space<vmem_shared>>
        tpu.wait_indirect_dma semaphore(%run_scoped3A : memref<!tpu.dma_semaphore, #tpu.memory_space<semaphore_mem>>) src(%arg11 : memref<128x128xf32, #tpu.memory_space<vmem>>) dst(%dma_wait3A_121 : memref<10000x128xf32, #tpu.memory_space<vmem_shared>>)
        tpu.yield
      }) : () -> ()
      %mul3A_94 = arith.constant 2 : i32
      %mul3A_95 = arith.muli %mul3A_94, %scan3A_71 : i32
      %add3A_96 = arith.constant 2 : i32
      %add3A_97 = arith.addi %mul3A_95, %add3A_96 : i32
      %mul3A_98 = arith.constant 128 : i32
      %mul3A_99 = arith.muli %add3A_97, %mul3A_98 : i32
      %add3A_100 = arith.addi %mul3A_2, %mul3A_99 : i32
      %dma_start3A_101 = tpu.memref_slice %arg4[%add3A_100] : memref<320000xi32, #tpu.memory_space<hbm>> -> memref<128xi32, #tpu.memory_space<hbm>>
      %dma_start3A_102 = tpu.memref_slice %arg4[%add3A_100] : memref<320000xi32, #tpu.memory_space<hbm>> -> memref<128xi32, #tpu.memory_space<hbm>>
      tpu.enqueue_dma source(%dma_start3A_102 : memref<128xi32, #tpu.memory_space<hbm>>) target(%arg8 : memref<128xi32, #tpu.memory_space<vmem>>) target_semaphore(%arg15 : memref<!tpu.dma_semaphore, #tpu.memory_space<semaphore_mem>>)
      %mul3A_103 = arith.constant 128 : i32
      %mul3A_104 = arith.muli %add3A_97, %mul3A_103 : i32
      %dma_start3A_105 = tpu.memref_slice %arg7[%mul3A_104] : memref<10000xi32, #tpu.memory_space<vmem>> -> memref<128xi32, #tpu.memory_space<vmem>>
      %dma_start3A_106 = arith.constant 0 : i32
      %dma_start3A_107 = arith.constant 0 : i32
      %dma_start3A_108 = tpu.memref_slice %arg2[%dma_start3A_106, %dma_start3A_107] : memref<10000x128xf32, #tpu.memory_space<hbm>> -> memref<10000x128xf32, #tpu.memory_space<hbm>>
      tpu.enqueue_indirect_dma source(%dma_start3A_108 : memref<10000x128xf32, #tpu.memory_space<hbm>>) target(%arg11 : memref<128x128xf32, #tpu.memory_space<vmem>>) offsets(%dma_start3A_105 : memref<128xi32, #tpu.memory_space<vmem>>) semaphore(%arg15 : memref<!tpu.dma_semaphore, #tpu.memory_space<semaphore_mem>>)
      %dma_wait3A_109 = tpu.memref_slice %arg4[%mul3A_2] : memref<320000xi32, #tpu.memory_space<hbm>> -> memref<128xi32, #tpu.memory_space<hbm>>
      %dma_wait3A_110 = tpu.memref_slice %arg4[%mul3A_2] : memref<320000xi32, #tpu.memory_space<hbm>> -> memref<128xi32, #tpu.memory_space<hbm>>
      tpu.wait_dma2 semaphore(%arg16 : memref<!tpu.dma_semaphore, #tpu.memory_space<semaphore_mem>>) src(%dma_wait3A_110 : memref<128xi32, #tpu.memory_space<hbm>>) dst(%arg9 : memref<128xi32, #tpu.memory_space<vmem>>)
      %dma_wait3A_111 = arith.constant 0 : i32
      %dma_wait3A_112 = tpu.memref_slice %arg7[%dma_wait3A_111] : memref<10000xi32, #tpu.memory_space<vmem>> -> memref<128xi32, #tpu.memory_space<vmem>>
      %dma_wait3A_113 = arith.constant 0 : i32
      %dma_wait3A_114 = arith.constant 0 : i32
      %dma_wait3A_115 = tpu.memref_slice %arg2[%dma_wait3A_113, %dma_wait3A_114] : memref<10000x128xf32, #tpu.memory_space<hbm>> -> memref<10000x128xf32, #tpu.memory_space<hbm>>
      tpu.wait_indirect_dma semaphore(%arg16 : memref<!tpu.dma_semaphore, #tpu.memory_space<semaphore_mem>>) src(%dma_wait3A_115 : memref<10000x128xf32, #tpu.memory_space<hbm>>) dst(%arg12 : memref<128x128xf32, #tpu.memory_space<vmem>>)
      "tpu.region"() ({
        %run_scoped3A = tpu.sem_alloc : memref<!tpu.dma_semaphore, #tpu.memory_space<semaphore_mem>>
        %dma_start3A_116 = arith.constant 0 : i32
        %dma_start3A_117 = arith.constant 0 : i32
        %dma_start3A_118 = tpu.memref_slice %arg14[%dma_start3A_116, %dma_start3A_117] : memref<10000x128xf32, #tpu.memory_space<vmem_shared>> -> memref<10000x128xf32, #tpu.memory_space<vmem_shared>>
        tpu.enqueue_indirect_dma source(%arg12 : memref<128x128xf32, #tpu.memory_space<vmem>>) target(%dma_start3A_118 : memref<10000x128xf32, #tpu.memory_space<vmem_shared>>) offsets(%arg9 : memref<128xi32, #tpu.memory_space<vmem>>) semaphore(%run_scoped3A : memref<!tpu.dma_semaphore, #tpu.memory_space<semaphore_mem>>) {add = true}
        %dma_wait3A_119 = arith.constant 0 : i32
        %dma_wait3A_120 = arith.constant 0 : i32
        %dma_wait3A_121 = tpu.memref_slice %arg14[%dma_wait3A_119, %dma_wait3A_120] : memref<10000x128xf32, #tpu.memory_space<vmem_shared>> -> memref<10000x128xf32, #tpu.memory_space<vmem_shared>>
        tpu.wait_indirect_dma semaphore(%run_scoped3A : memref<!tpu.dma_semaphore, #tpu.memory_space<semaphore_mem>>) src(%arg12 : memref<128x128xf32, #tpu.memory_space<vmem>>) dst(%dma_wait3A_121 : memref<10000x128xf32, #tpu.memory_space<vmem_shared>>)
        tpu.yield
      }) : () -> ()
    }
    %scan3A_21 = arith.constant 38 : i32
    %add3A_22 = arith.constant 9856 : i32
    %add3A_23 = arith.addi %mul3A_2, %add3A_22 : i32
    %dma_start3A_24 = tpu.memref_slice %arg4[%add3A_23] : memref<320000xi32, #tpu.memory_space<hbm>> -> memref<128xi32, #tpu.memory_space<hbm>>
    %dma_start3A_25 = tpu.memref_slice %arg4[%add3A_23] : memref<320000xi32, #tpu.memory_space<hbm>> -> memref<128xi32, #tpu.memory_space<hbm>>
    tpu.enqueue_dma source(%dma_start3A_25 : memref<128xi32, #tpu.memory_space<hbm>>) target(%arg9 : memref<128xi32, #tpu.memory_space<vmem>>) target_semaphore(%arg16 : memref<!tpu.dma_semaphore, #tpu.memory_space<semaphore_mem>>)
    %dma_start3A_26 = arith.constant 9856 : i32
    %dma_start3A_27 = tpu.memref_slice %arg7[%dma_start3A_26] : memref<10000xi32, #tpu.memory_space<vmem>> -> memref<128xi32, #tpu.memory_space<vmem>>
    %dma_start3A_28 = arith.constant 0 : i32
    %dma_start3A_29 = arith.constant 0 : i32
    %dma_start3A_30 = tpu.memref_slice %arg2[%dma_start3A_28, %dma_start3A_29] : memref<10000x128xf32, #tpu.memory_space<hbm>> -> memref<10000x128xf32, #tpu.memory_space<hbm>>
    tpu.enqueue_indirect_dma source(%dma_start3A_30 : memref<10000x128xf32, #tpu.memory_space<hbm>>) target(%arg12 : memref<128x128xf32, #tpu.memory_space<vmem>>) offsets(%dma_start3A_27 : memref<128xi32, #tpu.memory_space<vmem>>) semaphore(%arg16 : memref<!tpu.dma_semaphore, #tpu.memory_space<semaphore_mem>>)
    %dma_wait3A = tpu.memref_slice %arg4[%mul3A_2] : memref<320000xi32, #tpu.memory_space<hbm>> -> memref<128xi32, #tpu.memory_space<hbm>>
    %dma_wait3A_31 = tpu.memref_slice %arg4[%mul3A_2] : memref<320000xi32, #tpu.memory_space<hbm>> -> memref<128xi32, #tpu.memory_space<hbm>>
    tpu.wait_dma2 semaphore(%arg15 : memref<!tpu.dma_semaphore, #tpu.memory_space<semaphore_mem>>) src(%dma_wait3A_31 : memref<128xi32, #tpu.memory_space<hbm>>) dst(%arg8 : memref<128xi32, #tpu.memory_space<vmem>>)
    %dma_wait3A_32 = arith.constant 0 : i32
    %dma_wait3A_33 = tpu.memref_slice %arg7[%dma_wait3A_32] : memref<10000xi32, #tpu.memory_space<vmem>> -> memref<128xi32, #tpu.memory_space<vmem>>
    %dma_wait3A_34 = arith.constant 0 : i32
    %dma_wait3A_35 = arith.constant 0 : i32
    %dma_wait3A_36 = tpu.memref_slice %arg2[%dma_wait3A_34, %dma_wait3A_35] : memref<10000x128xf32, #tpu.memory_space<hbm>> -> memref<10000x128xf32, #tpu.memory_space<hbm>>
    tpu.wait_indirect_dma semaphore(%arg15 : memref<!tpu.dma_semaphore, #tpu.memory_space<semaphore_mem>>) src(%dma_wait3A_36 : memref<10000x128xf32, #tpu.memory_space<hbm>>) dst(%arg11 : memref<128x128xf32, #tpu.memory_space<vmem>>)
    "tpu.region"() ({
      %run_scoped3A = tpu.sem_alloc : memref<!tpu.dma_semaphore, #tpu.memory_space<semaphore_mem>>
      %dma_start3A_71 = arith.constant 0 : i32
      %dma_start3A_72 = arith.constant 0 : i32
      %dma_start3A_73 = tpu.memref_slice %arg14[%dma_start3A_71, %dma_start3A_72] : memref<10000x128xf32, #tpu.memory_space<vmem_shared>> -> memref<10000x128xf32, #tpu.memory_space<vmem_shared>>
      tpu.enqueue_indirect_dma source(%arg11 : memref<128x128xf32, #tpu.memory_space<vmem>>) target(%dma_start3A_73 : memref<10000x128xf32, #tpu.memory_space<vmem_shared>>) offsets(%arg8 : memref<128xi32, #tpu.memory_space<vmem>>) semaphore(%run_scoped3A : memref<!tpu.dma_semaphore, #tpu.memory_space<semaphore_mem>>) {add = true}
      %dma_wait3A_74 = arith.constant 0 : i32
      %dma_wait3A_75 = arith.constant 0 : i32
      %dma_wait3A_76 = tpu.memref_slice %arg14[%dma_wait3A_74, %dma_wait3A_75] : memref<10000x128xf32, #tpu.memory_space<vmem_shared>> -> memref<10000x128xf32, #tpu.memory_space<vmem_shared>>
      tpu.wait_indirect_dma semaphore(%run_scoped3A : memref<!tpu.dma_semaphore, #tpu.memory_space<semaphore_mem>>) src(%arg11 : memref<128x128xf32, #tpu.memory_space<vmem>>) dst(%dma_wait3A_76 : memref<10000x128xf32, #tpu.memory_space<vmem_shared>>)
      tpu.yield
    }) : () -> ()
    %dma_wait3A_37 = tpu.memref_slice %arg4[%mul3A_2] : memref<320000xi32, #tpu.memory_space<hbm>> -> memref<128xi32, #tpu.memory_space<hbm>>
    %dma_wait3A_38 = tpu.memref_slice %arg4[%mul3A_2] : memref<320000xi32, #tpu.memory_space<hbm>> -> memref<128xi32, #tpu.memory_space<hbm>>
    tpu.wait_dma2 semaphore(%arg16 : memref<!tpu.dma_semaphore, #tpu.memory_space<semaphore_mem>>) src(%dma_wait3A_38 : memref<128xi32, #tpu.memory_space<hbm>>) dst(%arg9 : memref<128xi32, #tpu.memory_space<vmem>>)
    %dma_wait3A_39 = arith.constant 0 : i32
    %dma_wait3A_40 = tpu.memref_slice %arg7[%dma_wait3A_39] : memref<10000xi32, #tpu.memory_space<vmem>> -> memref<128xi32, #tpu.memory_space<vmem>>
    %dma_wait3A_41 = arith.constant 0 : i32
    %dma_wait3A_42 = arith.constant 0 : i32
    %dma_wait3A_43 = tpu.memref_slice %arg2[%dma_wait3A_41, %dma_wait3A_42] : memref<10000x128xf32, #tpu.memory_space<hbm>> -> memref<10000x128xf32, #tpu.memory_space<hbm>>
    tpu.wait_indirect_dma semaphore(%arg16 : memref<!tpu.dma_semaphore, #tpu.memory_space<semaphore_mem>>) src(%dma_wait3A_43 : memref<10000x128xf32, #tpu.memory_space<hbm>>) dst(%arg12 : memref<128x128xf32, #tpu.memory_space<vmem>>)
    "tpu.region"() ({
      %run_scoped3A = tpu.sem_alloc : memref<!tpu.dma_semaphore, #tpu.memory_space<semaphore_mem>>
      %dma_start3A_71 = arith.constant 0 : i32
      %dma_start3A_72 = arith.constant 0 : i32
      %dma_start3A_73 = tpu.memref_slice %arg14[%dma_start3A_71, %dma_start3A_72] : memref<10000x128xf32, #tpu.memory_space<vmem_shared>> -> memref<10000x128xf32, #tpu.memory_space<vmem_shared>>
      tpu.enqueue_indirect_dma source(%arg12 : memref<128x128xf32, #tpu.memory_space<vmem>>) target(%dma_start3A_73 : memref<10000x128xf32, #tpu.memory_space<vmem_shared>>) offsets(%arg9 : memref<128xi32, #tpu.memory_space<vmem>>) semaphore(%run_scoped3A : memref<!tpu.dma_semaphore, #tpu.memory_space<semaphore_mem>>) {add = true}
      %dma_wait3A_74 = arith.constant 0 : i32
      %dma_wait3A_75 = arith.constant 0 : i32
      %dma_wait3A_76 = tpu.memref_slice %arg14[%dma_wait3A_74, %dma_wait3A_75] : memref<10000x128xf32, #tpu.memory_space<vmem_shared>> -> memref<10000x128xf32, #tpu.memory_space<vmem_shared>>
      tpu.wait_indirect_dma semaphore(%run_scoped3A : memref<!tpu.dma_semaphore, #tpu.memory_space<semaphore_mem>>) src(%arg12 : memref<128x128xf32, #tpu.memory_space<vmem>>) dst(%dma_wait3A_76 : memref<10000x128xf32, #tpu.memory_space<vmem_shared>>)
      tpu.yield
    }) : () -> ()
    %add3A_44 = arith.constant 9984 : i32
    %add3A_45 = arith.addi %mul3A_2, %add3A_44 : i32
    %dma_start3A_46 = tpu.memref_slice %arg4[%add3A_45] : memref<320000xi32, #tpu.memory_space<hbm>> -> memref<16xi32, #tpu.memory_space<hbm>>
    %dma_start3A_47 = tpu.memref_slice %arg4[%add3A_45] : memref<320000xi32, #tpu.memory_space<hbm>> -> memref<16xi32, #tpu.memory_space<hbm>>
    tpu.enqueue_dma source(%dma_start3A_47 : memref<16xi32, #tpu.memory_space<hbm>>) target(%arg10 : memref<16xi32, #tpu.memory_space<vmem>>) target_semaphore(%arg15 : memref<!tpu.dma_semaphore, #tpu.memory_space<semaphore_mem>>)
    %dma_start3A_48 = arith.constant 9984 : i32
    %dma_start3A_49 = tpu.memref_slice %arg7[%dma_start3A_48] : memref<10000xi32, #tpu.memory_space<vmem>> -> memref<16xi32, #tpu.memory_space<vmem>>
    %dma_start3A_50 = arith.constant 0 : i32
    %dma_start3A_51 = arith.constant 0 : i32
    %dma_start3A_52 = tpu.memref_slice %arg2[%dma_start3A_50, %dma_start3A_51] : memref<10000x128xf32, #tpu.memory_space<hbm>> -> memref<10000x128xf32, #tpu.memory_space<hbm>>
    tpu.enqueue_indirect_dma source(%dma_start3A_52 : memref<10000x128xf32, #tpu.memory_space<hbm>>) target(%arg13 : memref<16x128xf32, #tpu.memory_space<vmem>>) offsets(%dma_start3A_49 : memref<16xi32, #tpu.memory_space<vmem>>) semaphore(%arg15 : memref<!tpu.dma_semaphore, #tpu.memory_space<semaphore_mem>>)
    %dma_wait3A_53 = tpu.memref_slice %arg4[%mul3A_2] : memref<320000xi32, #tpu.memory_space<hbm>> -> memref<16xi32, #tpu.memory_space<hbm>>
    %dma_wait3A_54 = tpu.memref_slice %arg4[%mul3A_2] : memref<320000xi32, #tpu.memory_space<hbm>> -> memref<16xi32, #tpu.memory_space<hbm>>
    tpu.wait_dma2 semaphore(%arg15 : memref<!tpu.dma_semaphore, #tpu.memory_space<semaphore_mem>>) src(%dma_wait3A_54 : memref<16xi32, #tpu.memory_space<hbm>>) dst(%arg10 : memref<16xi32, #tpu.memory_space<vmem>>)
    %dma_wait3A_55 = arith.constant 0 : i32
    %dma_wait3A_56 = tpu.memref_slice %arg7[%dma_wait3A_55] : memref<10000xi32, #tpu.memory_space<vmem>> -> memref<16xi32, #tpu.memory_space<vmem>>
    %dma_wait3A_57 = arith.constant 0 : i32
    %dma_wait3A_58 = arith.constant 0 : i32
    %dma_wait3A_59 = tpu.memref_slice %arg2[%dma_wait3A_57, %dma_wait3A_58] : memref<10000x128xf32, #tpu.memory_space<hbm>> -> memref<10000x128xf32, #tpu.memory_space<hbm>>
    tpu.wait_indirect_dma semaphore(%arg15 : memref<!tpu.dma_semaphore, #tpu.memory_space<semaphore_mem>>) src(%dma_wait3A_59 : memref<10000x128xf32, #tpu.memory_space<hbm>>) dst(%arg13 : memref<16x128xf32, #tpu.memory_space<vmem>>)
    "tpu.region"() ({
      %run_scoped3A = tpu.sem_alloc : memref<!tpu.dma_semaphore, #tpu.memory_space<semaphore_mem>>
      %dma_start3A_71 = arith.constant 0 : i32
      %dma_start3A_72 = arith.constant 0 : i32
      %dma_start3A_73 = tpu.memref_slice %arg14[%dma_start3A_71, %dma_start3A_72] : memref<10000x128xf32, #tpu.memory_space<vmem_shared>> -> memref<10000x128xf32, #tpu.memory_space<vmem_shared>>
      tpu.enqueue_indirect_dma source(%arg13 : memref<16x128xf32, #tpu.memory_space<vmem>>) target(%dma_start3A_73 : memref<10000x128xf32, #tpu.memory_space<vmem_shared>>) offsets(%arg10 : memref<16xi32, #tpu.memory_space<vmem>>) semaphore(%run_scoped3A : memref<!tpu.dma_semaphore, #tpu.memory_space<semaphore_mem>>) {add = true}
      %dma_wait3A_74 = arith.constant 0 : i32
      %dma_wait3A_75 = arith.constant 0 : i32
      %dma_wait3A_76 = tpu.memref_slice %arg14[%dma_wait3A_74, %dma_wait3A_75] : memref<10000x128xf32, #tpu.memory_space<vmem_shared>> -> memref<10000x128xf32, #tpu.memory_space<vmem_shared>>
      tpu.wait_indirect_dma semaphore(%run_scoped3A : memref<!tpu.dma_semaphore, #tpu.memory_space<semaphore_mem>>) src(%arg13 : memref<16x128xf32, #tpu.memory_space<vmem>>) dst(%dma_wait3A_76 : memref<10000x128xf32, #tpu.memory_space<vmem_shared>>)
      tpu.yield
    }) : () -> ()
    %barrier3A_60 = arith.constant 0 : index
    tpu.barrier barrier_id(%barrier3A_60)
    %lt3A_61 = arith.constant 15 : i32
    %lt3A_62 = arith.cmpi slt, %arg1, %lt3A_61 : i32
    %convert_element_type3A_63 = arith.extui %lt3A_62 : i1 to i32
    %cond3A_64 = arith.constant 0 : i32
    %cond3A_65 = arith.cmpi ne, %convert_element_type3A_63, %cond3A_64 : i32
    scf.if %cond3A_65 {
      %mul3A_71 = arith.constant 632 : i32
      %mul3A_72 = arith.muli %arg1, %mul3A_71 : i32
      %mul3A_73 = arith.constant 10000 : i32
      %mul3A_74 = arith.muli %arg0, %mul3A_73 : i32
      %add3A_75 = arith.addi %mul3A_74, %mul3A_72 : i32
      "tpu.region"() ({
        %run_scoped3A = tpu.sem_alloc : memref<!tpu.dma_semaphore, #tpu.memory_space<semaphore_mem>>
        %dma_start3A_76 = arith.constant 0 : i32
        %dma_start3A_77 = tpu.memref_slice %arg6[%add3A_75, %dma_start3A_76] : memref<20000x128xf32, #tpu.memory_space<hbm>> -> memref<632x128xf32, #tpu.memory_space<hbm>>
        %dma_start3A_78 = arith.constant 0 : i32
        %dma_start3A_79 = tpu.memref_slice %arg14[%mul3A_72, %dma_start3A_78] : memref<10000x128xf32, #tpu.memory_space<vmem_shared>> -> memref<632x128xf32, #tpu.memory_space<vmem_shared>>
        tpu.enqueue_dma source(%dma_start3A_79 : memref<632x128xf32, #tpu.memory_space<vmem_shared>>) target(%dma_start3A_77 : memref<632x128xf32, #tpu.memory_space<hbm>>) target_semaphore(%run_scoped3A : memref<!tpu.dma_semaphore, #tpu.memory_space<semaphore_mem>>)
        %dma_wait3A_80 = arith.constant 0 : i32
        %dma_wait3A_81 = tpu.memref_slice %arg6[%add3A_75, %dma_wait3A_80] : memref<20000x128xf32, #tpu.memory_space<hbm>> -> memref<632x128xf32, #tpu.memory_space<hbm>>
        %dma_wait3A_82 = arith.constant 0 : i32
        %dma_wait3A_83 = tpu.memref_slice %arg14[%mul3A_72, %dma_wait3A_82] : memref<10000x128xf32, #tpu.memory_space<vmem_shared>> -> memref<632x128xf32, #tpu.memory_space<vmem_shared>>
        tpu.wait_dma2 semaphore(%run_scoped3A : memref<!tpu.dma_semaphore, #tpu.memory_space<semaphore_mem>>) src(%dma_wait3A_83 : memref<632x128xf32, #tpu.memory_space<vmem_shared>>) dst(%dma_wait3A_81 : memref<632x128xf32, #tpu.memory_space<hbm>>)
        tpu.yield
      }) : () -> ()
    } else {
    }
    %eq3A_66 = arith.constant 15 : i32
    %eq3A_67 = arith.cmpi eq, %arg1, %eq3A_66 : i32
    %convert_element_type3A_68 = arith.extui %eq3A_67 : i1 to i32
    %cond3A_69 = arith.constant 0 : i32
    %cond3A_70 = arith.cmpi ne, %convert_element_type3A_68, %cond3A_69 : i32
    scf.if %cond3A_70 {
      %mul3A_71 = arith.constant 10000 : i32
      %mul3A_72 = arith.muli %arg0, %mul3A_71 : i32
      %add3A_73 = arith.constant 9480 : i32
      %add3A_74 = arith.addi %mul3A_72, %add3A_73 : i32
      "tpu.region"() ({
        %run_scoped3A = tpu.sem_alloc : memref<!tpu.dma_semaphore, #tpu.memory_space<semaphore_mem>>
        %dma_start3A_75 = arith.constant 0 : i32
        %dma_start3A_76 = tpu.memref_slice %arg6[%add3A_74, %dma_start3A_75] : memref<20000x128xf32, #tpu.memory_space<hbm>> -> memref<520x128xf32, #tpu.memory_space<hbm>>
        %dma_start3A_77 = arith.constant 9480 : i32
        %dma_start3A_78 = arith.constant 0 : i32
        %dma_start3A_79 = tpu.memref_slice %arg14[%dma_start3A_77, %dma_start3A_78] : memref<10000x128xf32, #tpu.memory_space<vmem_shared>> -> memref<520x128xf32, #tpu.memory_space<vmem_shared>>
        tpu.enqueue_dma source(%dma_start3A_79 : memref<520x128xf32, #tpu.memory_space<vmem_shared>>) target(%dma_start3A_76 : memref<520x128xf32, #tpu.memory_space<hbm>>) target_semaphore(%run_scoped3A : memref<!tpu.dma_semaphore, #tpu.memory_space<semaphore_mem>>)
        %dma_wait3A_80 = arith.constant 0 : i32
        %dma_wait3A_81 = tpu.memref_slice %arg6[%add3A_74, %dma_wait3A_80] : memref<20000x128xf32, #tpu.memory_space<hbm>> -> memref<520x128xf32, #tpu.memory_space<hbm>>
        %dma_wait3A_82 = arith.constant 9480 : i32
        %dma_wait3A_83 = arith.constant 0 : i32
        %dma_wait3A_84 = tpu.memref_slice %arg14[%dma_wait3A_82, %dma_wait3A_83] : memref<10000x128xf32, #tpu.memory_space<vmem_shared>> -> memref<520x128xf32, #tpu.memory_space<vmem_shared>>
        tpu.wait_dma2 semaphore(%run_scoped3A : memref<!tpu.dma_semaphore, #tpu.memory_space<semaphore_mem>>) src(%dma_wait3A_84 : memref<520x128xf32, #tpu.memory_space<vmem_shared>>) dst(%dma_wait3A_81 : memref<520x128xf32, #tpu.memory_space<hbm>>)
        tpu.yield
      }) : () -> ()
    } else {
    }
    return
  }
}

#map = affine_map<(d0, d1) -> (0, 0)>
#map1 = affine_map<(d0, d1) -> (0)>
module attributes {stable_mosaic.version = 14 : i64} {
  func.func @_msg_body(%arg0: i32, %arg1: i32, %arg2: memref<10000x128xf32, #tpu.memory_space<hbm>>, %arg3: memref<320000xi32, #tpu.memory_space<hbm>>, %arg4: memref<320000xi32, #tpu.memory_space<hbm>>, %arg5: memref<10000x128xf32, #tpu.memory_space<hbm>>, %arg6: memref<20000x128xf32, #tpu.memory_space<hbm>>, %arg7: memref<10000xi32, #tpu.memory_space<vmem>>, %arg8: memref<128xi32, #tpu.memory_space<vmem>>, %arg9: memref<128xi32, #tpu.memory_space<vmem>>, %arg10: memref<16xi32, #tpu.memory_space<vmem>>, %arg11: memref<128x128xf32, #tpu.memory_space<vmem>>, %arg12: memref<128x128xf32, #tpu.memory_space<vmem>>, %arg13: memref<16x128xf32, #tpu.memory_space<vmem>>, %arg14: memref<10000x128xf32, #tpu.memory_space<vmem_shared>>, %arg15: memref<!tpu.dma_semaphore, #tpu.memory_space<semaphore_mem>>, %arg16: memref<!tpu.dma_semaphore, #tpu.memory_space<semaphore_mem>>) attributes {dimension_semantics = [#tpu.dimension_semantics<core_parallel>, #tpu.dimension_semantics<subcore_parallel>], iteration_bounds = array<i64: 2, 16>, scalar_prefetch = 0 : i64, scratch_operands = 10 : i64, tpu.core_type = #tpu.core_type<sc_vector_subcore>, window_params = [{transform_indices = #map}, {transform_indices = #map1}, {transform_indices = #map1}, {transform_indices = #map}, {transform_indices = #map}]} {
    %mul3A = arith.constant 2 : i32
    %mul3A_0 = arith.muli %arg1, %mul3A : i32
    %add3A = arith.addi %mul3A_0, %arg0 : i32
    %mul3A_1 = arith.constant 10000 : i32
    %mul3A_2 = arith.muli %add3A, %mul3A_1 : i32
    "tpu.region"() ({
      %run_scoped3A = tpu.sem_alloc : memref<!tpu.dma_semaphore, #tpu.memory_space<semaphore_mem>>
      %dma_start3A_71 = tpu.memref_slice %arg3[%mul3A_2] : memref<320000xi32, #tpu.memory_space<hbm>> -> memref<10000xi32, #tpu.memory_space<hbm>>
      %dma_start3A_72 = tpu.memref_slice %arg3[%mul3A_2] : memref<320000xi32, #tpu.memory_space<hbm>> -> memref<10000xi32, #tpu.memory_space<hbm>>
      tpu.enqueue_dma source(%dma_start3A_72 : memref<10000xi32, #tpu.memory_space<hbm>>) target(%arg7 : memref<10000xi32, #tpu.memory_space<vmem>>) target_semaphore(%run_scoped3A : memref<!tpu.dma_semaphore, #tpu.memory_space<semaphore_mem>>)
      %dma_wait3A_73 = tpu.memref_slice %arg3[%mul3A_2] : memref<320000xi32, #tpu.memory_space<hbm>> -> memref<10000xi32, #tpu.memory_space<hbm>>
      %dma_wait3A_74 = tpu.memref_slice %arg3[%mul3A_2] : memref<320000xi32, #tpu.memory_space<hbm>> -> memref<10000xi32, #tpu.memory_space<hbm>>
      tpu.wait_dma2 semaphore(%run_scoped3A : memref<!tpu.dma_semaphore, #tpu.memory_space<semaphore_mem>>) src(%dma_wait3A_74 : memref<10000xi32, #tpu.memory_space<hbm>>) dst(%arg7 : memref<10000xi32, #tpu.memory_space<vmem>>)
      tpu.yield
    }) : () -> ()
    %lt3A = arith.constant 15 : i32
    %lt3A_3 = arith.cmpi slt, %arg1, %lt3A : i32
    %convert_element_type3A = arith.extui %lt3A_3 : i1 to i32
    %cond3A = arith.constant 0 : i32
    %cond3A_4 = arith.cmpi ne, %convert_element_type3A, %cond3A : i32
    scf.if %cond3A_4 {
      %mul3A_71 = arith.constant 632 : i32
      %mul3A_72 = arith.muli %arg1, %mul3A_71 : i32
      "tpu.region"() ({
        %run_scoped3A = tpu.sem_alloc : memref<!tpu.dma_semaphore, #tpu.memory_space<semaphore_mem>>
        %dma_start3A_73 = arith.constant 0 : i32
        %dma_start3A_74 = tpu.memref_slice %arg14[%mul3A_72, %dma_start3A_73] : memref<10000x128xf32, #tpu.memory_space<vmem_shared>> -> memref<632x128xf32, #tpu.memory_space<vmem_shared>>
        %dma_start3A_75 = arith.constant 0 : i32
        %dma_start3A_76 = tpu.memref_slice %arg5[%mul3A_72, %dma_start3A_75] : memref<10000x128xf32, #tpu.memory_space<hbm>> -> memref<632x128xf32, #tpu.memory_space<hbm>>
        tpu.enqueue_dma source(%dma_start3A_76 : memref<632x128xf32, #tpu.memory_space<hbm>>) target(%dma_start3A_74 : memref<632x128xf32, #tpu.memory_space<vmem_shared>>) target_semaphore(%run_scoped3A : memref<!tpu.dma_semaphore, #tpu.memory_space<semaphore_mem>>)
        %dma_wait3A_77 = arith.constant 0 : i32
        %dma_wait3A_78 = tpu.memref_slice %arg14[%mul3A_72, %dma_wait3A_77] : memref<10000x128xf32, #tpu.memory_space<vmem_shared>> -> memref<632x128xf32, #tpu.memory_space<vmem_shared>>
        %dma_wait3A_79 = arith.constant 0 : i32
        %dma_wait3A_80 = tpu.memref_slice %arg5[%mul3A_72, %dma_wait3A_79] : memref<10000x128xf32, #tpu.memory_space<hbm>> -> memref<632x128xf32, #tpu.memory_space<hbm>>
        tpu.wait_dma2 semaphore(%run_scoped3A : memref<!tpu.dma_semaphore, #tpu.memory_space<semaphore_mem>>) src(%dma_wait3A_80 : memref<632x128xf32, #tpu.memory_space<hbm>>) dst(%dma_wait3A_78 : memref<632x128xf32, #tpu.memory_space<vmem_shared>>)
        tpu.yield
      }) : () -> ()
    } else {
    }
    %eq3A = arith.constant 15 : i32
    %eq3A_5 = arith.cmpi eq, %arg1, %eq3A : i32
    %convert_element_type3A_6 = arith.extui %eq3A_5 : i1 to i32
    %cond3A_7 = arith.constant 0 : i32
    %cond3A_8 = arith.cmpi ne, %convert_element_type3A_6, %cond3A_7 : i32
    scf.if %cond3A_8 {
      "tpu.region"() ({
        %run_scoped3A = tpu.sem_alloc : memref<!tpu.dma_semaphore, #tpu.memory_space<semaphore_mem>>
        %dma_start3A_71 = arith.constant 9480 : i32
        %dma_start3A_72 = arith.constant 0 : i32
        %dma_start3A_73 = tpu.memref_slice %arg14[%dma_start3A_71, %dma_start3A_72] : memref<10000x128xf32, #tpu.memory_space<vmem_shared>> -> memref<520x128xf32, #tpu.memory_space<vmem_shared>>
        %dma_start3A_74 = arith.constant 9480 : i32
        %dma_start3A_75 = arith.constant 0 : i32
        %dma_start3A_76 = tpu.memref_slice %arg5[%dma_start3A_74, %dma_start3A_75] : memref<10000x128xf32, #tpu.memory_space<hbm>> -> memref<520x128xf32, #tpu.memory_space<hbm>>
        tpu.enqueue_dma source(%dma_start3A_76 : memref<520x128xf32, #tpu.memory_space<hbm>>) target(%dma_start3A_73 : memref<520x128xf32, #tpu.memory_space<vmem_shared>>) target_semaphore(%run_scoped3A : memref<!tpu.dma_semaphore, #tpu.memory_space<semaphore_mem>>)
        %dma_wait3A_77 = arith.constant 9480 : i32
        %dma_wait3A_78 = arith.constant 0 : i32
        %dma_wait3A_79 = tpu.memref_slice %arg14[%dma_wait3A_77, %dma_wait3A_78] : memref<10000x128xf32, #tpu.memory_space<vmem_shared>> -> memref<520x128xf32, #tpu.memory_space<vmem_shared>>
        %dma_wait3A_80 = arith.constant 9480 : i32
        %dma_wait3A_81 = arith.constant 0 : i32
        %dma_wait3A_82 = tpu.memref_slice %arg5[%dma_wait3A_80, %dma_wait3A_81] : memref<10000x128xf32, #tpu.memory_space<hbm>> -> memref<520x128xf32, #tpu.memory_space<hbm>>
        tpu.wait_dma2 semaphore(%run_scoped3A : memref<!tpu.dma_semaphore, #tpu.memory_space<semaphore_mem>>) src(%dma_wait3A_82 : memref<520x128xf32, #tpu.memory_space<hbm>>) dst(%dma_wait3A_79 : memref<520x128xf32, #tpu.memory_space<vmem_shared>>)
        tpu.yield
      }) : () -> ()
    } else {
    }
    %barrier3A = arith.constant 0 : index
    tpu.barrier barrier_id(%barrier3A)
    %add3A_9 = arith.constant 0 : i32
    %add3A_10 = arith.addi %mul3A_2, %add3A_9 : i32
    %dma_start3A = tpu.memref_slice %arg4[%add3A_10] : memref<320000xi32, #tpu.memory_space<hbm>> -> memref<128xi32, #tpu.memory_space<hbm>>
    %dma_start3A_11 = tpu.memref_slice %arg4[%add3A_10] : memref<320000xi32, #tpu.memory_space<hbm>> -> memref<128xi32, #tpu.memory_space<hbm>>
    tpu.enqueue_dma source(%dma_start3A_11 : memref<128xi32, #tpu.memory_space<hbm>>) target(%arg8 : memref<128xi32, #tpu.memory_space<vmem>>) target_semaphore(%arg15 : memref<!tpu.dma_semaphore, #tpu.memory_space<semaphore_mem>>)
    %dma_start3A_12 = arith.constant 0 : i32
    %dma_start3A_13 = tpu.memref_slice %arg7[%dma_start3A_12] : memref<10000xi32, #tpu.memory_space<vmem>> -> memref<128xi32, #tpu.memory_space<vmem>>
    %dma_start3A_14 = arith.constant 0 : i32
    %dma_start3A_15 = arith.constant 0 : i32
    %dma_start3A_16 = tpu.memref_slice %arg2[%dma_start3A_14, %dma_start3A_15] : memref<10000x128xf32, #tpu.memory_space<hbm>> -> memref<10000x128xf32, #tpu.memory_space<hbm>>
    tpu.enqueue_indirect_dma source(%dma_start3A_16 : memref<10000x128xf32, #tpu.memory_space<hbm>>) target(%arg11 : memref<128x128xf32, #tpu.memory_space<vmem>>) offsets(%dma_start3A_13 : memref<128xi32, #tpu.memory_space<vmem>>) semaphore(%arg15 : memref<!tpu.dma_semaphore, #tpu.memory_space<semaphore_mem>>)
    %scan3A = arith.constant 0 : i32
    %scan3A_17 = arith.constant 0 : i32
    %scan3A_18 = arith.constant 38 : i32
    %scan3A_19 = arith.addi %scan3A_17, %scan3A_18 : i32
    %scan3A_20 = arith.constant 1 : i32
    scf.for %scan3A_71 = %scan3A_17 to %scan3A_19 step %scan3A_20  : i32 {
      %mul3A_72 = arith.constant 2 : i32
      %mul3A_73 = arith.muli %mul3A_72, %scan3A_71 : i32
      %add3A_74 = arith.constant 1 : i32
      %add3A_75 = arith.addi %mul3A_73, %add3A_74 : i32
      %mul3A_76 = arith.constant 128 : i32
      %mul3A_77 = arith.muli %add3A_75, %mul3A_76 : i32
      %add3A_78 = arith.addi %mul3A_2, %mul3A_77 : i32
      %dma_start3A_79 = tpu.memref_slice %arg4[%add3A_78] : memref<320000xi32, #tpu.memory_space<hbm>> -> memref<128xi32, #tpu.memory_space<hbm>>
      %dma_start3A_80 = tpu.memref_slice %arg4[%add3A_78] : memref<320000xi32, #tpu.memory_space<hbm>> -> memref<128xi32, #tpu.memory_space<hbm>>
      tpu.enqueue_dma source(%dma_start3A_80 : memref<128xi32, #tpu.memory_space<hbm>>) target(%arg9 : memref<128xi32, #tpu.memory_space<vmem>>) target_semaphore(%arg16 : memref<!tpu.dma_semaphore, #tpu.memory_space<semaphore_mem>>)
      %mul3A_81 = arith.constant 128 : i32
      %mul3A_82 = arith.muli %add3A_75, %mul3A_81 : i32
      %dma_start3A_83 = tpu.memref_slice %arg7[%mul3A_82] : memref<10000xi32, #tpu.memory_space<vmem>> -> memref<128xi32, #tpu.memory_space<vmem>>
      %dma_start3A_84 = arith.constant 0 : i32
      %dma_start3A_85 = arith.constant 0 : i32
      %dma_start3A_86 = tpu.memref_slice %arg2[%dma_start3A_84, %dma_start3A_85] : memref<10000x128xf32, #tpu.memory_space<hbm>> -> memref<10000x128xf32, #tpu.memory_space<hbm>>
      tpu.enqueue_indirect_dma source(%dma_start3A_86 : memref<10000x128xf32, #tpu.memory_space<hbm>>) target(%arg12 : memref<128x128xf32, #tpu.memory_space<vmem>>) offsets(%dma_start3A_83 : memref<128xi32, #tpu.memory_space<vmem>>) semaphore(%arg16 : memref<!tpu.dma_semaphore, #tpu.memory_space<semaphore_mem>>)
      %dma_wait3A_87 = tpu.memref_slice %arg4[%mul3A_2] : memref<320000xi32, #tpu.memory_space<hbm>> -> memref<128xi32, #tpu.memory_space<hbm>>
      %dma_wait3A_88 = tpu.memref_slice %arg4[%mul3A_2] : memref<320000xi32, #tpu.memory_space<hbm>> -> memref<128xi32, #tpu.memory_space<hbm>>
      tpu.wait_dma2 semaphore(%arg15 : memref<!tpu.dma_semaphore, #tpu.memory_space<semaphore_mem>>) src(%dma_wait3A_88 : memref<128xi32, #tpu.memory_space<hbm>>) dst(%arg8 : memref<128xi32, #tpu.memory_space<vmem>>)
      %dma_wait3A_89 = arith.constant 0 : i32
      %dma_wait3A_90 = tpu.memref_slice %arg7[%dma_wait3A_89] : memref<10000xi32, #tpu.memory_space<vmem>> -> memref<128xi32, #tpu.memory_space<vmem>>
      %dma_wait3A_91 = arith.constant 0 : i32
      %dma_wait3A_92 = arith.constant 0 : i32
      %dma_wait3A_93 = tpu.memref_slice %arg2[%dma_wait3A_91, %dma_wait3A_92] : memref<10000x128xf32, #tpu.memory_space<hbm>> -> memref<10000x128xf32, #tpu.memory_space<hbm>>
      tpu.wait_indirect_dma semaphore(%arg15 : memref<!tpu.dma_semaphore, #tpu.memory_space<semaphore_mem>>) src(%dma_wait3A_93 : memref<10000x128xf32, #tpu.memory_space<hbm>>) dst(%arg11 : memref<128x128xf32, #tpu.memory_space<vmem>>)
      "tpu.region"() ({
        %run_scoped3A = tpu.sem_alloc : memref<!tpu.dma_semaphore, #tpu.memory_space<semaphore_mem>>
        %dma_start3A_116 = arith.constant 0 : i32
        %dma_start3A_117 = arith.constant 0 : i32
        %dma_start3A_118 = tpu.memref_slice %arg14[%dma_start3A_116, %dma_start3A_117] : memref<10000x128xf32, #tpu.memory_space<vmem_shared>> -> memref<10000x128xf32, #tpu.memory_space<vmem_shared>>
        tpu.enqueue_indirect_dma source(%arg11 : memref<128x128xf32, #tpu.memory_space<vmem>>) target(%dma_start3A_118 : memref<10000x128xf32, #tpu.memory_space<vmem_shared>>) offsets(%arg8 : memref<128xi32, #tpu.memory_space<vmem>>) semaphore(%run_scoped3A : memref<!tpu.dma_semaphore, #tpu.memory_space<semaphore_mem>>) {add = true}
        %dma_wait3A_119 = arith.constant 0 : i32
        %dma_wait3A_120 = arith.constant 0 : i32
        %dma_wait3A_121 = tpu.memref_slice %arg14[%dma_wait3A_119, %dma_wait3A_120] : memref<10000x128xf32, #tpu.memory_space<vmem_shared>> -> memref<10000x128xf32, #tpu.memory_space<vmem_shared>>
        tpu.wait_indirect_dma semaphore(%run_scoped3A : memref<!tpu.dma_semaphore, #tpu.memory_space<semaphore_mem>>) src(%arg11 : memref<128x128xf32, #tpu.memory_space<vmem>>) dst(%dma_wait3A_121 : memref<10000x128xf32, #tpu.memory_space<vmem_shared>>)
        tpu.yield
      }) : () -> ()
      %mul3A_94 = arith.constant 2 : i32
      %mul3A_95 = arith.muli %mul3A_94, %scan3A_71 : i32
      %add3A_96 = arith.constant 2 : i32
      %add3A_97 = arith.addi %mul3A_95, %add3A_96 : i32
      %mul3A_98 = arith.constant 128 : i32
      %mul3A_99 = arith.muli %add3A_97, %mul3A_98 : i32
      %add3A_100 = arith.addi %mul3A_2, %mul3A_99 : i32
      %dma_start3A_101 = tpu.memref_slice %arg4[%add3A_100] : memref<320000xi32, #tpu.memory_space<hbm>> -> memref<128xi32, #tpu.memory_space<hbm>>
      %dma_start3A_102 = tpu.memref_slice %arg4[%add3A_100] : memref<320000xi32, #tpu.memory_space<hbm>> -> memref<128xi32, #tpu.memory_space<hbm>>
      tpu.enqueue_dma source(%dma_start3A_102 : memref<128xi32, #tpu.memory_space<hbm>>) target(%arg8 : memref<128xi32, #tpu.memory_space<vmem>>) target_semaphore(%arg15 : memref<!tpu.dma_semaphore, #tpu.memory_space<semaphore_mem>>)
      %mul3A_103 = arith.constant 128 : i32
      %mul3A_104 = arith.muli %add3A_97, %mul3A_103 : i32
      %dma_start3A_105 = tpu.memref_slice %arg7[%mul3A_104] : memref<10000xi32, #tpu.memory_space<vmem>> -> memref<128xi32, #tpu.memory_space<vmem>>
      %dma_start3A_106 = arith.constant 0 : i32
      %dma_start3A_107 = arith.constant 0 : i32
      %dma_start3A_108 = tpu.memref_slice %arg2[%dma_start3A_106, %dma_start3A_107] : memref<10000x128xf32, #tpu.memory_space<hbm>> -> memref<10000x128xf32, #tpu.memory_space<hbm>>
      tpu.enqueue_indirect_dma source(%dma_start3A_108 : memref<10000x128xf32, #tpu.memory_space<hbm>>) target(%arg11 : memref<128x128xf32, #tpu.memory_space<vmem>>) offsets(%dma_start3A_105 : memref<128xi32, #tpu.memory_space<vmem>>) semaphore(%arg15 : memref<!tpu.dma_semaphore, #tpu.memory_space<semaphore_mem>>)
      %dma_wait3A_109 = tpu.memref_slice %arg4[%mul3A_2] : memref<320000xi32, #tpu.memory_space<hbm>> -> memref<128xi32, #tpu.memory_space<hbm>>
      %dma_wait3A_110 = tpu.memref_slice %arg4[%mul3A_2] : memref<320000xi32, #tpu.memory_space<hbm>> -> memref<128xi32, #tpu.memory_space<hbm>>
      tpu.wait_dma2 semaphore(%arg16 : memref<!tpu.dma_semaphore, #tpu.memory_space<semaphore_mem>>) src(%dma_wait3A_110 : memref<128xi32, #tpu.memory_space<hbm>>) dst(%arg9 : memref<128xi32, #tpu.memory_space<vmem>>)
      %dma_wait3A_111 = arith.constant 0 : i32
      %dma_wait3A_112 = tpu.memref_slice %arg7[%dma_wait3A_111] : memref<10000xi32, #tpu.memory_space<vmem>> -> memref<128xi32, #tpu.memory_space<vmem>>
      %dma_wait3A_113 = arith.constant 0 : i32
      %dma_wait3A_114 = arith.constant 0 : i32
      %dma_wait3A_115 = tpu.memref_slice %arg2[%dma_wait3A_113, %dma_wait3A_114] : memref<10000x128xf32, #tpu.memory_space<hbm>> -> memref<10000x128xf32, #tpu.memory_space<hbm>>
      tpu.wait_indirect_dma semaphore(%arg16 : memref<!tpu.dma_semaphore, #tpu.memory_space<semaphore_mem>>) src(%dma_wait3A_115 : memref<10000x128xf32, #tpu.memory_space<hbm>>) dst(%arg12 : memref<128x128xf32, #tpu.memory_space<vmem>>)
      "tpu.region"() ({
        %run_scoped3A = tpu.sem_alloc : memref<!tpu.dma_semaphore, #tpu.memory_space<semaphore_mem>>
        %dma_start3A_116 = arith.constant 0 : i32
        %dma_start3A_117 = arith.constant 0 : i32
        %dma_start3A_118 = tpu.memref_slice %arg14[%dma_start3A_116, %dma_start3A_117] : memref<10000x128xf32, #tpu.memory_space<vmem_shared>> -> memref<10000x128xf32, #tpu.memory_space<vmem_shared>>
        tpu.enqueue_indirect_dma source(%arg12 : memref<128x128xf32, #tpu.memory_space<vmem>>) target(%dma_start3A_118 : memref<10000x128xf32, #tpu.memory_space<vmem_shared>>) offsets(%arg9 : memref<128xi32, #tpu.memory_space<vmem>>) semaphore(%run_scoped3A : memref<!tpu.dma_semaphore, #tpu.memory_space<semaphore_mem>>) {add = true}
        %dma_wait3A_119 = arith.constant 0 : i32
        %dma_wait3A_120 = arith.constant 0 : i32
        %dma_wait3A_121 = tpu.memref_slice %arg14[%dma_wait3A_119, %dma_wait3A_120] : memref<10000x128xf32, #tpu.memory_space<vmem_shared>> -> memref<10000x128xf32, #tpu.memory_space<vmem_shared>>
        tpu.wait_indirect_dma semaphore(%run_scoped3A : memref<!tpu.dma_semaphore, #tpu.memory_space<semaphore_mem>>) src(%arg12 : memref<128x128xf32, #tpu.memory_space<vmem>>) dst(%dma_wait3A_121 : memref<10000x128xf32, #tpu.memory_space<vmem_shared>>)
        tpu.yield
      }) : () -> ()
    }
    %scan3A_21 = arith.constant 38 : i32
    %add3A_22 = arith.constant 9856 : i32
    %add3A_23 = arith.addi %mul3A_2, %add3A_22 : i32
    %dma_start3A_24 = tpu.memref_slice %arg4[%add3A_23] : memref<320000xi32, #tpu.memory_space<hbm>> -> memref<128xi32, #tpu.memory_space<hbm>>
    %dma_start3A_25 = tpu.memref_slice %arg4[%add3A_23] : memref<320000xi32, #tpu.memory_space<hbm>> -> memref<128xi32, #tpu.memory_space<hbm>>
    tpu.enqueue_dma source(%dma_start3A_25 : memref<128xi32, #tpu.memory_space<hbm>>) target(%arg9 : memref<128xi32, #tpu.memory_space<vmem>>) target_semaphore(%arg16 : memref<!tpu.dma_semaphore, #tpu.memory_space<semaphore_mem>>)
    %dma_start3A_26 = arith.constant 9856 : i32
    %dma_start3A_27 = tpu.memref_slice %arg7[%dma_start3A_26] : memref<10000xi32, #tpu.memory_space<vmem>> -> memref<128xi32, #tpu.memory_space<vmem>>
    %dma_start3A_28 = arith.constant 0 : i32
    %dma_start3A_29 = arith.constant 0 : i32
    %dma_start3A_30 = tpu.memref_slice %arg2[%dma_start3A_28, %dma_start3A_29] : memref<10000x128xf32, #tpu.memory_space<hbm>> -> memref<10000x128xf32, #tpu.memory_space<hbm>>
    tpu.enqueue_indirect_dma source(%dma_start3A_30 : memref<10000x128xf32, #tpu.memory_space<hbm>>) target(%arg12 : memref<128x128xf32, #tpu.memory_space<vmem>>) offsets(%dma_start3A_27 : memref<128xi32, #tpu.memory_space<vmem>>) semaphore(%arg16 : memref<!tpu.dma_semaphore, #tpu.memory_space<semaphore_mem>>)
    %dma_wait3A = tpu.memref_slice %arg4[%mul3A_2] : memref<320000xi32, #tpu.memory_space<hbm>> -> memref<128xi32, #tpu.memory_space<hbm>>
    %dma_wait3A_31 = tpu.memref_slice %arg4[%mul3A_2] : memref<320000xi32, #tpu.memory_space<hbm>> -> memref<128xi32, #tpu.memory_space<hbm>>
    tpu.wait_dma2 semaphore(%arg15 : memref<!tpu.dma_semaphore, #tpu.memory_space<semaphore_mem>>) src(%dma_wait3A_31 : memref<128xi32, #tpu.memory_space<hbm>>) dst(%arg8 : memref<128xi32, #tpu.memory_space<vmem>>)
    %dma_wait3A_32 = arith.constant 0 : i32
    %dma_wait3A_33 = tpu.memref_slice %arg7[%dma_wait3A_32] : memref<10000xi32, #tpu.memory_space<vmem>> -> memref<128xi32, #tpu.memory_space<vmem>>
    %dma_wait3A_34 = arith.constant 0 : i32
    %dma_wait3A_35 = arith.constant 0 : i32
    %dma_wait3A_36 = tpu.memref_slice %arg2[%dma_wait3A_34, %dma_wait3A_35] : memref<10000x128xf32, #tpu.memory_space<hbm>> -> memref<10000x128xf32, #tpu.memory_space<hbm>>
    tpu.wait_indirect_dma semaphore(%arg15 : memref<!tpu.dma_semaphore, #tpu.memory_space<semaphore_mem>>) src(%dma_wait3A_36 : memref<10000x128xf32, #tpu.memory_space<hbm>>) dst(%arg11 : memref<128x128xf32, #tpu.memory_space<vmem>>)
    "tpu.region"() ({
      %run_scoped3A = tpu.sem_alloc : memref<!tpu.dma_semaphore, #tpu.memory_space<semaphore_mem>>
      %dma_start3A_71 = arith.constant 0 : i32
      %dma_start3A_72 = arith.constant 0 : i32
      %dma_start3A_73 = tpu.memref_slice %arg14[%dma_start3A_71, %dma_start3A_72] : memref<10000x128xf32, #tpu.memory_space<vmem_shared>> -> memref<10000x128xf32, #tpu.memory_space<vmem_shared>>
      tpu.enqueue_indirect_dma source(%arg11 : memref<128x128xf32, #tpu.memory_space<vmem>>) target(%dma_start3A_73 : memref<10000x128xf32, #tpu.memory_space<vmem_shared>>) offsets(%arg8 : memref<128xi32, #tpu.memory_space<vmem>>) semaphore(%run_scoped3A : memref<!tpu.dma_semaphore, #tpu.memory_space<semaphore_mem>>) {add = true}
      %dma_wait3A_74 = arith.constant 0 : i32
      %dma_wait3A_75 = arith.constant 0 : i32
      %dma_wait3A_76 = tpu.memref_slice %arg14[%dma_wait3A_74, %dma_wait3A_75] : memref<10000x128xf32, #tpu.memory_space<vmem_shared>> -> memref<10000x128xf32, #tpu.memory_space<vmem_shared>>
      tpu.wait_indirect_dma semaphore(%run_scoped3A : memref<!tpu.dma_semaphore, #tpu.memory_space<semaphore_mem>>) src(%arg11 : memref<128x128xf32, #tpu.memory_space<vmem>>) dst(%dma_wait3A_76 : memref<10000x128xf32, #tpu.memory_space<vmem_shared>>)
      tpu.yield
    }) : () -> ()
    %dma_wait3A_37 = tpu.memref_slice %arg4[%mul3A_2] : memref<320000xi32, #tpu.memory_space<hbm>> -> memref<128xi32, #tpu.memory_space<hbm>>
    %dma_wait3A_38 = tpu.memref_slice %arg4[%mul3A_2] : memref<320000xi32, #tpu.memory_space<hbm>> -> memref<128xi32, #tpu.memory_space<hbm>>
    tpu.wait_dma2 semaphore(%arg16 : memref<!tpu.dma_semaphore, #tpu.memory_space<semaphore_mem>>) src(%dma_wait3A_38 : memref<128xi32, #tpu.memory_space<hbm>>) dst(%arg9 : memref<128xi32, #tpu.memory_space<vmem>>)
    %dma_wait3A_39 = arith.constant 0 : i32
    %dma_wait3A_40 = tpu.memref_slice %arg7[%dma_wait3A_39] : memref<10000xi32, #tpu.memory_space<vmem>> -> memref<128xi32, #tpu.memory_space<vmem>>
    %dma_wait3A_41 = arith.constant 0 : i32
    %dma_wait3A_42 = arith.constant 0 : i32
    %dma_wait3A_43 = tpu.memref_slice %arg2[%dma_wait3A_41, %dma_wait3A_42] : memref<10000x128xf32, #tpu.memory_space<hbm>> -> memref<10000x128xf32, #tpu.memory_space<hbm>>
    tpu.wait_indirect_dma semaphore(%arg16 : memref<!tpu.dma_semaphore, #tpu.memory_space<semaphore_mem>>) src(%dma_wait3A_43 : memref<10000x128xf32, #tpu.memory_space<hbm>>) dst(%arg12 : memref<128x128xf32, #tpu.memory_space<vmem>>)
    "tpu.region"() ({
      %run_scoped3A = tpu.sem_alloc : memref<!tpu.dma_semaphore, #tpu.memory_space<semaphore_mem>>
      %dma_start3A_71 = arith.constant 0 : i32
      %dma_start3A_72 = arith.constant 0 : i32
      %dma_start3A_73 = tpu.memref_slice %arg14[%dma_start3A_71, %dma_start3A_72] : memref<10000x128xf32, #tpu.memory_space<vmem_shared>> -> memref<10000x128xf32, #tpu.memory_space<vmem_shared>>
      tpu.enqueue_indirect_dma source(%arg12 : memref<128x128xf32, #tpu.memory_space<vmem>>) target(%dma_start3A_73 : memref<10000x128xf32, #tpu.memory_space<vmem_shared>>) offsets(%arg9 : memref<128xi32, #tpu.memory_space<vmem>>) semaphore(%run_scoped3A : memref<!tpu.dma_semaphore, #tpu.memory_space<semaphore_mem>>) {add = true}
      %dma_wait3A_74 = arith.constant 0 : i32
      %dma_wait3A_75 = arith.constant 0 : i32
      %dma_wait3A_76 = tpu.memref_slice %arg14[%dma_wait3A_74, %dma_wait3A_75] : memref<10000x128xf32, #tpu.memory_space<vmem_shared>> -> memref<10000x128xf32, #tpu.memory_space<vmem_shared>>
      tpu.wait_indirect_dma semaphore(%run_scoped3A : memref<!tpu.dma_semaphore, #tpu.memory_space<semaphore_mem>>) src(%arg12 : memref<128x128xf32, #tpu.memory_space<vmem>>) dst(%dma_wait3A_76 : memref<10000x128xf32, #tpu.memory_space<vmem_shared>>)
      tpu.yield
    }) : () -> ()
    %add3A_44 = arith.constant 9984 : i32
    %add3A_45 = arith.addi %mul3A_2, %add3A_44 : i32
    %dma_start3A_46 = tpu.memref_slice %arg4[%add3A_45] : memref<320000xi32, #tpu.memory_space<hbm>> -> memref<16xi32, #tpu.memory_space<hbm>>
    %dma_start3A_47 = tpu.memref_slice %arg4[%add3A_45] : memref<320000xi32, #tpu.memory_space<hbm>> -> memref<16xi32, #tpu.memory_space<hbm>>
    tpu.enqueue_dma source(%dma_start3A_47 : memref<16xi32, #tpu.memory_space<hbm>>) target(%arg10 : memref<16xi32, #tpu.memory_space<vmem>>) target_semaphore(%arg15 : memref<!tpu.dma_semaphore, #tpu.memory_space<semaphore_mem>>)
    %dma_start3A_48 = arith.constant 9984 : i32
    %dma_start3A_49 = tpu.memref_slice %arg7[%dma_start3A_48] : memref<10000xi32, #tpu.memory_space<vmem>> -> memref<16xi32, #tpu.memory_space<vmem>>
    %dma_start3A_50 = arith.constant 0 : i32
    %dma_start3A_51 = arith.constant 0 : i32
    %dma_start3A_52 = tpu.memref_slice %arg2[%dma_start3A_50, %dma_start3A_51] : memref<10000x128xf32, #tpu.memory_space<hbm>> -> memref<10000x128xf32, #tpu.memory_space<hbm>>
    tpu.enqueue_indirect_dma source(%dma_start3A_52 : memref<10000x128xf32, #tpu.memory_space<hbm>>) target(%arg13 : memref<16x128xf32, #tpu.memory_space<vmem>>) offsets(%dma_start3A_49 : memref<16xi32, #tpu.memory_space<vmem>>) semaphore(%arg15 : memref<!tpu.dma_semaphore, #tpu.memory_space<semaphore_mem>>)
    %dma_wait3A_53 = tpu.memref_slice %arg4[%mul3A_2] : memref<320000xi32, #tpu.memory_space<hbm>> -> memref<16xi32, #tpu.memory_space<hbm>>
    %dma_wait3A_54 = tpu.memref_slice %arg4[%mul3A_2] : memref<320000xi32, #tpu.memory_space<hbm>> -> memref<16xi32, #tpu.memory_space<hbm>>
    tpu.wait_dma2 semaphore(%arg15 : memref<!tpu.dma_semaphore, #tpu.memory_space<semaphore_mem>>) src(%dma_wait3A_54 : memref<16xi32, #tpu.memory_space<hbm>>) dst(%arg10 : memref<16xi32, #tpu.memory_space<vmem>>)
    %dma_wait3A_55 = arith.constant 0 : i32
    %dma_wait3A_56 = tpu.memref_slice %arg7[%dma_wait3A_55] : memref<10000xi32, #tpu.memory_space<vmem>> -> memref<16xi32, #tpu.memory_space<vmem>>
    %dma_wait3A_57 = arith.constant 0 : i32
    %dma_wait3A_58 = arith.constant 0 : i32
    %dma_wait3A_59 = tpu.memref_slice %arg2[%dma_wait3A_57, %dma_wait3A_58] : memref<10000x128xf32, #tpu.memory_space<hbm>> -> memref<10000x128xf32, #tpu.memory_space<hbm>>
    tpu.wait_indirect_dma semaphore(%arg15 : memref<!tpu.dma_semaphore, #tpu.memory_space<semaphore_mem>>) src(%dma_wait3A_59 : memref<10000x128xf32, #tpu.memory_space<hbm>>) dst(%arg13 : memref<16x128xf32, #tpu.memory_space<vmem>>)
    "tpu.region"() ({
      %run_scoped3A = tpu.sem_alloc : memref<!tpu.dma_semaphore, #tpu.memory_space<semaphore_mem>>
      %dma_start3A_71 = arith.constant 0 : i32
      %dma_start3A_72 = arith.constant 0 : i32
      %dma_start3A_73 = tpu.memref_slice %arg14[%dma_start3A_71, %dma_start3A_72] : memref<10000x128xf32, #tpu.memory_space<vmem_shared>> -> memref<10000x128xf32, #tpu.memory_space<vmem_shared>>
      tpu.enqueue_indirect_dma source(%arg13 : memref<16x128xf32, #tpu.memory_space<vmem>>) target(%dma_start3A_73 : memref<10000x128xf32, #tpu.memory_space<vmem_shared>>) offsets(%arg10 : memref<16xi32, #tpu.memory_space<vmem>>) semaphore(%run_scoped3A : memref<!tpu.dma_semaphore, #tpu.memory_space<semaphore_mem>>) {add = true}
      %dma_wait3A_74 = arith.constant 0 : i32
      %dma_wait3A_75 = arith.constant 0 : i32
      %dma_wait3A_76 = tpu.memref_slice %arg14[%dma_wait3A_74, %dma_wait3A_75] : memref<10000x128xf32, #tpu.memory_space<vmem_shared>> -> memref<10000x128xf32, #tpu.memory_space<vmem_shared>>
      tpu.wait_indirect_dma semaphore(%run_scoped3A : memref<!tpu.dma_semaphore, #tpu.memory_space<semaphore_mem>>) src(%arg13 : memref<16x128xf32, #tpu.memory_space<vmem>>) dst(%dma_wait3A_76 : memref<10000x128xf32, #tpu.memory_space<vmem_shared>>)
      tpu.yield
    }) : () -> ()
    %barrier3A_60 = arith.constant 0 : index
    tpu.barrier barrier_id(%barrier3A_60)
    %lt3A_61 = arith.constant 15 : i32
    %lt3A_62 = arith.cmpi slt, %arg1, %lt3A_61 : i32
    %convert_element_type3A_63 = arith.extui %lt3A_62 : i1 to i32
    %cond3A_64 = arith.constant 0 : i32
    %cond3A_65 = arith.cmpi ne, %convert_element_type3A_63, %cond3A_64 : i32
    scf.if %cond3A_65 {
      %mul3A_71 = arith.constant 632 : i32
      %mul3A_72 = arith.muli %arg1, %mul3A_71 : i32
      %mul3A_73 = arith.constant 10000 : i32
      %mul3A_74 = arith.muli %arg0, %mul3A_73 : i32
      %add3A_75 = arith.addi %mul3A_74, %mul3A_72 : i32
      "tpu.region"() ({
        %run_scoped3A = tpu.sem_alloc : memref<!tpu.dma_semaphore, #tpu.memory_space<semaphore_mem>>
        %dma_start3A_76 = arith.constant 0 : i32
        %dma_start3A_77 = tpu.memref_slice %arg6[%add3A_75, %dma_start3A_76] : memref<20000x128xf32, #tpu.memory_space<hbm>> -> memref<632x128xf32, #tpu.memory_space<hbm>>
        %dma_start3A_78 = arith.constant 0 : i32
        %dma_start3A_79 = tpu.memref_slice %arg14[%mul3A_72, %dma_start3A_78] : memref<10000x128xf32, #tpu.memory_space<vmem_shared>> -> memref<632x128xf32, #tpu.memory_space<vmem_shared>>
        tpu.enqueue_dma source(%dma_start3A_79 : memref<632x128xf32, #tpu.memory_space<vmem_shared>>) target(%dma_start3A_77 : memref<632x128xf32, #tpu.memory_space<hbm>>) target_semaphore(%run_scoped3A : memref<!tpu.dma_semaphore, #tpu.memory_space<semaphore_mem>>)
        %dma_wait3A_80 = arith.constant 0 : i32
        %dma_wait3A_81 = tpu.memref_slice %arg6[%add3A_75, %dma_wait3A_80] : memref<20000x128xf32, #tpu.memory_space<hbm>> -> memref<632x128xf32, #tpu.memory_space<hbm>>
        %dma_wait3A_82 = arith.constant 0 : i32
        %dma_wait3A_83 = tpu.memref_slice %arg14[%mul3A_72, %dma_wait3A_82] : memref<10000x128xf32, #tpu.memory_space<vmem_shared>> -> memref<632x128xf32, #tpu.memory_space<vmem_shared>>
        tpu.wait_dma2 semaphore(%run_scoped3A : memref<!tpu.dma_semaphore, #tpu.memory_space<semaphore_mem>>) src(%dma_wait3A_83 : memref<632x128xf32, #tpu.memory_space<vmem_shared>>) dst(%dma_wait3A_81 : memref<632x128xf32, #tpu.memory_space<hbm>>)
        tpu.yield
      }) : () -> ()
    } else {
    }
    %eq3A_66 = arith.constant 15 : i32
    %eq3A_67 = arith.cmpi eq, %arg1, %eq3A_66 : i32
    %convert_element_type3A_68 = arith.extui %eq3A_67 : i1 to i32
    %cond3A_69 = arith.constant 0 : i32
    %cond3A_70 = arith.cmpi ne, %convert_element_type3A_68, %cond3A_69 : i32
    scf.if %cond3A_70 {
      %mul3A_71 = arith.constant 10000 : i32
      %mul3A_72 = arith.muli %arg0, %mul3A_71 : i32
      %add3A_73 = arith.constant 9480 : i32
      %add3A_74 = arith.addi %mul3A_72, %add3A_73 : i32
      "tpu.region"() ({
        %run_scoped3A = tpu.sem_alloc : memref<!tpu.dma_semaphore, #tpu.memory_space<semaphore_mem>>
        %dma_start3A_75 = arith.constant 0 : i32
        %dma_start3A_76 = tpu.memref_slice %arg6[%add3A_74, %dma_start3A_75] : memref<20000x128xf32, #tpu.memory_space<hbm>> -> memref<520x128xf32, #tpu.memory_space<hbm>>
        %dma_start3A_77 = arith.constant 9480 : i32
        %dma_start3A_78 = arith.constant 0 : i32
        %dma_start3A_79 = tpu.memref_slice %arg14[%dma_start3A_77, %dma_start3A_78] : memref<10000x128xf32, #tpu.memory_space<vmem_shared>> -> memref<520x128xf32, #tpu.memory_space<vmem_shared>>
        tpu.enqueue_dma source(%dma_start3A_79 : memref<520x128xf32, #tpu.memory_space<vmem_shared>>) target(%dma_start3A_76 : memref<520x128xf32, #tpu.memory_space<hbm>>) target_semaphore(%run_scoped3A : memref<!tpu.dma_semaphore, #tpu.memory_space<semaphore_mem>>)
        %dma_wait3A_80 = arith.constant 0 : i32
        %dma_wait3A_81 = tpu.memref_slice %arg6[%add3A_74, %dma_wait3A_80] : memref<20000x128xf32, #tpu.memory_space<hbm>> -> memref<520x128xf32, #tpu.memory_space<hbm>>
        %dma_wait3A_82 = arith.constant 9480 : i32
        %dma_wait3A_83 = arith.constant 0 : i32
        %dma_wait3A_84 = tpu.memref_slice %arg14[%dma_wait3A_82, %dma_wait3A_83] : memref<10000x128xf32, #tpu.memory_space<vmem_shared>> -> memref<520x128xf32, #tpu.memory_space<vmem_shared>>
        tpu.wait_dma2 semaphore(%run_scoped3A : memref<!tpu.dma_semaphore, #tpu.memory_space<semaphore_mem>>) src(%dma_wait3A_84 : memref<520x128xf32, #tpu.memory_space<vmem_shared>>) dst(%dma_wait3A_81 : memref<520x128xf32, #tpu.memory_space<hbm>>)
        tpu.yield
      }) : () -> ()
    } else {
    }
    return
  }
}

#map = affine_map<(d0, d1) -> (0, 0)>
#map1 = affine_map<(d0, d1) -> (0)>
module attributes {stable_mosaic.version = 14 : i64} {
  func.func @_msg_body(%arg0: i32, %arg1: i32, %arg2: memref<10000x128xf32, #tpu.memory_space<hbm>>, %arg3: memref<320000xi32, #tpu.memory_space<hbm>>, %arg4: memref<320000xi32, #tpu.memory_space<hbm>>, %arg5: memref<10000x128xf32, #tpu.memory_space<hbm>>, %arg6: memref<20000x128xf32, #tpu.memory_space<hbm>>, %arg7: memref<10000xi32, #tpu.memory_space<vmem>>, %arg8: memref<128xi32, #tpu.memory_space<vmem>>, %arg9: memref<128xi32, #tpu.memory_space<vmem>>, %arg10: memref<16xi32, #tpu.memory_space<vmem>>, %arg11: memref<128x128xf32, #tpu.memory_space<vmem>>, %arg12: memref<128x128xf32, #tpu.memory_space<vmem>>, %arg13: memref<16x128xf32, #tpu.memory_space<vmem>>, %arg14: memref<10000x128xf32, #tpu.memory_space<vmem_shared>>, %arg15: memref<!tpu.dma_semaphore, #tpu.memory_space<semaphore_mem>>, %arg16: memref<!tpu.dma_semaphore, #tpu.memory_space<semaphore_mem>>) attributes {dimension_semantics = [#tpu.dimension_semantics<core_parallel>, #tpu.dimension_semantics<subcore_parallel>], iteration_bounds = array<i64: 2, 16>, scalar_prefetch = 0 : i64, scratch_operands = 10 : i64, tpu.core_type = #tpu.core_type<sc_vector_subcore>, window_params = [{transform_indices = #map}, {transform_indices = #map1}, {transform_indices = #map1}, {transform_indices = #map}, {transform_indices = #map}]} {
    %mul3A = arith.constant 2 : i32
    %mul3A_0 = arith.muli %arg1, %mul3A : i32
    %add3A = arith.addi %mul3A_0, %arg0 : i32
    %mul3A_1 = arith.constant 10000 : i32
    %mul3A_2 = arith.muli %add3A, %mul3A_1 : i32
    "tpu.region"() ({
      %run_scoped3A = tpu.sem_alloc : memref<!tpu.dma_semaphore, #tpu.memory_space<semaphore_mem>>
      %dma_start3A_71 = tpu.memref_slice %arg3[%mul3A_2] : memref<320000xi32, #tpu.memory_space<hbm>> -> memref<10000xi32, #tpu.memory_space<hbm>>
      %dma_start3A_72 = tpu.memref_slice %arg3[%mul3A_2] : memref<320000xi32, #tpu.memory_space<hbm>> -> memref<10000xi32, #tpu.memory_space<hbm>>
      tpu.enqueue_dma source(%dma_start3A_72 : memref<10000xi32, #tpu.memory_space<hbm>>) target(%arg7 : memref<10000xi32, #tpu.memory_space<vmem>>) target_semaphore(%run_scoped3A : memref<!tpu.dma_semaphore, #tpu.memory_space<semaphore_mem>>)
      %dma_wait3A_73 = tpu.memref_slice %arg3[%mul3A_2] : memref<320000xi32, #tpu.memory_space<hbm>> -> memref<10000xi32, #tpu.memory_space<hbm>>
      %dma_wait3A_74 = tpu.memref_slice %arg3[%mul3A_2] : memref<320000xi32, #tpu.memory_space<hbm>> -> memref<10000xi32, #tpu.memory_space<hbm>>
      tpu.wait_dma2 semaphore(%run_scoped3A : memref<!tpu.dma_semaphore, #tpu.memory_space<semaphore_mem>>) src(%dma_wait3A_74 : memref<10000xi32, #tpu.memory_space<hbm>>) dst(%arg7 : memref<10000xi32, #tpu.memory_space<vmem>>)
      tpu.yield
    }) : () -> ()
    %lt3A = arith.constant 15 : i32
    %lt3A_3 = arith.cmpi slt, %arg1, %lt3A : i32
    %convert_element_type3A = arith.extui %lt3A_3 : i1 to i32
    %cond3A = arith.constant 0 : i32
    %cond3A_4 = arith.cmpi ne, %convert_element_type3A, %cond3A : i32
    scf.if %cond3A_4 {
      %mul3A_71 = arith.constant 632 : i32
      %mul3A_72 = arith.muli %arg1, %mul3A_71 : i32
      "tpu.region"() ({
        %run_scoped3A = tpu.sem_alloc : memref<!tpu.dma_semaphore, #tpu.memory_space<semaphore_mem>>
        %dma_start3A_73 = arith.constant 0 : i32
        %dma_start3A_74 = tpu.memref_slice %arg14[%mul3A_72, %dma_start3A_73] : memref<10000x128xf32, #tpu.memory_space<vmem_shared>> -> memref<632x128xf32, #tpu.memory_space<vmem_shared>>
        %dma_start3A_75 = arith.constant 0 : i32
        %dma_start3A_76 = tpu.memref_slice %arg5[%mul3A_72, %dma_start3A_75] : memref<10000x128xf32, #tpu.memory_space<hbm>> -> memref<632x128xf32, #tpu.memory_space<hbm>>
        tpu.enqueue_dma source(%dma_start3A_76 : memref<632x128xf32, #tpu.memory_space<hbm>>) target(%dma_start3A_74 : memref<632x128xf32, #tpu.memory_space<vmem_shared>>) target_semaphore(%run_scoped3A : memref<!tpu.dma_semaphore, #tpu.memory_space<semaphore_mem>>)
        %dma_wait3A_77 = arith.constant 0 : i32
        %dma_wait3A_78 = tpu.memref_slice %arg14[%mul3A_72, %dma_wait3A_77] : memref<10000x128xf32, #tpu.memory_space<vmem_shared>> -> memref<632x128xf32, #tpu.memory_space<vmem_shared>>
        %dma_wait3A_79 = arith.constant 0 : i32
        %dma_wait3A_80 = tpu.memref_slice %arg5[%mul3A_72, %dma_wait3A_79] : memref<10000x128xf32, #tpu.memory_space<hbm>> -> memref<632x128xf32, #tpu.memory_space<hbm>>
        tpu.wait_dma2 semaphore(%run_scoped3A : memref<!tpu.dma_semaphore, #tpu.memory_space<semaphore_mem>>) src(%dma_wait3A_80 : memref<632x128xf32, #tpu.memory_space<hbm>>) dst(%dma_wait3A_78 : memref<632x128xf32, #tpu.memory_space<vmem_shared>>)
        tpu.yield
      }) : () -> ()
    } else {
    }
    %eq3A = arith.constant 15 : i32
    %eq3A_5 = arith.cmpi eq, %arg1, %eq3A : i32
    %convert_element_type3A_6 = arith.extui %eq3A_5 : i1 to i32
    %cond3A_7 = arith.constant 0 : i32
    %cond3A_8 = arith.cmpi ne, %convert_element_type3A_6, %cond3A_7 : i32
    scf.if %cond3A_8 {
      "tpu.region"() ({
        %run_scoped3A = tpu.sem_alloc : memref<!tpu.dma_semaphore, #tpu.memory_space<semaphore_mem>>
        %dma_start3A_71 = arith.constant 9480 : i32
        %dma_start3A_72 = arith.constant 0 : i32
        %dma_start3A_73 = tpu.memref_slice %arg14[%dma_start3A_71, %dma_start3A_72] : memref<10000x128xf32, #tpu.memory_space<vmem_shared>> -> memref<520x128xf32, #tpu.memory_space<vmem_shared>>
        %dma_start3A_74 = arith.constant 9480 : i32
        %dma_start3A_75 = arith.constant 0 : i32
        %dma_start3A_76 = tpu.memref_slice %arg5[%dma_start3A_74, %dma_start3A_75] : memref<10000x128xf32, #tpu.memory_space<hbm>> -> memref<520x128xf32, #tpu.memory_space<hbm>>
        tpu.enqueue_dma source(%dma_start3A_76 : memref<520x128xf32, #tpu.memory_space<hbm>>) target(%dma_start3A_73 : memref<520x128xf32, #tpu.memory_space<vmem_shared>>) target_semaphore(%run_scoped3A : memref<!tpu.dma_semaphore, #tpu.memory_space<semaphore_mem>>)
        %dma_wait3A_77 = arith.constant 9480 : i32
        %dma_wait3A_78 = arith.constant 0 : i32
        %dma_wait3A_79 = tpu.memref_slice %arg14[%dma_wait3A_77, %dma_wait3A_78] : memref<10000x128xf32, #tpu.memory_space<vmem_shared>> -> memref<520x128xf32, #tpu.memory_space<vmem_shared>>
        %dma_wait3A_80 = arith.constant 9480 : i32
        %dma_wait3A_81 = arith.constant 0 : i32
        %dma_wait3A_82 = tpu.memref_slice %arg5[%dma_wait3A_80, %dma_wait3A_81] : memref<10000x128xf32, #tpu.memory_space<hbm>> -> memref<520x128xf32, #tpu.memory_space<hbm>>
        tpu.wait_dma2 semaphore(%run_scoped3A : memref<!tpu.dma_semaphore, #tpu.memory_space<semaphore_mem>>) src(%dma_wait3A_82 : memref<520x128xf32, #tpu.memory_space<hbm>>) dst(%dma_wait3A_79 : memref<520x128xf32, #tpu.memory_space<vmem_shared>>)
        tpu.yield
      }) : () -> ()
    } else {
    }
    %barrier3A = arith.constant 0 : index
    tpu.barrier barrier_id(%barrier3A)
    %add3A_9 = arith.constant 0 : i32
    %add3A_10 = arith.addi %mul3A_2, %add3A_9 : i32
    %dma_start3A = tpu.memref_slice %arg4[%add3A_10] : memref<320000xi32, #tpu.memory_space<hbm>> -> memref<128xi32, #tpu.memory_space<hbm>>
    %dma_start3A_11 = tpu.memref_slice %arg4[%add3A_10] : memref<320000xi32, #tpu.memory_space<hbm>> -> memref<128xi32, #tpu.memory_space<hbm>>
    tpu.enqueue_dma source(%dma_start3A_11 : memref<128xi32, #tpu.memory_space<hbm>>) target(%arg8 : memref<128xi32, #tpu.memory_space<vmem>>) target_semaphore(%arg15 : memref<!tpu.dma_semaphore, #tpu.memory_space<semaphore_mem>>)
    %dma_start3A_12 = arith.constant 0 : i32
    %dma_start3A_13 = tpu.memref_slice %arg7[%dma_start3A_12] : memref<10000xi32, #tpu.memory_space<vmem>> -> memref<128xi32, #tpu.memory_space<vmem>>
    %dma_start3A_14 = arith.constant 0 : i32
    %dma_start3A_15 = arith.constant 0 : i32
    %dma_start3A_16 = tpu.memref_slice %arg2[%dma_start3A_14, %dma_start3A_15] : memref<10000x128xf32, #tpu.memory_space<hbm>> -> memref<10000x128xf32, #tpu.memory_space<hbm>>
    tpu.enqueue_indirect_dma source(%dma_start3A_16 : memref<10000x128xf32, #tpu.memory_space<hbm>>) target(%arg11 : memref<128x128xf32, #tpu.memory_space<vmem>>) offsets(%dma_start3A_13 : memref<128xi32, #tpu.memory_space<vmem>>) semaphore(%arg15 : memref<!tpu.dma_semaphore, #tpu.memory_space<semaphore_mem>>)
    %scan3A = arith.constant 0 : i32
    %scan3A_17 = arith.constant 0 : i32
    %scan3A_18 = arith.constant 38 : i32
    %scan3A_19 = arith.addi %scan3A_17, %scan3A_18 : i32
    %scan3A_20 = arith.constant 1 : i32
    scf.for %scan3A_71 = %scan3A_17 to %scan3A_19 step %scan3A_20  : i32 {
      %mul3A_72 = arith.constant 2 : i32
      %mul3A_73 = arith.muli %mul3A_72, %scan3A_71 : i32
      %add3A_74 = arith.constant 1 : i32
      %add3A_75 = arith.addi %mul3A_73, %add3A_74 : i32
      %mul3A_76 = arith.constant 128 : i32
      %mul3A_77 = arith.muli %add3A_75, %mul3A_76 : i32
      %add3A_78 = arith.addi %mul3A_2, %mul3A_77 : i32
      %dma_start3A_79 = tpu.memref_slice %arg4[%add3A_78] : memref<320000xi32, #tpu.memory_space<hbm>> -> memref<128xi32, #tpu.memory_space<hbm>>
      %dma_start3A_80 = tpu.memref_slice %arg4[%add3A_78] : memref<320000xi32, #tpu.memory_space<hbm>> -> memref<128xi32, #tpu.memory_space<hbm>>
      tpu.enqueue_dma source(%dma_start3A_80 : memref<128xi32, #tpu.memory_space<hbm>>) target(%arg9 : memref<128xi32, #tpu.memory_space<vmem>>) target_semaphore(%arg16 : memref<!tpu.dma_semaphore, #tpu.memory_space<semaphore_mem>>)
      %mul3A_81 = arith.constant 128 : i32
      %mul3A_82 = arith.muli %add3A_75, %mul3A_81 : i32
      %dma_start3A_83 = tpu.memref_slice %arg7[%mul3A_82] : memref<10000xi32, #tpu.memory_space<vmem>> -> memref<128xi32, #tpu.memory_space<vmem>>
      %dma_start3A_84 = arith.constant 0 : i32
      %dma_start3A_85 = arith.constant 0 : i32
      %dma_start3A_86 = tpu.memref_slice %arg2[%dma_start3A_84, %dma_start3A_85] : memref<10000x128xf32, #tpu.memory_space<hbm>> -> memref<10000x128xf32, #tpu.memory_space<hbm>>
      tpu.enqueue_indirect_dma source(%dma_start3A_86 : memref<10000x128xf32, #tpu.memory_space<hbm>>) target(%arg12 : memref<128x128xf32, #tpu.memory_space<vmem>>) offsets(%dma_start3A_83 : memref<128xi32, #tpu.memory_space<vmem>>) semaphore(%arg16 : memref<!tpu.dma_semaphore, #tpu.memory_space<semaphore_mem>>)
      %dma_wait3A_87 = tpu.memref_slice %arg4[%mul3A_2] : memref<320000xi32, #tpu.memory_space<hbm>> -> memref<128xi32, #tpu.memory_space<hbm>>
      %dma_wait3A_88 = tpu.memref_slice %arg4[%mul3A_2] : memref<320000xi32, #tpu.memory_space<hbm>> -> memref<128xi32, #tpu.memory_space<hbm>>
      tpu.wait_dma2 semaphore(%arg15 : memref<!tpu.dma_semaphore, #tpu.memory_space<semaphore_mem>>) src(%dma_wait3A_88 : memref<128xi32, #tpu.memory_space<hbm>>) dst(%arg8 : memref<128xi32, #tpu.memory_space<vmem>>)
      %dma_wait3A_89 = arith.constant 0 : i32
      %dma_wait3A_90 = tpu.memref_slice %arg7[%dma_wait3A_89] : memref<10000xi32, #tpu.memory_space<vmem>> -> memref<128xi32, #tpu.memory_space<vmem>>
      %dma_wait3A_91 = arith.constant 0 : i32
      %dma_wait3A_92 = arith.constant 0 : i32
      %dma_wait3A_93 = tpu.memref_slice %arg2[%dma_wait3A_91, %dma_wait3A_92] : memref<10000x128xf32, #tpu.memory_space<hbm>> -> memref<10000x128xf32, #tpu.memory_space<hbm>>
      tpu.wait_indirect_dma semaphore(%arg15 : memref<!tpu.dma_semaphore, #tpu.memory_space<semaphore_mem>>) src(%dma_wait3A_93 : memref<10000x128xf32, #tpu.memory_space<hbm>>) dst(%arg11 : memref<128x128xf32, #tpu.memory_space<vmem>>)
      "tpu.region"() ({
        %run_scoped3A = tpu.sem_alloc : memref<!tpu.dma_semaphore, #tpu.memory_space<semaphore_mem>>
        %dma_start3A_116 = arith.constant 0 : i32
        %dma_start3A_117 = arith.constant 0 : i32
        %dma_start3A_118 = tpu.memref_slice %arg14[%dma_start3A_116, %dma_start3A_117] : memref<10000x128xf32, #tpu.memory_space<vmem_shared>> -> memref<10000x128xf32, #tpu.memory_space<vmem_shared>>
        tpu.enqueue_indirect_dma source(%arg11 : memref<128x128xf32, #tpu.memory_space<vmem>>) target(%dma_start3A_118 : memref<10000x128xf32, #tpu.memory_space<vmem_shared>>) offsets(%arg8 : memref<128xi32, #tpu.memory_space<vmem>>) semaphore(%run_scoped3A : memref<!tpu.dma_semaphore, #tpu.memory_space<semaphore_mem>>) {add = true}
        %dma_wait3A_119 = arith.constant 0 : i32
        %dma_wait3A_120 = arith.constant 0 : i32
        %dma_wait3A_121 = tpu.memref_slice %arg14[%dma_wait3A_119, %dma_wait3A_120] : memref<10000x128xf32, #tpu.memory_space<vmem_shared>> -> memref<10000x128xf32, #tpu.memory_space<vmem_shared>>
        tpu.wait_indirect_dma semaphore(%run_scoped3A : memref<!tpu.dma_semaphore, #tpu.memory_space<semaphore_mem>>) src(%arg11 : memref<128x128xf32, #tpu.memory_space<vmem>>) dst(%dma_wait3A_121 : memref<10000x128xf32, #tpu.memory_space<vmem_shared>>)
        tpu.yield
      }) : () -> ()
      %mul3A_94 = arith.constant 2 : i32
      %mul3A_95 = arith.muli %mul3A_94, %scan3A_71 : i32
      %add3A_96 = arith.constant 2 : i32
      %add3A_97 = arith.addi %mul3A_95, %add3A_96 : i32
      %mul3A_98 = arith.constant 128 : i32
      %mul3A_99 = arith.muli %add3A_97, %mul3A_98 : i32
      %add3A_100 = arith.addi %mul3A_2, %mul3A_99 : i32
      %dma_start3A_101 = tpu.memref_slice %arg4[%add3A_100] : memref<320000xi32, #tpu.memory_space<hbm>> -> memref<128xi32, #tpu.memory_space<hbm>>
      %dma_start3A_102 = tpu.memref_slice %arg4[%add3A_100] : memref<320000xi32, #tpu.memory_space<hbm>> -> memref<128xi32, #tpu.memory_space<hbm>>
      tpu.enqueue_dma source(%dma_start3A_102 : memref<128xi32, #tpu.memory_space<hbm>>) target(%arg8 : memref<128xi32, #tpu.memory_space<vmem>>) target_semaphore(%arg15 : memref<!tpu.dma_semaphore, #tpu.memory_space<semaphore_mem>>)
      %mul3A_103 = arith.constant 128 : i32
      %mul3A_104 = arith.muli %add3A_97, %mul3A_103 : i32
      %dma_start3A_105 = tpu.memref_slice %arg7[%mul3A_104] : memref<10000xi32, #tpu.memory_space<vmem>> -> memref<128xi32, #tpu.memory_space<vmem>>
      %dma_start3A_106 = arith.constant 0 : i32
      %dma_start3A_107 = arith.constant 0 : i32
      %dma_start3A_108 = tpu.memref_slice %arg2[%dma_start3A_106, %dma_start3A_107] : memref<10000x128xf32, #tpu.memory_space<hbm>> -> memref<10000x128xf32, #tpu.memory_space<hbm>>
      tpu.enqueue_indirect_dma source(%dma_start3A_108 : memref<10000x128xf32, #tpu.memory_space<hbm>>) target(%arg11 : memref<128x128xf32, #tpu.memory_space<vmem>>) offsets(%dma_start3A_105 : memref<128xi32, #tpu.memory_space<vmem>>) semaphore(%arg15 : memref<!tpu.dma_semaphore, #tpu.memory_space<semaphore_mem>>)
      %dma_wait3A_109 = tpu.memref_slice %arg4[%mul3A_2] : memref<320000xi32, #tpu.memory_space<hbm>> -> memref<128xi32, #tpu.memory_space<hbm>>
      %dma_wait3A_110 = tpu.memref_slice %arg4[%mul3A_2] : memref<320000xi32, #tpu.memory_space<hbm>> -> memref<128xi32, #tpu.memory_space<hbm>>
      tpu.wait_dma2 semaphore(%arg16 : memref<!tpu.dma_semaphore, #tpu.memory_space<semaphore_mem>>) src(%dma_wait3A_110 : memref<128xi32, #tpu.memory_space<hbm>>) dst(%arg9 : memref<128xi32, #tpu.memory_space<vmem>>)
      %dma_wait3A_111 = arith.constant 0 : i32
      %dma_wait3A_112 = tpu.memref_slice %arg7[%dma_wait3A_111] : memref<10000xi32, #tpu.memory_space<vmem>> -> memref<128xi32, #tpu.memory_space<vmem>>
      %dma_wait3A_113 = arith.constant 0 : i32
      %dma_wait3A_114 = arith.constant 0 : i32
      %dma_wait3A_115 = tpu.memref_slice %arg2[%dma_wait3A_113, %dma_wait3A_114] : memref<10000x128xf32, #tpu.memory_space<hbm>> -> memref<10000x128xf32, #tpu.memory_space<hbm>>
      tpu.wait_indirect_dma semaphore(%arg16 : memref<!tpu.dma_semaphore, #tpu.memory_space<semaphore_mem>>) src(%dma_wait3A_115 : memref<10000x128xf32, #tpu.memory_space<hbm>>) dst(%arg12 : memref<128x128xf32, #tpu.memory_space<vmem>>)
      "tpu.region"() ({
        %run_scoped3A = tpu.sem_alloc : memref<!tpu.dma_semaphore, #tpu.memory_space<semaphore_mem>>
        %dma_start3A_116 = arith.constant 0 : i32
        %dma_start3A_117 = arith.constant 0 : i32
        %dma_start3A_118 = tpu.memref_slice %arg14[%dma_start3A_116, %dma_start3A_117] : memref<10000x128xf32, #tpu.memory_space<vmem_shared>> -> memref<10000x128xf32, #tpu.memory_space<vmem_shared>>
        tpu.enqueue_indirect_dma source(%arg12 : memref<128x128xf32, #tpu.memory_space<vmem>>) target(%dma_start3A_118 : memref<10000x128xf32, #tpu.memory_space<vmem_shared>>) offsets(%arg9 : memref<128xi32, #tpu.memory_space<vmem>>) semaphore(%run_scoped3A : memref<!tpu.dma_semaphore, #tpu.memory_space<semaphore_mem>>) {add = true}
        %dma_wait3A_119 = arith.constant 0 : i32
        %dma_wait3A_120 = arith.constant 0 : i32
        %dma_wait3A_121 = tpu.memref_slice %arg14[%dma_wait3A_119, %dma_wait3A_120] : memref<10000x128xf32, #tpu.memory_space<vmem_shared>> -> memref<10000x128xf32, #tpu.memory_space<vmem_shared>>
        tpu.wait_indirect_dma semaphore(%run_scoped3A : memref<!tpu.dma_semaphore, #tpu.memory_space<semaphore_mem>>) src(%arg12 : memref<128x128xf32, #tpu.memory_space<vmem>>) dst(%dma_wait3A_121 : memref<10000x128xf32, #tpu.memory_space<vmem_shared>>)
        tpu.yield
      }) : () -> ()
    }
    %scan3A_21 = arith.constant 38 : i32
    %add3A_22 = arith.constant 9856 : i32
    %add3A_23 = arith.addi %mul3A_2, %add3A_22 : i32
    %dma_start3A_24 = tpu.memref_slice %arg4[%add3A_23] : memref<320000xi32, #tpu.memory_space<hbm>> -> memref<128xi32, #tpu.memory_space<hbm>>
    %dma_start3A_25 = tpu.memref_slice %arg4[%add3A_23] : memref<320000xi32, #tpu.memory_space<hbm>> -> memref<128xi32, #tpu.memory_space<hbm>>
    tpu.enqueue_dma source(%dma_start3A_25 : memref<128xi32, #tpu.memory_space<hbm>>) target(%arg9 : memref<128xi32, #tpu.memory_space<vmem>>) target_semaphore(%arg16 : memref<!tpu.dma_semaphore, #tpu.memory_space<semaphore_mem>>)
    %dma_start3A_26 = arith.constant 9856 : i32
    %dma_start3A_27 = tpu.memref_slice %arg7[%dma_start3A_26] : memref<10000xi32, #tpu.memory_space<vmem>> -> memref<128xi32, #tpu.memory_space<vmem>>
    %dma_start3A_28 = arith.constant 0 : i32
    %dma_start3A_29 = arith.constant 0 : i32
    %dma_start3A_30 = tpu.memref_slice %arg2[%dma_start3A_28, %dma_start3A_29] : memref<10000x128xf32, #tpu.memory_space<hbm>> -> memref<10000x128xf32, #tpu.memory_space<hbm>>
    tpu.enqueue_indirect_dma source(%dma_start3A_30 : memref<10000x128xf32, #tpu.memory_space<hbm>>) target(%arg12 : memref<128x128xf32, #tpu.memory_space<vmem>>) offsets(%dma_start3A_27 : memref<128xi32, #tpu.memory_space<vmem>>) semaphore(%arg16 : memref<!tpu.dma_semaphore, #tpu.memory_space<semaphore_mem>>)
    %dma_wait3A = tpu.memref_slice %arg4[%mul3A_2] : memref<320000xi32, #tpu.memory_space<hbm>> -> memref<128xi32, #tpu.memory_space<hbm>>
    %dma_wait3A_31 = tpu.memref_slice %arg4[%mul3A_2] : memref<320000xi32, #tpu.memory_space<hbm>> -> memref<128xi32, #tpu.memory_space<hbm>>
    tpu.wait_dma2 semaphore(%arg15 : memref<!tpu.dma_semaphore, #tpu.memory_space<semaphore_mem>>) src(%dma_wait3A_31 : memref<128xi32, #tpu.memory_space<hbm>>) dst(%arg8 : memref<128xi32, #tpu.memory_space<vmem>>)
    %dma_wait3A_32 = arith.constant 0 : i32
    %dma_wait3A_33 = tpu.memref_slice %arg7[%dma_wait3A_32] : memref<10000xi32, #tpu.memory_space<vmem>> -> memref<128xi32, #tpu.memory_space<vmem>>
    %dma_wait3A_34 = arith.constant 0 : i32
    %dma_wait3A_35 = arith.constant 0 : i32
    %dma_wait3A_36 = tpu.memref_slice %arg2[%dma_wait3A_34, %dma_wait3A_35] : memref<10000x128xf32, #tpu.memory_space<hbm>> -> memref<10000x128xf32, #tpu.memory_space<hbm>>
    tpu.wait_indirect_dma semaphore(%arg15 : memref<!tpu.dma_semaphore, #tpu.memory_space<semaphore_mem>>) src(%dma_wait3A_36 : memref<10000x128xf32, #tpu.memory_space<hbm>>) dst(%arg11 : memref<128x128xf32, #tpu.memory_space<vmem>>)
    "tpu.region"() ({
      %run_scoped3A = tpu.sem_alloc : memref<!tpu.dma_semaphore, #tpu.memory_space<semaphore_mem>>
      %dma_start3A_71 = arith.constant 0 : i32
      %dma_start3A_72 = arith.constant 0 : i32
      %dma_start3A_73 = tpu.memref_slice %arg14[%dma_start3A_71, %dma_start3A_72] : memref<10000x128xf32, #tpu.memory_space<vmem_shared>> -> memref<10000x128xf32, #tpu.memory_space<vmem_shared>>
      tpu.enqueue_indirect_dma source(%arg11 : memref<128x128xf32, #tpu.memory_space<vmem>>) target(%dma_start3A_73 : memref<10000x128xf32, #tpu.memory_space<vmem_shared>>) offsets(%arg8 : memref<128xi32, #tpu.memory_space<vmem>>) semaphore(%run_scoped3A : memref<!tpu.dma_semaphore, #tpu.memory_space<semaphore_mem>>) {add = true}
      %dma_wait3A_74 = arith.constant 0 : i32
      %dma_wait3A_75 = arith.constant 0 : i32
      %dma_wait3A_76 = tpu.memref_slice %arg14[%dma_wait3A_74, %dma_wait3A_75] : memref<10000x128xf32, #tpu.memory_space<vmem_shared>> -> memref<10000x128xf32, #tpu.memory_space<vmem_shared>>
      tpu.wait_indirect_dma semaphore(%run_scoped3A : memref<!tpu.dma_semaphore, #tpu.memory_space<semaphore_mem>>) src(%arg11 : memref<128x128xf32, #tpu.memory_space<vmem>>) dst(%dma_wait3A_76 : memref<10000x128xf32, #tpu.memory_space<vmem_shared>>)
      tpu.yield
    }) : () -> ()
    %dma_wait3A_37 = tpu.memref_slice %arg4[%mul3A_2] : memref<320000xi32, #tpu.memory_space<hbm>> -> memref<128xi32, #tpu.memory_space<hbm>>
    %dma_wait3A_38 = tpu.memref_slice %arg4[%mul3A_2] : memref<320000xi32, #tpu.memory_space<hbm>> -> memref<128xi32, #tpu.memory_space<hbm>>
    tpu.wait_dma2 semaphore(%arg16 : memref<!tpu.dma_semaphore, #tpu.memory_space<semaphore_mem>>) src(%dma_wait3A_38 : memref<128xi32, #tpu.memory_space<hbm>>) dst(%arg9 : memref<128xi32, #tpu.memory_space<vmem>>)
    %dma_wait3A_39 = arith.constant 0 : i32
    %dma_wait3A_40 = tpu.memref_slice %arg7[%dma_wait3A_39] : memref<10000xi32, #tpu.memory_space<vmem>> -> memref<128xi32, #tpu.memory_space<vmem>>
    %dma_wait3A_41 = arith.constant 0 : i32
    %dma_wait3A_42 = arith.constant 0 : i32
    %dma_wait3A_43 = tpu.memref_slice %arg2[%dma_wait3A_41, %dma_wait3A_42] : memref<10000x128xf32, #tpu.memory_space<hbm>> -> memref<10000x128xf32, #tpu.memory_space<hbm>>
    tpu.wait_indirect_dma semaphore(%arg16 : memref<!tpu.dma_semaphore, #tpu.memory_space<semaphore_mem>>) src(%dma_wait3A_43 : memref<10000x128xf32, #tpu.memory_space<hbm>>) dst(%arg12 : memref<128x128xf32, #tpu.memory_space<vmem>>)
    "tpu.region"() ({
      %run_scoped3A = tpu.sem_alloc : memref<!tpu.dma_semaphore, #tpu.memory_space<semaphore_mem>>
      %dma_start3A_71 = arith.constant 0 : i32
      %dma_start3A_72 = arith.constant 0 : i32
      %dma_start3A_73 = tpu.memref_slice %arg14[%dma_start3A_71, %dma_start3A_72] : memref<10000x128xf32, #tpu.memory_space<vmem_shared>> -> memref<10000x128xf32, #tpu.memory_space<vmem_shared>>
      tpu.enqueue_indirect_dma source(%arg12 : memref<128x128xf32, #tpu.memory_space<vmem>>) target(%dma_start3A_73 : memref<10000x128xf32, #tpu.memory_space<vmem_shared>>) offsets(%arg9 : memref<128xi32, #tpu.memory_space<vmem>>) semaphore(%run_scoped3A : memref<!tpu.dma_semaphore, #tpu.memory_space<semaphore_mem>>) {add = true}
      %dma_wait3A_74 = arith.constant 0 : i32
      %dma_wait3A_75 = arith.constant 0 : i32
      %dma_wait3A_76 = tpu.memref_slice %arg14[%dma_wait3A_74, %dma_wait3A_75] : memref<10000x128xf32, #tpu.memory_space<vmem_shared>> -> memref<10000x128xf32, #tpu.memory_space<vmem_shared>>
      tpu.wait_indirect_dma semaphore(%run_scoped3A : memref<!tpu.dma_semaphore, #tpu.memory_space<semaphore_mem>>) src(%arg12 : memref<128x128xf32, #tpu.memory_space<vmem>>) dst(%dma_wait3A_76 : memref<10000x128xf32, #tpu.memory_space<vmem_shared>>)
      tpu.yield
    }) : () -> ()
    %add3A_44 = arith.constant 9984 : i32
    %add3A_45 = arith.addi %mul3A_2, %add3A_44 : i32
    %dma_start3A_46 = tpu.memref_slice %arg4[%add3A_45] : memref<320000xi32, #tpu.memory_space<hbm>> -> memref<16xi32, #tpu.memory_space<hbm>>
    %dma_start3A_47 = tpu.memref_slice %arg4[%add3A_45] : memref<320000xi32, #tpu.memory_space<hbm>> -> memref<16xi32, #tpu.memory_space<hbm>>
    tpu.enqueue_dma source(%dma_start3A_47 : memref<16xi32, #tpu.memory_space<hbm>>) target(%arg10 : memref<16xi32, #tpu.memory_space<vmem>>) target_semaphore(%arg15 : memref<!tpu.dma_semaphore, #tpu.memory_space<semaphore_mem>>)
    %dma_start3A_48 = arith.constant 9984 : i32
    %dma_start3A_49 = tpu.memref_slice %arg7[%dma_start3A_48] : memref<10000xi32, #tpu.memory_space<vmem>> -> memref<16xi32, #tpu.memory_space<vmem>>
    %dma_start3A_50 = arith.constant 0 : i32
    %dma_start3A_51 = arith.constant 0 : i32
    %dma_start3A_52 = tpu.memref_slice %arg2[%dma_start3A_50, %dma_start3A_51] : memref<10000x128xf32, #tpu.memory_space<hbm>> -> memref<10000x128xf32, #tpu.memory_space<hbm>>
    tpu.enqueue_indirect_dma source(%dma_start3A_52 : memref<10000x128xf32, #tpu.memory_space<hbm>>) target(%arg13 : memref<16x128xf32, #tpu.memory_space<vmem>>) offsets(%dma_start3A_49 : memref<16xi32, #tpu.memory_space<vmem>>) semaphore(%arg15 : memref<!tpu.dma_semaphore, #tpu.memory_space<semaphore_mem>>)
    %dma_wait3A_53 = tpu.memref_slice %arg4[%mul3A_2] : memref<320000xi32, #tpu.memory_space<hbm>> -> memref<16xi32, #tpu.memory_space<hbm>>
    %dma_wait3A_54 = tpu.memref_slice %arg4[%mul3A_2] : memref<320000xi32, #tpu.memory_space<hbm>> -> memref<16xi32, #tpu.memory_space<hbm>>
    tpu.wait_dma2 semaphore(%arg15 : memref<!tpu.dma_semaphore, #tpu.memory_space<semaphore_mem>>) src(%dma_wait3A_54 : memref<16xi32, #tpu.memory_space<hbm>>) dst(%arg10 : memref<16xi32, #tpu.memory_space<vmem>>)
    %dma_wait3A_55 = arith.constant 0 : i32
    %dma_wait3A_56 = tpu.memref_slice %arg7[%dma_wait3A_55] : memref<10000xi32, #tpu.memory_space<vmem>> -> memref<16xi32, #tpu.memory_space<vmem>>
    %dma_wait3A_57 = arith.constant 0 : i32
    %dma_wait3A_58 = arith.constant 0 : i32
    %dma_wait3A_59 = tpu.memref_slice %arg2[%dma_wait3A_57, %dma_wait3A_58] : memref<10000x128xf32, #tpu.memory_space<hbm>> -> memref<10000x128xf32, #tpu.memory_space<hbm>>
    tpu.wait_indirect_dma semaphore(%arg15 : memref<!tpu.dma_semaphore, #tpu.memory_space<semaphore_mem>>) src(%dma_wait3A_59 : memref<10000x128xf32, #tpu.memory_space<hbm>>) dst(%arg13 : memref<16x128xf32, #tpu.memory_space<vmem>>)
    "tpu.region"() ({
      %run_scoped3A = tpu.sem_alloc : memref<!tpu.dma_semaphore, #tpu.memory_space<semaphore_mem>>
      %dma_start3A_71 = arith.constant 0 : i32
      %dma_start3A_72 = arith.constant 0 : i32
      %dma_start3A_73 = tpu.memref_slice %arg14[%dma_start3A_71, %dma_start3A_72] : memref<10000x128xf32, #tpu.memory_space<vmem_shared>> -> memref<10000x128xf32, #tpu.memory_space<vmem_shared>>
      tpu.enqueue_indirect_dma source(%arg13 : memref<16x128xf32, #tpu.memory_space<vmem>>) target(%dma_start3A_73 : memref<10000x128xf32, #tpu.memory_space<vmem_shared>>) offsets(%arg10 : memref<16xi32, #tpu.memory_space<vmem>>) semaphore(%run_scoped3A : memref<!tpu.dma_semaphore, #tpu.memory_space<semaphore_mem>>) {add = true}
      %dma_wait3A_74 = arith.constant 0 : i32
      %dma_wait3A_75 = arith.constant 0 : i32
      %dma_wait3A_76 = tpu.memref_slice %arg14[%dma_wait3A_74, %dma_wait3A_75] : memref<10000x128xf32, #tpu.memory_space<vmem_shared>> -> memref<10000x128xf32, #tpu.memory_space<vmem_shared>>
      tpu.wait_indirect_dma semaphore(%run_scoped3A : memref<!tpu.dma_semaphore, #tpu.memory_space<semaphore_mem>>) src(%arg13 : memref<16x128xf32, #tpu.memory_space<vmem>>) dst(%dma_wait3A_76 : memref<10000x128xf32, #tpu.memory_space<vmem_shared>>)
      tpu.yield
    }) : () -> ()
    %barrier3A_60 = arith.constant 0 : index
    tpu.barrier barrier_id(%barrier3A_60)
    %lt3A_61 = arith.constant 15 : i32
    %lt3A_62 = arith.cmpi slt, %arg1, %lt3A_61 : i32
    %convert_element_type3A_63 = arith.extui %lt3A_62 : i1 to i32
    %cond3A_64 = arith.constant 0 : i32
    %cond3A_65 = arith.cmpi ne, %convert_element_type3A_63, %cond3A_64 : i32
    scf.if %cond3A_65 {
      %mul3A_71 = arith.constant 632 : i32
      %mul3A_72 = arith.muli %arg1, %mul3A_71 : i32
      %mul3A_73 = arith.constant 10000 : i32
      %mul3A_74 = arith.muli %arg0, %mul3A_73 : i32
      %add3A_75 = arith.addi %mul3A_74, %mul3A_72 : i32
      "tpu.region"() ({
        %run_scoped3A = tpu.sem_alloc : memref<!tpu.dma_semaphore, #tpu.memory_space<semaphore_mem>>
        %dma_start3A_76 = arith.constant 0 : i32
        %dma_start3A_77 = tpu.memref_slice %arg6[%add3A_75, %dma_start3A_76] : memref<20000x128xf32, #tpu.memory_space<hbm>> -> memref<632x128xf32, #tpu.memory_space<hbm>>
        %dma_start3A_78 = arith.constant 0 : i32
        %dma_start3A_79 = tpu.memref_slice %arg14[%mul3A_72, %dma_start3A_78] : memref<10000x128xf32, #tpu.memory_space<vmem_shared>> -> memref<632x128xf32, #tpu.memory_space<vmem_shared>>
        tpu.enqueue_dma source(%dma_start3A_79 : memref<632x128xf32, #tpu.memory_space<vmem_shared>>) target(%dma_start3A_77 : memref<632x128xf32, #tpu.memory_space<hbm>>) target_semaphore(%run_scoped3A : memref<!tpu.dma_semaphore, #tpu.memory_space<semaphore_mem>>)
        %dma_wait3A_80 = arith.constant 0 : i32
        %dma_wait3A_81 = tpu.memref_slice %arg6[%add3A_75, %dma_wait3A_80] : memref<20000x128xf32, #tpu.memory_space<hbm>> -> memref<632x128xf32, #tpu.memory_space<hbm>>
        %dma_wait3A_82 = arith.constant 0 : i32
        %dma_wait3A_83 = tpu.memref_slice %arg14[%mul3A_72, %dma_wait3A_82] : memref<10000x128xf32, #tpu.memory_space<vmem_shared>> -> memref<632x128xf32, #tpu.memory_space<vmem_shared>>
        tpu.wait_dma2 semaphore(%run_scoped3A : memref<!tpu.dma_semaphore, #tpu.memory_space<semaphore_mem>>) src(%dma_wait3A_83 : memref<632x128xf32, #tpu.memory_space<vmem_shared>>) dst(%dma_wait3A_81 : memref<632x128xf32, #tpu.memory_space<hbm>>)
        tpu.yield
      }) : () -> ()
    } else {
    }
    %eq3A_66 = arith.constant 15 : i32
    %eq3A_67 = arith.cmpi eq, %arg1, %eq3A_66 : i32
    %convert_element_type3A_68 = arith.extui %eq3A_67 : i1 to i32
    %cond3A_69 = arith.constant 0 : i32
    %cond3A_70 = arith.cmpi ne, %convert_element_type3A_68, %cond3A_69 : i32
    scf.if %cond3A_70 {
      %mul3A_71 = arith.constant 10000 : i32
      %mul3A_72 = arith.muli %arg0, %mul3A_71 : i32
      %add3A_73 = arith.constant 9480 : i32
      %add3A_74 = arith.addi %mul3A_72, %add3A_73 : i32
      "tpu.region"() ({
        %run_scoped3A = tpu.sem_alloc : memref<!tpu.dma_semaphore, #tpu.memory_space<semaphore_mem>>
        %dma_start3A_75 = arith.constant 0 : i32
        %dma_start3A_76 = tpu.memref_slice %arg6[%add3A_74, %dma_start3A_75] : memref<20000x128xf32, #tpu.memory_space<hbm>> -> memref<520x128xf32, #tpu.memory_space<hbm>>
        %dma_start3A_77 = arith.constant 9480 : i32
        %dma_start3A_78 = arith.constant 0 : i32
        %dma_start3A_79 = tpu.memref_slice %arg14[%dma_start3A_77, %dma_start3A_78] : memref<10000x128xf32, #tpu.memory_space<vmem_shared>> -> memref<520x128xf32, #tpu.memory_space<vmem_shared>>
        tpu.enqueue_dma source(%dma_start3A_79 : memref<520x128xf32, #tpu.memory_space<vmem_shared>>) target(%dma_start3A_76 : memref<520x128xf32, #tpu.memory_space<hbm>>) target_semaphore(%run_scoped3A : memref<!tpu.dma_semaphore, #tpu.memory_space<semaphore_mem>>)
        %dma_wait3A_80 = arith.constant 0 : i32
        %dma_wait3A_81 = tpu.memref_slice %arg6[%add3A_74, %dma_wait3A_80] : memref<20000x128xf32, #tpu.memory_space<hbm>> -> memref<520x128xf32, #tpu.memory_space<hbm>>
        %dma_wait3A_82 = arith.constant 9480 : i32
        %dma_wait3A_83 = arith.constant 0 : i32
        %dma_wait3A_84 = tpu.memref_slice %arg14[%dma_wait3A_82, %dma_wait3A_83] : memref<10000x128xf32, #tpu.memory_space<vmem_shared>> -> memref<520x128xf32, #tpu.memory_space<vmem_shared>>
        tpu.wait_dma2 semaphore(%run_scoped3A : memref<!tpu.dma_semaphore, #tpu.memory_space<semaphore_mem>>) src(%dma_wait3A_84 : memref<520x128xf32, #tpu.memory_space<vmem_shared>>) dst(%dma_wait3A_81 : memref<520x128xf32, #tpu.memory_space<hbm>>)
        tpu.yield
      }) : () -> ()
    } else {
    }
    return
  }
}

module attributes {stable_mosaic.version = 14 : i64} {
  func.func @_encA_kernel(%arg0: i32, %arg1: memref<1000x1xf32, #tpu.memory_space<vmem>>, %arg2: memref<1000x1xf32, #tpu.memory_space<vmem>>, %arg3: memref<1000x128xf32, #tpu.memory_space<vmem>>, %arg4: memref<128x128xf32, #tpu.memory_space<vmem>>, %arg5: memref<1x128xf32, #tpu.memory_space<vmem>>, %arg6: memref<128x128xf32, #tpu.memory_space<vmem>>, %arg7: memref<1000x128xf32, #tpu.memory_space<vmem>>) attributes {dimension_semantics = [#tpu.dimension_semantics<arbitrary>], iteration_bounds = array<i64: 10>, scalar_prefetch = 0 : i64, scratch_operands = 0 : i64, tpu.core_type = #tpu.core_type<tc>, window_params = [{transform_indices = @transform_0, window_bounds = array<i64: 1000, 1>}, {transform_indices = @transform_1, window_bounds = array<i64: 1000, 1>}, {transform_indices = @transform_2, window_bounds = array<i64: 1000, 128>}, {pipeline_mode = #tpu.pipeline_mode<synchronous>, transform_indices = @transform_3, window_bounds = array<i64: 128, 128>}, {pipeline_mode = #tpu.pipeline_mode<synchronous>, transform_indices = @transform_4, window_bounds = array<i64: 1, 128>}, {pipeline_mode = #tpu.pipeline_mode<synchronous>, transform_indices = @transform_5, window_bounds = array<i64: 128, 128>}, {transform_indices = @transform_6, window_bounds = array<i64: 1000, 128>}]} {
    %get3A = arith.constant 0 : index
    %get3A_0 = arith.constant 0 : index
    %get3A_1 = vector.load %arg1[%get3A, %get3A_0] : memref<1000x1xf32, #tpu.memory_space<vmem>>, vector<1000x1xf32>
    %get3A_2 = arith.constant 0 : index
    %get3A_3 = arith.constant 0 : index
    %get3A_4 = vector.load %arg2[%get3A_2, %get3A_3] : memref<1000x1xf32, #tpu.memory_space<vmem>>, vector<1000x1xf32>
    %add3A = arith.addf %get3A_1, %get3A_4 : vector<1000x1xf32>
    %add3A_5 = arith.constant 1.000000e+00 : f32
    %add3A_6 = vector.broadcast %add3A_5 : f32 to vector<1000x1xf32>
    %add3A_7 = arith.addf %add3A, %add3A_6 : vector<1000x1xf32>
    %rsqrt3A = math.rsqrt %add3A_7 : vector<1000x1xf32>
    %broadcast_in_dim3A = vector.shape_cast %rsqrt3A : vector<1000x1xf32> to vector<1000x1xf32>
    %broadcast_in_dim3A_8 = vector.broadcast %broadcast_in_dim3A : vector<1000x1xf32> to vector<1000x128xf32>
    %get3A_9 = arith.constant 0 : index
    %get3A_10 = arith.constant 0 : index
    %get3A_11 = vector.load %arg3[%get3A_9, %get3A_10] : memref<1000x128xf32, #tpu.memory_space<vmem>>, vector<1000x128xf32>
    %get3A_12 = arith.constant 0 : index
    %get3A_13 = arith.constant 0 : index
    %get3A_14 = vector.load %arg4[%get3A_12, %get3A_13] : memref<128x128xf32, #tpu.memory_space<vmem>>, vector<128x128xf32>
    %dot_general3A = arith.constant dense<0.000000e+00> : vector<1000x128xf32>
    %dot_general3A_15 = tpu.matmul %get3A_11, %get3A_14, %dot_general3A {dimension_numbers = #tpu.dot_dimension_numbers<[1], [0], [0], [1], [0, 0, 1, 1], [], []>, transpose_lhs_hint = false} : vector<1000x128xf32>, vector<128x128xf32>, vector<1000x128xf32> -> vector<1000x128xf32>
    %get3A_16 = arith.constant 0 : index
    %get3A_17 = arith.constant 0 : index
    %get3A_18 = vector.load %arg5[%get3A_16, %get3A_17] : memref<1x128xf32, #tpu.memory_space<vmem>>, vector<1x128xf32>
    %add3A_19 = vector.broadcast %get3A_18 : vector<1x128xf32> to vector<1000x128xf32>
    %add3A_20 = arith.addf %dot_general3A_15, %add3A_19 : vector<1000x128xf32>
    %get3A_21 = arith.constant 0 : index
    %get3A_22 = arith.constant 0 : index
    %get3A_23 = vector.load %arg6[%get3A_21, %get3A_22] : memref<128x128xf32, #tpu.memory_space<vmem>>, vector<128x128xf32>
    %dot_general3A_24 = arith.constant dense<0.000000e+00> : vector<1000x128xf32>
    %dot_general3A_25 = tpu.matmul %add3A_20, %get3A_23, %dot_general3A_24 {dimension_numbers = #tpu.dot_dimension_numbers<[1], [0], [0], [1], [0, 0, 1, 1], [], []>, transpose_lhs_hint = false} : vector<1000x128xf32>, vector<128x128xf32>, vector<1000x128xf32> -> vector<1000x128xf32>
    %mul3A = arith.mulf %dot_general3A_25, %broadcast_in_dim3A_8 : vector<1000x128xf32>
    %swap3A = arith.constant 0 : index
    %swap3A_26 = arith.constant 0 : index
    %swap3A_27 = vector.load %arg7[%swap3A, %swap3A_26] : memref<1000x128xf32, #tpu.memory_space<vmem>>, vector<1000x128xf32>
    tpu.vector_store %arg7[%swap3A, %swap3A_26], %mul3A {strides = array<i32>} : memref<1000x128xf32, #tpu.memory_space<vmem>>, vector<1000x128xf32>,
    return
  }
  func.func @transform_0(%arg0: i32) -> (i32, i32) {
    %c0_i32 = arith.constant 0 : i32
    %c0_i32_0 = arith.constant 0 : i32
    return %arg0, %c0_i32 : i32, i32
  }
  func.func @transform_1(%arg0: i32) -> (i32, i32) {
    %add3A = arith.constant 10 : i32
    %add3A_0 = arith.addi %arg0, %add3A : i32
    %c0_i32 = arith.constant 0 : i32
    %c0_i32_1 = arith.constant 0 : i32
    return %add3A_0, %c0_i32 : i32, i32
  }
  func.func @transform_2(%arg0: i32) -> (i32, i32) {
    %c0_i32 = arith.constant 0 : i32
    %c0_i32_0 = arith.constant 0 : i32
    return %arg0, %c0_i32 : i32, i32
  }
  func.func @transform_3(%arg0: i32) -> (i32, i32) {
    %c0_i32 = arith.constant 0 : i32
    %c0_i32_0 = arith.constant 0 : i32
    %c0_i32_1 = arith.constant 0 : i32
    return %c0_i32, %c0_i32_0 : i32, i32
  }
  func.func @transform_4(%arg0: i32) -> (i32, i32) {
    %c0_i32 = arith.constant 0 : i32
    %c0_i32_0 = arith.constant 0 : i32
    %c0_i32_1 = arith.constant 0 : i32
    return %c0_i32, %c0_i32_0 : i32, i32
  }
  func.func @transform_5(%arg0: i32) -> (i32, i32) {
    %c0_i32 = arith.constant 0 : i32
    %c0_i32_0 = arith.constant 0 : i32
    %c0_i32_1 = arith.constant 0 : i32
    return %c0_i32, %c0_i32_0 : i32, i32
  }
  func.func @transform_6(%arg0: i32) -> (i32, i32) {
    %c0_i32 = arith.constant 0 : i32
    %c0_i32_0 = arith.constant 0 : i32
    return %arg0, %c0_i32 : i32, i32
  }
}

module attributes {stable_mosaic.version = 14 : i64} {
  func.func @_postB_kernel(%arg0: i32, %arg1: memref<1000x1xf32, #tpu.memory_space<vmem>>, %arg2: memref<1000x1xf32, #tpu.memory_space<vmem>>, %arg3: memref<1000x128xf32, #tpu.memory_space<vmem>>, %arg4: memref<1000x128xf32, #tpu.memory_space<vmem>>, %arg5: memref<1000x128xf32, #tpu.memory_space<vmem>>, %arg6: memref<1x128xf32, #tpu.memory_space<vmem>>, %arg7: memref<1x128xf32, #tpu.memory_space<vmem>>, %arg8: memref<1x128xf32, #tpu.memory_space<vmem>>, %arg9: memref<128x128xf32, #tpu.memory_space<vmem>>, %arg10: memref<1000x128xf32, #tpu.memory_space<vmem>>) attributes {dimension_semantics = [#tpu.dimension_semantics<arbitrary>], iteration_bounds = array<i64: 10>, scalar_prefetch = 0 : i64, scratch_operands = 0 : i64, tpu.core_type = #tpu.core_type<tc>, window_params = [{transform_indices = @transform_0, window_bounds = array<i64: 1000, 1>}, {transform_indices = @transform_1, window_bounds = array<i64: 1000, 1>}, {transform_indices = @transform_2, window_bounds = array<i64: 1000, 128>}, {transform_indices = @transform_3, window_bounds = array<i64: 1000, 128>}, {transform_indices = @transform_4, window_bounds = array<i64: 1000, 128>}, {pipeline_mode = #tpu.pipeline_mode<synchronous>, transform_indices = @transform_5, window_bounds = array<i64: 1, 128>}, {pipeline_mode = #tpu.pipeline_mode<synchronous>, transform_indices = @transform_6, window_bounds = array<i64: 1, 128>}, {pipeline_mode = #tpu.pipeline_mode<synchronous>, transform_indices = @transform_7, window_bounds = array<i64: 1, 128>}, {pipeline_mode = #tpu.pipeline_mode<synchronous>, transform_indices = @transform_8, window_bounds = array<i64: 128, 128>}, {transform_indices = @transform_9, window_bounds = array<i64: 1000, 128>}]} {
    %get3A = arith.constant 0 : index
    %get3A_0 = arith.constant 0 : index
    %get3A_1 = vector.load %arg1[%get3A, %get3A_0] : memref<1000x1xf32, #tpu.memory_space<vmem>>, vector<1000x1xf32>
    %get3A_2 = arith.constant 0 : index
    %get3A_3 = arith.constant 0 : index
    %get3A_4 = vector.load %arg2[%get3A_2, %get3A_3] : memref<1000x1xf32, #tpu.memory_space<vmem>>, vector<1000x1xf32>
    %add3A = arith.addf %get3A_1, %get3A_4 : vector<1000x1xf32>
    %add3A_5 = arith.constant 1.000000e+00 : f32
    %add3A_6 = vector.broadcast %add3A_5 : f32 to vector<1000x1xf32>
    %add3A_7 = arith.addf %add3A, %add3A_6 : vector<1000x1xf32>
    %rsqrt3A = math.rsqrt %add3A_7 : vector<1000x1xf32>
    %broadcast_in_dim3A = vector.shape_cast %rsqrt3A : vector<1000x1xf32> to vector<1000x1xf32>
    %broadcast_in_dim3A_8 = vector.broadcast %broadcast_in_dim3A : vector<1000x1xf32> to vector<1000x128xf32>
    %get3A_9 = arith.constant 0 : index
    %get3A_10 = arith.constant 0 : index
    %get3A_11 = vector.load %arg3[%get3A_9, %get3A_10] : memref<1000x128xf32, #tpu.memory_space<vmem>>, vector<1000x128xf32>
    %get3A_12 = arith.constant 0 : index
    %get3A_13 = arith.constant 0 : index
    %get3A_14 = vector.load %arg4[%get3A_12, %get3A_13] : memref<1000x128xf32, #tpu.memory_space<vmem>>, vector<1000x128xf32>
    %get3A_15 = arith.constant 0 : index
    %get3A_16 = arith.constant 0 : index
    %get3A_17 = vector.load %arg5[%get3A_15, %get3A_16] : memref<1000x128xf32, #tpu.memory_space<vmem>>, vector<1000x128xf32>
    %get3A_18 = arith.constant 0 : index
    %get3A_19 = arith.constant 0 : index
    %get3A_20 = vector.load %arg6[%get3A_18, %get3A_19] : memref<1x128xf32, #tpu.memory_space<vmem>>, vector<1x128xf32>
    %get3A_21 = arith.constant 0 : index
    %get3A_22 = arith.constant 0 : index
    %get3A_23 = vector.load %arg7[%get3A_21, %get3A_22] : memref<1x128xf32, #tpu.memory_space<vmem>>, vector<1x128xf32>
    %get3A_24 = arith.constant 0 : index
    %get3A_25 = arith.constant 0 : index
    %get3A_26 = vector.load %arg8[%get3A_24, %get3A_25] : memref<1x128xf32, #tpu.memory_space<vmem>>, vector<1x128xf32>
    %add3A_27 = arith.addf %get3A_11, %get3A_14 : vector<1000x128xf32>
    %add3A_28 = arith.addf %add3A_27, %get3A_17 : vector<1000x128xf32>
    %mul3A = arith.mulf %add3A_28, %broadcast_in_dim3A_8 : vector<1000x128xf32>
    %add3A_29 = vector.broadcast %get3A_20 : vector<1x128xf32> to vector<1000x128xf32>
    %add3A_30 = arith.addf %mul3A, %add3A_29 : vector<1000x128xf32>
    %reduce_sum3A = arith.constant dense<0.000000e+00> : vector<1000xf32>
    %reduce_sum3A_31 = vector.multi_reduction <add>, %add3A_30, %reduce_sum3A [1] : vector<1000x128xf32> to vector<1000xf32>
    %broadcast_in_dim3A_32 = vector.shape_cast %reduce_sum3A_31 : vector<1000xf32> to vector<1000x1xf32>
    %div3A = arith.constant 1.280000e+02 : f32
    %div3A_33 = vector.broadcast %div3A : f32 to vector<1000x1xf32>
    %div3A_34 = arith.divf %broadcast_in_dim3A_32, %div3A_33 : vector<1000x1xf32>
    %sub3A = vector.broadcast %div3A_34 : vector<1000x1xf32> to vector<1000x128xf32>
    %sub3A_35 = arith.subf %add3A_30, %sub3A : vector<1000x128xf32>
    %mul3A_36 = arith.mulf %sub3A_35, %sub3A_35 : vector<1000x128xf32>
    %reduce_sum3A_37 = arith.constant dense<0.000000e+00> : vector<1000xf32>
    %reduce_sum3A_38 = vector.multi_reduction <add>, %mul3A_36, %reduce_sum3A_37 [1] : vector<1000x128xf32> to vector<1000xf32>
    %broadcast_in_dim3A_39 = vector.shape_cast %reduce_sum3A_38 : vector<1000xf32> to vector<1000x1xf32>
    %div3A_40 = arith.constant 1.280000e+02 : f32
    %div3A_41 = vector.broadcast %div3A_40 : f32 to vector<1000x1xf32>
    %div3A_42 = arith.divf %broadcast_in_dim3A_39, %div3A_41 : vector<1000x1xf32>
    %add3A_43 = arith.constant 9.99999974E-6 : f32
    %add3A_44 = vector.broadcast %add3A_43 : f32 to vector<1000x1xf32>
    %add3A_45 = arith.addf %div3A_42, %add3A_44 : vector<1000x1xf32>
    %rsqrt3A_46 = math.rsqrt %add3A_45 : vector<1000x1xf32>
    %mul3A_47 = vector.broadcast %rsqrt3A_46 : vector<1000x1xf32> to vector<1000x128xf32>
    %mul3A_48 = arith.mulf %sub3A_35, %mul3A_47 : vector<1000x128xf32>
    %mul3A_49 = vector.broadcast %get3A_23 : vector<1x128xf32> to vector<1000x128xf32>
    %mul3A_50 = arith.mulf %mul3A_48, %mul3A_49 : vector<1000x128xf32>
    %add3A_51 = vector.broadcast %get3A_26 : vector<1x128xf32> to vector<1000x128xf32>
    %add3A_52 = arith.addf %mul3A_50, %add3A_51 : vector<1000x128xf32>
    %max3A = arith.constant 0.000000e+00 : f32
    %max3A_53 = vector.broadcast %max3A : f32 to vector<1000x128xf32>
    %max3A_54 = arith.maximumf %add3A_52, %max3A_53 : vector<1000x128xf32>
    %get3A_55 = arith.constant 0 : index
    %get3A_56 = arith.constant 0 : index
    %get3A_57 = vector.load %arg9[%get3A_55, %get3A_56] : memref<128x128xf32, #tpu.memory_space<vmem>>, vector<128x128xf32>
    %dot_general3A = arith.constant dense<0.000000e+00> : vector<1000x128xf32>
    %dot_general3A_58 = tpu.matmul %max3A_54, %get3A_57, %dot_general3A {dimension_numbers = #tpu.dot_dimension_numbers<[1], [0], [0], [1], [0, 0, 1, 1], [], []>, transpose_lhs_hint = false} : vector<1000x128xf32>, vector<128x128xf32>, vector<1000x128xf32> -> vector<1000x128xf32>
    %mul3A_59 = arith.mulf %dot_general3A_58, %broadcast_in_dim3A_8 : vector<1000x128xf32>
    %swap3A = arith.constant 0 : index
    %swap3A_60 = arith.constant 0 : index
    %swap3A_61 = vector.load %arg10[%swap3A, %swap3A_60] : memref<1000x128xf32, #tpu.memory_space<vmem>>, vector<1000x128xf32>
    tpu.vector_store %arg10[%swap3A, %swap3A_60], %mul3A_59 {strides = array<i32>} : memref<1000x128xf32, #tpu.memory_space<vmem>>, vector<1000x128xf32>,
    return
  }
  func.func @transform_0(%arg0: i32) -> (i32, i32) {
    %c0_i32 = arith.constant 0 : i32
    %c0_i32_0 = arith.constant 0 : i32
    return %arg0, %c0_i32 : i32, i32
  }
  func.func @transform_1(%arg0: i32) -> (i32, i32) {
    %add3A = arith.constant 10 : i32
    %add3A_0 = arith.addi %arg0, %add3A : i32
    %c0_i32 = arith.constant 0 : i32
    %c0_i32_1 = arith.constant 0 : i32
    return %add3A_0, %c0_i32 : i32, i32
  }
  func.func @transform_2(%arg0: i32) -> (i32, i32) {
    %c0_i32 = arith.constant 0 : i32
    %c0_i32_0 = arith.constant 0 : i32
    return %arg0, %c0_i32 : i32, i32
  }
  func.func @transform_3(%arg0: i32) -> (i32, i32) {
    %add3A = arith.constant 10 : i32
    %add3A_0 = arith.addi %arg0, %add3A : i32
    %c0_i32 = arith.constant 0 : i32
    %c0_i32_1 = arith.constant 0 : i32
    return %add3A_0, %c0_i32 : i32, i32
  }
  func.func @transform_4(%arg0: i32) -> (i32, i32) {
    %c0_i32 = arith.constant 0 : i32
    %c0_i32_0 = arith.constant 0 : i32
    return %arg0, %c0_i32 : i32, i32
  }
  func.func @transform_5(%arg0: i32) -> (i32, i32) {
    %c0_i32 = arith.constant 0 : i32
    %c0_i32_0 = arith.constant 0 : i32
    %c0_i32_1 = arith.constant 0 : i32
    return %c0_i32, %c0_i32_0 : i32, i32
  }
  func.func @transform_6(%arg0: i32) -> (i32, i32) {
    %c0_i32 = arith.constant 0 : i32
    %c0_i32_0 = arith.constant 0 : i32
    %c0_i32_1 = arith.constant 0 : i32
    return %c0_i32, %c0_i32_0 : i32, i32
  }
  func.func @transform_7(%arg0: i32) -> (i32, i32) {
    %c0_i32 = arith.constant 0 : i32
    %c0_i32_0 = arith.constant 0 : i32
    %c0_i32_1 = arith.constant 0 : i32
    return %c0_i32, %c0_i32_0 : i32, i32
  }
  func.func @transform_8(%arg0: i32) -> (i32, i32) {
    %c0_i32 = arith.constant 0 : i32
    %c0_i32_0 = arith.constant 0 : i32
    %c0_i32_1 = arith.constant 0 : i32
    return %c0_i32, %c0_i32_0 : i32, i32
  }
  func.func @transform_9(%arg0: i32) -> (i32, i32) {
    %c0_i32 = arith.constant 0 : i32
    %c0_i32_0 = arith.constant 0 : i32
    return %arg0, %c0_i32 : i32, i32
  }
}

module attributes {stable_mosaic.version = 14 : i64} {
  func.func @_postC_kernel(%arg0: i32, %arg1: memref<1000x1xf32, #tpu.memory_space<vmem>>, %arg2: memref<1000x1xf32, #tpu.memory_space<vmem>>, %arg3: memref<1000x128xf32, #tpu.memory_space<vmem>>, %arg4: memref<1000x128xf32, #tpu.memory_space<vmem>>, %arg5: memref<1000x128xf32, #tpu.memory_space<vmem>>, %arg6: memref<1x128xf32, #tpu.memory_space<vmem>>, %arg7: memref<1x128xf32, #tpu.memory_space<vmem>>, %arg8: memref<1x128xf32, #tpu.memory_space<vmem>>, %arg9: memref<128x128xf32, #tpu.memory_space<vmem>>, %arg10: memref<1x128xf32, #tpu.memory_space<vmem>>, %arg11: memref<128x128xf32, #tpu.memory_space<vmem>>, %arg12: memref<1x128xf32, #tpu.memory_space<vmem>>, %arg13: memref<1000x128xf32, #tpu.memory_space<vmem>>) attributes {dimension_semantics = [#tpu.dimension_semantics<arbitrary>], iteration_bounds = array<i64: 10>, scalar_prefetch = 0 : i64, scratch_operands = 0 : i64, tpu.core_type = #tpu.core_type<tc>, window_params = [{transform_indices = @transform_0, window_bounds = array<i64: 1000, 1>}, {transform_indices = @transform_1, window_bounds = array<i64: 1000, 1>}, {transform_indices = @transform_2, window_bounds = array<i64: 1000, 128>}, {transform_indices = @transform_3, window_bounds = array<i64: 1000, 128>}, {transform_indices = @transform_4, window_bounds = array<i64: 1000, 128>}, {pipeline_mode = #tpu.pipeline_mode<synchronous>, transform_indices = @transform_5, window_bounds = array<i64: 1, 128>}, {pipeline_mode = #tpu.pipeline_mode<synchronous>, transform_indices = @transform_6, window_bounds = array<i64: 1, 128>}, {pipeline_mode = #tpu.pipeline_mode<synchronous>, transform_indices = @transform_7, window_bounds = array<i64: 1, 128>}, {pipeline_mode = #tpu.pipeline_mode<synchronous>, transform_indices = @transform_8, window_bounds = array<i64: 128, 128>}, {pipeline_mode = #tpu.pipeline_mode<synchronous>, transform_indices = @transform_9, window_bounds = array<i64: 1, 128>}, {pipeline_mode = #tpu.pipeline_mode<synchronous>, transform_indices = @transform_10, window_bounds = array<i64: 128, 128>}, {pipeline_mode = #tpu.pipeline_mode<synchronous>, transform_indices = @transform_11, window_bounds = array<i64: 1, 128>}, {transform_indices = @transform_12, window_bounds = array<i64: 1000, 128>}]} {
    %get3A = arith.constant 0 : index
    %get3A_0 = arith.constant 0 : index
    %get3A_1 = vector.load %arg1[%get3A, %get3A_0] : memref<1000x1xf32, #tpu.memory_space<vmem>>, vector<1000x1xf32>
    %get3A_2 = arith.constant 0 : index
    %get3A_3 = arith.constant 0 : index
    %get3A_4 = vector.load %arg2[%get3A_2, %get3A_3] : memref<1000x1xf32, #tpu.memory_space<vmem>>, vector<1000x1xf32>
    %add3A = arith.addf %get3A_1, %get3A_4 : vector<1000x1xf32>
    %add3A_5 = arith.constant 1.000000e+00 : f32
    %add3A_6 = vector.broadcast %add3A_5 : f32 to vector<1000x1xf32>
    %add3A_7 = arith.addf %add3A, %add3A_6 : vector<1000x1xf32>
    %rsqrt3A = math.rsqrt %add3A_7 : vector<1000x1xf32>
    %broadcast_in_dim3A = vector.shape_cast %rsqrt3A : vector<1000x1xf32> to vector<1000x1xf32>
    %broadcast_in_dim3A_8 = vector.broadcast %broadcast_in_dim3A : vector<1000x1xf32> to vector<1000x128xf32>
    %get3A_9 = arith.constant 0 : index
    %get3A_10 = arith.constant 0 : index
    %get3A_11 = vector.load %arg3[%get3A_9, %get3A_10] : memref<1000x128xf32, #tpu.memory_space<vmem>>, vector<1000x128xf32>
    %get3A_12 = arith.constant 0 : index
    %get3A_13 = arith.constant 0 : index
    %get3A_14 = vector.load %arg4[%get3A_12, %get3A_13] : memref<1000x128xf32, #tpu.memory_space<vmem>>, vector<1000x128xf32>
    %get3A_15 = arith.constant 0 : index
    %get3A_16 = arith.constant 0 : index
    %get3A_17 = vector.load %arg5[%get3A_15, %get3A_16] : memref<1000x128xf32, #tpu.memory_space<vmem>>, vector<1000x128xf32>
    %get3A_18 = arith.constant 0 : index
    %get3A_19 = arith.constant 0 : index
    %get3A_20 = vector.load %arg6[%get3A_18, %get3A_19] : memref<1x128xf32, #tpu.memory_space<vmem>>, vector<1x128xf32>
    %get3A_21 = arith.constant 0 : index
    %get3A_22 = arith.constant 0 : index
    %get3A_23 = vector.load %arg7[%get3A_21, %get3A_22] : memref<1x128xf32, #tpu.memory_space<vmem>>, vector<1x128xf32>
    %get3A_24 = arith.constant 0 : index
    %get3A_25 = arith.constant 0 : index
    %get3A_26 = vector.load %arg8[%get3A_24, %get3A_25] : memref<1x128xf32, #tpu.memory_space<vmem>>, vector<1x128xf32>
    %add3A_27 = arith.addf %get3A_11, %get3A_14 : vector<1000x128xf32>
    %add3A_28 = arith.addf %add3A_27, %get3A_17 : vector<1000x128xf32>
    %mul3A = arith.mulf %add3A_28, %broadcast_in_dim3A_8 : vector<1000x128xf32>
    %add3A_29 = vector.broadcast %get3A_20 : vector<1x128xf32> to vector<1000x128xf32>
    %add3A_30 = arith.addf %mul3A, %add3A_29 : vector<1000x128xf32>
    %reduce_sum3A = arith.constant dense<0.000000e+00> : vector<1000xf32>
    %reduce_sum3A_31 = vector.multi_reduction <add>, %add3A_30, %reduce_sum3A [1] : vector<1000x128xf32> to vector<1000xf32>
    %broadcast_in_dim3A_32 = vector.shape_cast %reduce_sum3A_31 : vector<1000xf32> to vector<1000x1xf32>
    %div3A = arith.constant 1.280000e+02 : f32
    %div3A_33 = vector.broadcast %div3A : f32 to vector<1000x1xf32>
    %div3A_34 = arith.divf %broadcast_in_dim3A_32, %div3A_33 : vector<1000x1xf32>
    %sub3A = vector.broadcast %div3A_34 : vector<1000x1xf32> to vector<1000x128xf32>
    %sub3A_35 = arith.subf %add3A_30, %sub3A : vector<1000x128xf32>
    %mul3A_36 = arith.mulf %sub3A_35, %sub3A_35 : vector<1000x128xf32>
    %reduce_sum3A_37 = arith.constant dense<0.000000e+00> : vector<1000xf32>
    %reduce_sum3A_38 = vector.multi_reduction <add>, %mul3A_36, %reduce_sum3A_37 [1] : vector<1000x128xf32> to vector<1000xf32>
    %broadcast_in_dim3A_39 = vector.shape_cast %reduce_sum3A_38 : vector<1000xf32> to vector<1000x1xf32>
    %div3A_40 = arith.constant 1.280000e+02 : f32
    %div3A_41 = vector.broadcast %div3A_40 : f32 to vector<1000x1xf32>
    %div3A_42 = arith.divf %broadcast_in_dim3A_39, %div3A_41 : vector<1000x1xf32>
    %add3A_43 = arith.constant 9.99999974E-6 : f32
    %add3A_44 = vector.broadcast %add3A_43 : f32 to vector<1000x1xf32>
    %add3A_45 = arith.addf %div3A_42, %add3A_44 : vector<1000x1xf32>
    %rsqrt3A_46 = math.rsqrt %add3A_45 : vector<1000x1xf32>
    %mul3A_47 = vector.broadcast %rsqrt3A_46 : vector<1000x1xf32> to vector<1000x128xf32>
    %mul3A_48 = arith.mulf %sub3A_35, %mul3A_47 : vector<1000x128xf32>
    %mul3A_49 = vector.broadcast %get3A_23 : vector<1x128xf32> to vector<1000x128xf32>
    %mul3A_50 = arith.mulf %mul3A_48, %mul3A_49 : vector<1000x128xf32>
    %add3A_51 = vector.broadcast %get3A_26 : vector<1x128xf32> to vector<1000x128xf32>
    %add3A_52 = arith.addf %mul3A_50, %add3A_51 : vector<1000x128xf32>
    %max3A = arith.constant 0.000000e+00 : f32
    %max3A_53 = vector.broadcast %max3A : f32 to vector<1000x128xf32>
    %max3A_54 = arith.maximumf %add3A_52, %max3A_53 : vector<1000x128xf32>
    %get3A_55 = arith.constant 0 : index
    %get3A_56 = arith.constant 0 : index
    %get3A_57 = vector.load %arg9[%get3A_55, %get3A_56] : memref<128x128xf32, #tpu.memory_space<vmem>>, vector<128x128xf32>
    %dot_general3A = arith.constant dense<0.000000e+00> : vector<1000x128xf32>
    %dot_general3A_58 = tpu.matmul %max3A_54, %get3A_57, %dot_general3A {dimension_numbers = #tpu.dot_dimension_numbers<[1], [0], [0], [1], [0, 0, 1, 1], [], []>, transpose_lhs_hint = false} : vector<1000x128xf32>, vector<128x128xf32>, vector<1000x128xf32> -> vector<1000x128xf32>
    %get3A_59 = arith.constant 0 : index
    %get3A_60 = arith.constant 0 : index
    %get3A_61 = vector.load %arg10[%get3A_59, %get3A_60] : memref<1x128xf32, #tpu.memory_space<vmem>>, vector<1x128xf32>
    %add3A_62 = vector.broadcast %get3A_61 : vector<1x128xf32> to vector<1000x128xf32>
    %add3A_63 = arith.addf %dot_general3A_58, %add3A_62 : vector<1000x128xf32>
    %max3A_64 = arith.constant 0.000000e+00 : f32
    %max3A_65 = vector.broadcast %max3A_64 : f32 to vector<1000x128xf32>
    %max3A_66 = arith.maximumf %add3A_63, %max3A_65 : vector<1000x128xf32>
    %get3A_67 = arith.constant 0 : index
    %get3A_68 = arith.constant 0 : index
    %get3A_69 = vector.load %arg11[%get3A_67, %get3A_68] : memref<128x128xf32, #tpu.memory_space<vmem>>, vector<128x128xf32>
    %dot_general3A_70 = arith.constant dense<0.000000e+00> : vector<1000x128xf32>
    %dot_general3A_71 = tpu.matmul %max3A_66, %get3A_69, %dot_general3A_70 {dimension_numbers = #tpu.dot_dimension_numbers<[1], [0], [0], [1], [0, 0, 1, 1], [], []>, transpose_lhs_hint = false} : vector<1000x128xf32>, vector<128x128xf32>, vector<1000x128xf32> -> vector<1000x128xf32>
    %get3A_72 = arith.constant 0 : index
    %get3A_73 = arith.constant 0 : index
    %get3A_74 = vector.load %arg12[%get3A_72, %get3A_73] : memref<1x128xf32, #tpu.memory_space<vmem>>, vector<1x128xf32>
    %add3A_75 = vector.broadcast %get3A_74 : vector<1x128xf32> to vector<1000x128xf32>
    %add3A_76 = arith.addf %dot_general3A_71, %add3A_75 : vector<1000x128xf32>
    %swap3A = arith.constant 0 : index
    %swap3A_77 = arith.constant 0 : index
    %swap3A_78 = vector.load %arg13[%swap3A, %swap3A_77] : memref<1000x128xf32, #tpu.memory_space<vmem>>, vector<1000x128xf32>
    tpu.vector_store %arg13[%swap3A, %swap3A_77], %add3A_76 {strides = array<i32>} : memref<1000x128xf32, #tpu.memory_space<vmem>>, vector<1000x128xf32>,
    return
  }
  func.func @transform_0(%arg0: i32) -> (i32, i32) {
    %c0_i32 = arith.constant 0 : i32
    %c0_i32_0 = arith.constant 0 : i32
    return %arg0, %c0_i32 : i32, i32
  }
  func.func @transform_1(%arg0: i32) -> (i32, i32) {
    %add3A = arith.constant 10 : i32
    %add3A_0 = arith.addi %arg0, %add3A : i32
    %c0_i32 = arith.constant 0 : i32
    %c0_i32_1 = arith.constant 0 : i32
    return %add3A_0, %c0_i32 : i32, i32
  }
  func.func @transform_2(%arg0: i32) -> (i32, i32) {
    %c0_i32 = arith.constant 0 : i32
    %c0_i32_0 = arith.constant 0 : i32
    return %arg0, %c0_i32 : i32, i32
  }
  func.func @transform_3(%arg0: i32) -> (i32, i32) {
    %add3A = arith.constant 10 : i32
    %add3A_0 = arith.addi %arg0, %add3A : i32
    %c0_i32 = arith.constant 0 : i32
    %c0_i32_1 = arith.constant 0 : i32
    return %add3A_0, %c0_i32 : i32, i32
  }
  func.func @transform_4(%arg0: i32) -> (i32, i32) {
    %c0_i32 = arith.constant 0 : i32
    %c0_i32_0 = arith.constant 0 : i32
    return %arg0, %c0_i32 : i32, i32
  }
  func.func @transform_5(%arg0: i32) -> (i32, i32) {
    %c0_i32 = arith.constant 0 : i32
    %c0_i32_0 = arith.constant 0 : i32
    %c0_i32_1 = arith.constant 0 : i32
    return %c0_i32, %c0_i32_0 : i32, i32
  }
  func.func @transform_6(%arg0: i32) -> (i32, i32) {
    %c0_i32 = arith.constant 0 : i32
    %c0_i32_0 = arith.constant 0 : i32
    %c0_i32_1 = arith.constant 0 : i32
    return %c0_i32, %c0_i32_0 : i32, i32
  }
  func.func @transform_7(%arg0: i32) -> (i32, i32) {
    %c0_i32 = arith.constant 0 : i32
    %c0_i32_0 = arith.constant 0 : i32
    %c0_i32_1 = arith.constant 0 : i32
    return %c0_i32, %c0_i32_0 : i32, i32
  }
  func.func @transform_8(%arg0: i32) -> (i32, i32) {
    %c0_i32 = arith.constant 0 : i32
    %c0_i32_0 = arith.constant 0 : i32
    %c0_i32_1 = arith.constant 0 : i32
    return %c0_i32, %c0_i32_0 : i32, i32
  }
  func.func @transform_9(%arg0: i32) -> (i32, i32) {
    %c0_i32 = arith.constant 0 : i32
    %c0_i32_0 = arith.constant 0 : i32
    %c0_i32_1 = arith.constant 0 : i32
    return %c0_i32, %c0_i32_0 : i32, i32
  }
  func.func @transform_10(%arg0: i32) -> (i32, i32) {
    %c0_i32 = arith.constant 0 : i32
    %c0_i32_0 = arith.constant 0 : i32
    %c0_i32_1 = arith.constant 0 : i32
    return %c0_i32, %c0_i32_0 : i32, i32
  }
  func.func @transform_11(%arg0: i32) -> (i32, i32) {
    %c0_i32 = arith.constant 0 : i32
    %c0_i32_0 = arith.constant 0 : i32
    %c0_i32_1 = arith.constant 0 : i32
    return %c0_i32, %c0_i32_0 : i32, i32
  }
  func.func @transform_12(%arg0: i32) -> (i32, i32) {
    %c0_i32 = arith.constant 0 : i32
    %c0_i32_0 = arith.constant 0 : i32
    return %arg0, %c0_i32 : i32, i32
  }
}

</mosaic_0001>

<sc_bundles>
// kernel: kernel.10.cloned.1.call-start
scs
__scs_entry_jumppad:
0x0: {  	(pc) =	sbr.rel $0x88, $3  }
0x1: {  	(tag) =	ssettag $0x0;
	lr =	simm.s32 $0x1  }
0x2: {  	[smem:$0x3F95] =	sst lr;
	_ =	strace $0xD0000000  }
0x3: {  	_ = 	snop  }
0x4: {  	_ = 	snop  }
0x5: {  	_ = 	snop  }
0x6: {  	_ = 	snop  }
0x7: {  	_ = 	snop  }
__scs_overlays_trampoline_lowered:
0x8: {  	[smem:$0x3FA4] =	sst s0  }
0x9: {  	[smem:$0x3FA5] =	sst s1  }
0xa: {  	[smem:$0x3FA6] =	sst s2  }
0xb: {  	[smem:$0x3FA7] =	sst s3  }
0xc: {  	[smem:$0x3FA8] =	sst s4  }
0xd: {  	[smem:$0x3FA9] =	sst s5  }
0xe: {  	[smem:$0x3FAA] =	sst s6  }
0xf: {  	[smem:$0x3FAB] =	sst s7  }
0x10: {  	[smem:$0x3FAC] =	sst s8  }
0x11: {  	[smem:$0x3FAD] =	sst s9;
	s0 =	simm.s32 @!p0 $0x0  }
0x12: {  	s1 =	sld [smem:$0x3F93];
	s0 =	simm.s32 @p0 $0x1  }
0x13: {  	[smem:$0x3FAE] =	sst s0;
	s0 =	simm.s32 @!p1 $0x0  }
0x14: {  	s2 =	sld [smem:$0x3F92];
	s0 =	simm.s32 @p1 $0x1  }
0x15: {  	[smem:$0x3FAF] =	sst s0;
	s0 =	simm.s32 @!p2 $0x0  }
0x16: {  	s3 =	sld [smem:$0x3FDB];
	s0 =	simm.s32 @p2 $0x1  }
0x17: {  	s4 =	simm.s32 $0x1BF5;
	[smem:$0x3FB1] =	sst s0  }
0x18: {  	s0 =	sld [smem:$0x3F94];
	_ =	swait.ge [sflag:s4], $0x0  }
0x19: {  	s7 =	sld [smem:$0x3F95]  }
0x1a: {  	s8 =	sadd.s32 $0xFFFFE003, lr  }
0x1b: {  	s9 =	sadd.s32 $0xFFFFFEF7, lr;
	s5 =	simm.s32 $0xFFFFFFFF;
	p2 =	slt.u32 s8, $0xFFFFF086  }
0x1c: {  	p1 =	slt.u32 s9, $0xF7A;
	s5 =	simm.s32 @!p2 $0x0  }
0x1d: {  	s5 =	simm.s32 @p1 $0x1;
	p0 =	seq.s32 s7, s2  }
0x1e: {  	s7 =	smul.u32 @!p0 $0xF7A, s2;
	p2 =	seq.s32 @!p0 s5, $0x0  }
0x1f: {  	s9 =	smul.u32 $0xF7A, s1;
	s8 =	simm.s32 @!p0 $0x1BF5;
	p2 =	por !p2, p0  }
0x20: {  	[sflag:s8] =	ssyncset.s32 @!p0 $0xFFFFF086;
	s6 =	sadd.s32 @!p0 s3, s7;
	s7 =	simm.s32 @!p0 $0x108  }
0x21: {  	s3 =	sadd.s32 s3, s9;
	s6 =	sadd.s32 @!p0 $0x88, s6;
	s7 =	simm.s32 @p2 $0x1082  }
0x22: {  	[simem:s7], [sflag:s8] =	dma.local @!p0 [hbm:s6], $0xF7A  }
0x23: {  	s9 =	sor.u32 $0xD0000000, s2;
	s6 =	simm.s32 $0x108;
	_ =	swait.ge @!p0 [sflag:s8], $0x0  }
0x24: {  	s3 =	sadd.s32 $0x88, s3;
	s6 =	simm.s32 @!p1 $0x1082;
	[sflag:s4] =	ssyncset.s32 $0xFFFFF086  }
0x25: {  	[simem:s6], [sflag:s4] =	dma.local [hbm:s3], $0xF7A  }
0x26: {  	[smem:$0x3F95] =	sst s1;
	(tag) =	ssettag s2;
	_ =	strace s9  }
0x27: {  	s1 =	sld [smem:$0x3FA5]  }
0x28: {  	s2 =	sld [smem:$0x3FA6]  }
0x29: {  	s4 =	sld [smem:$0x3FA8]  }
0x2a: {  	p0 =	seq.s32 s5, $0x0;
	s5 =	sld [smem:$0x3FA9]  }
0x2b: {  	s6 =	sld [smem:$0x3FAA]  }
0x2c: {  	s7 =	sld [smem:$0x3FAB]  }
0x2d: {  	s3 =	simm.s32 $0x108;
	s8 =	sld [smem:$0x3FAC]  }
0x2e: {  	s3 =	simm.s32 @!p0 $0x1082;
	s9 =	sld [smem:$0x3FAD]  }
0x2f: {  	lr =	sadd.s32 s0, s3;
	s0 =	sld [smem:$0x3FA4]  }
0x30: {  	s3 =	sld [smem:$0x3FA7]  }
0x31: {  	[smem:$0x3FB0] =	sst s10  }
0x32: {  	s10 =	sld [smem:$0x3FAE];
	_ =	sdelay $0x3  }
0x33: {  	p0 =	seq.s32 s10, $0x1;
	s10 =	sld [smem:$0x3FB0];
	_ =	sdelay $0x3  }
0x34: {  	[smem:$0x3FB0] =	sst s10  }
0x35: {  	s10 =	sld [smem:$0x3FAF];
	_ =	sdelay $0x3  }
0x36: {  	p1 =	seq.s32 s10, $0x1;
	s10 =	sld [smem:$0x3FB0];
	_ =	sdelay $0x3  }
0x37: {  	[smem:$0x3FB0] =	sst s10  }
0x38: {  	s10 =	sld [smem:$0x3FB1]  }
0x39: {  	_ = 	snop;
	(pc) =	sbr.ind lr, $3  }
0x3a: {  	_ = 	snop  }
0x3b: {  	_ = 	snop  }
0x3c: {  	p2 =	seq.s32 s10, $0x1;
	s10 =	sld [smem:$0x3FB0]  }
0x3d: {  	_ =	shalt  }
0x3e: {  	_ =	shalt  }
0x3f: {  	_ =	shalt  }
0x40: {  	_ =	shalt  }
0x41: {  	_ =	shalt  }
0x42: {  	_ =	shalt  }
0x43: {  	_ =	shalt  }
0x44: {  	_ =	shalt  }
0x45: {  	_ =	shalt  }
0x46: {  	_ =	shalt  }
0x47: {  	_ =	shalt  }
0x48: {  	_ =	shalt  }
0x49: {  	_ =	shalt  }
0x4a: {  	_ =	shalt  }
0x4b: {  	_ =	shalt  }
0x4c: {  	_ =	shalt  }
0x4d: {  	_ =	shalt  }
0x4e: {  	_ =	shalt  }
0x4f: {  	_ =	shalt  }
0x50: {  	_ =	shalt  }
0x51: {  	_ =	shalt  }
0x52: {  	_ =	shalt  }
0x53: {  	_ =	shalt  }
0x54: {  	_ =	shalt  }
0x55: {  	_ =	shalt  }
0x56: {  	_ =	shalt  }
0x57: {  	_ =	shalt  }
0x58: {  	_ =	shalt  }
0x59: {  	_ =	shalt  }
0x5a: {  	_ =	shalt  }
0x5b: {  	_ =	shalt  }
0x5c: {  	_ =	shalt  }
0x5d: {  	_ =	shalt  }
0x5e: {  	_ =	shalt  }
0x5f: {  	_ =	shalt  }
0x60: {  	_ =	shalt  }
0x61: {  	_ =	shalt  }
0x62: {  	_ =	shalt  }
0x63: {  	_ =	shalt  }
0x64: {  	_ =	shalt  }
0x65: {  	_ =	shalt  }
0x66: {  	_ =	shalt  }
0x67: {  	_ =	shalt  }
0x68: {  	_ =	shalt  }
0x69: {  	_ =	shalt  }
0x6a: {  	_ =	shalt  }
0x6b: {  	_ =	shalt  }
0x6c: {  	_ =	shalt  }
0x6d: {  	_ =	shalt  }
0x6e: {  	_ =	shalt  }
0x6f: {  	_ =	shalt  }
0x70: {  	_ =	shalt  }
0x71: {  	_ =	shalt  }
0x72: {  	_ =	shalt  }
0x73: {  	_ =	shalt  }
0x74: {  	_ =	shalt  }
0x75: {  	_ =	shalt  }
0x76: {  	_ =	shalt  }
0x77: {  	_ =	shalt  }
0x78: {  	_ =	shalt  }
0x79: {  	_ =	shalt  }
0x7a: {  	_ =	shalt  }
0x7b: {  	_ =	shalt  }
0x7c: {  	_ =	shalt  }
0x7d: {  	_ =	shalt  }
0x7e: {  	_ =	shalt  }
0x7f: {  	_ =	shalt  }
0x80: {  	_ =	shalt  }
0x81: {  	_ =	shalt  }
0x82: {  	_ =	shalt  }
0x83: {  	_ =	shalt  }
0x84: {  	_ =	shalt  }
0x85: {  	_ =	shalt  }
0x86: {  	_ =	shalt  }
0x87: {  	_ =	shalt  }
.Lfunc_end0:
.L_simem_size_0:
called_computation_lowered:
.L_overlay_start_0:
0x88: {  	s2 =	sld [smem:$0x3FD9]  }
0x89: {  	s3 =	sld [smem:$0x3FFE];
	_ =	sdelay $0x1  }
0x8a: {  	s1 =	srdreg.scid  }
0x8b: {  	s0 =	sand.u32 $0x1, s1  }
0x8c: {  	s17 =	sshll.u32 s0, $0xA;
	s2 =	sadd.s32 s3, s2  }
0x8d: {  	s2 =	sadd.s32 s2, s17  }
0x8e: {  	[smem:$0x3FBC] =	sst s2  }
0x8f: {  	_ = 	snop  }
0x90: {  	s2 =	sld [smem:$0x3FD0];
	(tm) =	ssettm $0x1  }
0x91: {  	s18 =	sld [smem:$0x3FFB];
	_ =	sdelay $0x3  }
0x92: {  	_ =	strace s18  }
0x93: {  	s3 =	sld [smem:$0x3FFC];
	_ =	sdelay $0x3  }
0x94: {  	_ =	strace s3  }
0x95: {  	s3 =	sld [smem:$0x3FFD];
	_ =	sdelay $0x3  }
0x96: {  	_ =	strace s3  }
0x97: {  	_ =	strace $0x8FFFFFFF  }
0x98: {  	s19 =	sld [smem:$0x3FDB];
	_ =	sdelay $0x1  }
0x99: {  	s4 =	simm.s32 $_scs_section_size  }
0x9a: {  	s5 =	simm.s32 $_size__tile_overlayer_lowered;
	s6 =	simm.s32 $_tile_overlayer_lowered  }
0x9b: {  	s22 =	simm.s32 $0x1BFF;
	s21 =	sshll.u32 s6, $0x1;
	s3 =	sadd.s32 s4, s19  }
0x9c: {  	s7 =	simm.s32 $0x0;
	s20 =	sshll.u32 s5, $0x1;
	s5 =	sadd.s32 s21, s3  }
0x9d: {  	[timem:s7], [sflag:s22] =	dma.local [hbm:s5], s20  }
0x9e: {  	_ =	swait.ge [sflag:s22], s20  }
0x9f: {  	s4 =	ssub.s32 $0x0, s20;
	[sflag:s22] =	ssyncset.done $0x0  }
0xa0: {  	[sflag:s22] =	ssyncadd.s32 s4;
	_ =	sdelay $0x1  }
0xa1: {  	s23 =	simm.s32 $0x1B8B  }
0xa2: {  	_ =	swait.ge [sflag:s23], $0x1  }
0xa3: {  	[sflag:s23] =	ssyncset.done $0x0  }
0xa4: {  	s25 =	simm.s32 $0x1B8E;
	s24 =	sld [smem:$0x3FFE];
	[sflag:s23] =	ssyncadd.s32 $0xFFFFFFFF  }
0xa5: {  	s26 =	simm.s32 $execute0_lowered;
	[smem:$0x3FD2] =	sst s25  }
0xa6: {  	s5 =	sshll.u32 s26, $0x1;
	_ =	strace $0x80000046;
	[dreg:$0x1] =	wrdreg $0xFFFFFFFF  }
0xa7: {  	s28 =	simm.s32 $_size_execute0_lowered;
	s3 =	sadd.s32 s3, s5;
	[dreg:$0x0] =	wrdreg $0x0  }
0xa8: {  	s5 =	sshll.u32 s28, $0x1;
	[dreg:$0x2] =	wrdreg s3  }
0xa9: {  	[dreg:$0x3] =	wrdreg s5  }
0xaa: {  	[dreg:$0x4] =	wrdreg $0xC0  }
0xab: {  	_ =	task [dreg:s7], $0x5FFFF  }
0xac: {  	[dreg:$0x1] =	wrdreg $0xFFFFFFFF  }
0xad: {  	[dreg:$0x0] =	wrdreg $0x60  }
0xae: {  	[dreg:$0x2] =	wrdreg s24  }
0xaf: {  	[dreg:$0x3] =	wrdreg s2  }
0xb0: {  	[dreg:$0x4] =	wrdreg $0x4800  }
0xb1: {  	[dreg:$0x5] =	wrdreg $0x9  }
0xb2: {  	_ =	task.clear_ibuf [dreg:s7], $0x6FFFF;
	_ =	strace $0x90000046  }
0xb3: {  	s29 =	simm.s32 $0x9;
	_ =	strace $0x80000048  }
0xb4: {  	_ =	swait.ge [sflag:s29], $0x1  }
0xb5: {  	[sflag:s29] =	ssyncadd.s32 $0xFFFFFFFF  }
0xb6: {  	_ =	strace $0x90000048  }
0xb7: {  	_ =	sfence  }
0xb8: {  	s30 =	sld [smem:$0x0];
	_ =	sdelay $0x2  }
0xb9: {  	s31 =	sshll.u32 s1, $0xD;
	s1 =	sshrl.u32 s1, $0x2  }
0xba: {  	s3 =	sand.u32 $0x4000, s31;
	s1 =	sadd.s32 s1, s30  }
0xbb: {  	s0 =	sor.u32 s3, s0;
	s1 =	sshll.u32 s1, $0x11  }
0xbc: {  	s0 =	sor.u32 s1, s0  }
0xbd: {  	s0 =	sadd.s32 $0x8F2B, s0  }
0xbe: {  	[sflag:s0] =	ssyncadd.remote.s32 $0x1  }
0xbf: {  	_ =	sfence.sel $0xFFFF  }
0xc0: {  	[dreg:$0x0] =	wrdreg $0xFFFFFFFF;
	(pc) =	sbr.abs _section_cstart, $3  }
0xc1: {  	[dreg:$0x1] =	wrdreg $0xFFFFFFFF  }
0xc2: {  	_ =	task.clear_ibuf [dreg:s7], $0x2FFFF;
	_ =	strace $0x9FFFFFFF  }
0xc3: {  	(tm) =	ssettm $0x7FFFFFFF  }
tec
execute0_lowered:
.L_overlay_start_1:
0x0: {  	(tag) =	ssettag $0x1  }
0x1: {  	s8 =	rddreg [dreg:$0x0]  }
0x2: {  	s1 =	rddreg [dreg:$0x1]  }
0x3: {  	s3 =	rddreg [dreg:$0x2]  }
0x4: {  	s0 =	rddreg [dreg:$0x3]  }
0x5: {  	s4 =	simm.s32 $0x0;
	s2 =	stileid.u32;
	s6 =	srdreg.scid  }
0x6: {  	s19 =	simm.s32 $0x3;
	s20 =	simm.s32 $0x80;
	s21 =	simm.s32 $0x1  }
0x7: {  	s22 =	simm.s32 $0x2;
	s23 =	simm.s32 $0x100;
	s24 =	simm.s32 $0x10  }
0x8: {  	s25 =	simm.s32 $0x0;
	[smem:$0x7FF] =	sst s4;
	s13 =	smul.u32 $0x278, s2  }
0x9: {  	s5 =	sadd.s32 $0xD200, s8;
	s9 =	sand.u32 $0x1, s6;
	s26 =	sshll.u32 s2, $0x1  }
0xa: {  	s14 =	sadd.s32 $0x17600, s8;
	s17 =	smul.u32 $0x4E20, s2;
	p0 =	seq.s32 s2, $0xF  }
0xb: {  	_ =	strace $0x80000047;
	s10 =	ssub.s32 $0x2, s9;
	s6 =	sor.u32 s9, s26  }
0xc: {  	s16 =	smul.u32 $0x2710, s9;
	s7 =	sshrl.u32 s13, $0x3;
	s11 =	sshrl.u32 s10, $0x1  }
0xd: {  	s12 =	smul.u32 $0x2710, s6;
	s7 =	sadd.s32 s7, s8;
	s15 =	ssub.s32 s10, s11  }
0xe: {  	s8 =	sadd.s32 $0x174A1, s8;
	s10 =	sadd.s32 $0x2508, s3;
	s18 =	sadd.s32 $0x2508, s16  }
0xf: {  	s6 =	sadd.s32 $0x17000, s7;
	s7 =	sadd.s32 s13, s3;
	s28 =	sshrl.u32 s12, $0x3  }
0x10: {  	s13 =	sadd.s32 s13, s16;
	s16 =	sadd.s32 s16, s17;
	s29 =	sshrl.u32 s18, $0x3  }
0x11: {  	s15 =	smax.u32 s15, $0x1;
	s18 =	simm.s32 $0x180;
	s9 =	sadd.s32 s5, s28  }
0x12: {  	s13 =	sshrl.u32 s13, $0x3;
	s30 =	sadd.s32 $0x80, s16;
	s16 =	sadd.s32 $0x100, s16  }
0x13: {  	s11 =	sadd.s32 $0x4D0, s9;
	s12 =	sadd.s32 $0x4E0, s9;
	s31 =	sshrl.u32 s30, $0x3  }
0x14: {  	s13 =	sadd.s32 s14, s13;
	s14 =	sadd.s32 s14, s29;
	s17 =	sadd.s32 s31, s5  }
.LBB2_1:
0x15: {  	[tilespmem:s18], [sflag:$0x3] =	stream.linear.gather [hbm4b:s1+s4], $0x80, $0x38;
	[tilespmem:$0x6F8] =	vst v63  }
0x16: {  	_ =	swait.ge [sflag:s19], $0x80  }
0x17: {  	[sflag:s19] =	ssyncset.done $0x0  }
0x18: {  	s26 =	simm.s32 @p0 $0x0;
	s28 =	simm.s32 @p0 $0x200;
	[sflag:s19] =	ssyncadd.s32 $0xFFFFFF80  }
0x19: {  	[tilespmem:s28], [sflag:$0x3] =	stream.linear.gather @p0 [hbm4b:s8+s26], $0x208, $0x38;
	[tilespmem:$0x6F8] =	vst v63  }
0x1a: {  	s26 =	simm.s32 @p0 $0x3  }
0x1b: {  	_ =	swait.ge @p0 [sflag:s26], $0x208  }
0x1c: {  	[sflag:s26] =	ssyncset.done @p0 $0x0  }
0x1d: {  	[sflag:s26] =	ssyncadd.s32 @p0 $0xFFFFFDF8  }
0x1e: {  	[spmem:s10] =	stream.linear.scatter @p0 [tilespmem:s28], [sflag:$0x3], $0x208, $0x38;
	[tilespmem:$0x6F8] =	vst v63  }
0x1f: {  	_ =	swait.ge @p0 [sflag:s26], $0x208  }
0x20: {  	[sflag:s26] =	ssyncset.done @p0 $0x0  }
0x21: {  	s28 =	simm.s32 @!p0 $0x200;
	[sflag:s26] =	ssyncadd.s32 @p0 $0xFFFFFDF8;
	s26 =	simm.s32 @!p0 $0x0  }
0x22: {  	[tilespmem:s28], [sflag:$0x3] =	stream.linear.gather @!p0 [hbm4b:s6+s26], $0x278, $0x38;
	[tilespmem:$0x6F8] =	vst v63  }
0x23: {  	s26 =	simm.s32 @!p0 $0x3  }
0x24: {  	_ =	swait.ge @!p0 [sflag:s26], $0x278  }
0x25: {  	[sflag:s26] =	ssyncset.done @!p0 $0x0  }
0x26: {  	[sflag:s26] =	ssyncadd.s32 @!p0 $0xFFFFFD88  }
0x27: {  	[spmem:s7] =	stream.linear.scatter @!p0 [tilespmem:s28], [sflag:$0x3], $0x278, $0x38;
	[tilespmem:$0x6F8] =	vst v63  }
0x28: {  	_ =	swait.ge @!p0 [sflag:s26], $0x278  }
0x29: {  	[sflag:s26] =	ssyncset.done @!p0 $0x0  }
0x2a: {  	[sflag:s26] =	ssyncadd.s32 @!p0 $0xFFFFFD88  }
0x2b: {  	[bflag:$0x0] =	sbarrier.arrive $0xFFFF  }
0x2c: {  	[tilespmem:s4], [sflag:$0x1] =	stream.linear.gather [hbm4b:s9+s4], $0x80, $0x38;
	[tilespmem:$0x6F8] =	vst v63  }
0x2d: {  	s30 =	sadd.s32 $0x0, s17  }
0x2e: {  	[tilespmem:s20], [sflag:$0x2] =	stream.linear.gather [hbm4b:s30+s4], $0x80, $0x38;
	[tilespmem:$0x6F8] =	vst v63  }
0x2f: {  	_ =	swait.ge [sflag:s21], $0x80  }
0x30: {  	[sflag:s21] =	ssyncset.done $0x0  }
0x31: {  	[sflag:s21] =	ssyncadd.s32 $0xFFFFFF80  }
0x32: {  	[spmem:s3] =	stream.indirect.scatter.add.f32 [tilespmem:s18], [sflag:$0x3], $0x1, s4, s20, $0xb8;
	[tilespmem:$0x6F8] =	vst v63  }
0x33: {  	_ =	swait.ge [sflag:s19], $0x80  }
0x34: {  	s31 =	sshrl.u32 s16, $0x3;
	[sflag:s19] =	ssyncset.done $0x0  }
0x35: {  	s26 =	sadd.s32 s5, s31;
	[sflag:s19] =	ssyncadd.s32 $0xFFFFFF80  }
0x36: {  	[tilespmem:s4], [sflag:$0x1] =	stream.linear.gather [hbm4b:s26+s4], $0x80, $0x38;
	[tilespmem:$0x6F8] =	vst v63  }
0x37: {  	_ =	swait.ge [sflag:s22], $0x80  }
0x38: {  	[sflag:s22] =	ssyncset.done $0x0  }
0x39: {  	[sflag:s22] =	ssyncadd.s32 $0xFFFFFF80  }
0x3a: {  	[spmem:s3] =	stream.indirect.scatter.add.f32 [tilespmem:s18], [sflag:$0x3], $0x1, s20, s20, $0xb8;
	[tilespmem:$0x6F8] =	vst v63  }
0x3b: {  	s29 =	simm.s32 $0x40;
	_ =	swait.ge [sflag:s19], $0x80  }
0x3c: {  	s28 =	simm.s32 $0x20;
	s26 =	sadd.s32 $0x100, s16;
	[sflag:s19] =	ssyncset.done $0x0  }
.LBB2_2:
0x3d: {  	s30 =	sadd.s32 s28, s17  }
0x3e: {  	[sflag:s19] =	ssyncadd.s32 $0xFFFFFF80;
	s28 =	smov.u32 s29;
	s31 =	sadd.s32 $0x20, s29  }
0x3f: {  	[tilespmem:s20], [sflag:$0x2] =	stream.linear.gather [hbm4b:s30+s4], $0x80, $0x38;
	[tilespmem:$0x6F8] =	vst v63  }
0x40: {  	p1 =	sne.s32 s29, $0x4A0;
	_ =	swait.ge [sflag:s21], $0x80  }
0x41: {  	[sflag:s21] =	ssyncset.done $0x0  }
0x42: {  	[sflag:s21] =	ssyncadd.s32 $0xFFFFFF80  }
0x43: {  	[spmem:s3] =	stream.indirect.scatter.add.f32 [tilespmem:s18], [sflag:$0x3], $0x1, s4, s20, $0xb8;
	[tilespmem:$0x6F8] =	vst v63  }
0x44: {  	_ =	swait.ge [sflag:s19], $0x80  }
0x45: {  	s29 =	sshrl.u32 s26, $0x3;
	[sflag:s19] =	ssyncset.done $0x0  }
0x46: {  	s29 =	sadd.s32 s5, s29;
	[sflag:s19] =	ssyncadd.s32 $0xFFFFFF80  }
0x47: {  	[tilespmem:s4], [sflag:$0x1] =	stream.linear.gather [hbm4b:s29+s4], $0x80, $0x38;
	[tilespmem:$0x6F8] =	vst v63  }
0x48: {  	_ =	swait.ge [sflag:s22], $0x80  }
.Ltmp0:
0x49: {  	[sflag:s22] =	ssyncset.done $0x0;
	(pc) =	sbr.rel @p1 .LBB2_2-.Ltmp0, $4  }
0x4a: {  	[sflag:s22] =	ssyncadd.s32 $0xFFFFFF80  }
0x4b: {  	[spmem:s3] =	stream.indirect.scatter.add.f32 [tilespmem:s18], [sflag:$0x3], $0x1, s20, s20, $0xb8;
	[tilespmem:$0x6F8] =	vst v63  }
0x4c: {  	_ =	swait.ge [sflag:s19], $0x80  }
0x4d: {  	s26 =	sadd.s32 $0x100, s26;
	s29 =	smov.u32 s31;
	[sflag:s19] =	ssyncset.done $0x0  }
0x4e: {  	s28 =	sadd.s32 s28, s17;
	[sflag:s19] =	ssyncadd.s32 $0xFFFFFF80  }
0x4f: {  	[tilespmem:s20], [sflag:$0x2] =	stream.linear.gather [hbm4b:s28+s4], $0x80, $0x38;
	[tilespmem:$0x6F8] =	vst v63  }
0x50: {  	_ =	swait.ge [sflag:s21], $0x80  }
0x51: {  	[sflag:s21] =	ssyncset.done $0x0  }
0x52: {  	[sflag:s21] =	ssyncadd.s32 $0xFFFFFF80  }
0x53: {  	[spmem:s3] =	stream.indirect.scatter.add.f32 [tilespmem:s18], [sflag:$0x3], $0x1, s4, s20, $0xb8;
	[tilespmem:$0x6F8] =	vst v63  }
0x54: {  	_ =	swait.ge [sflag:s19], $0x80  }
0x55: {  	s26 =	sshrl.u32 s26, $0x3;
	[sflag:s19] =	ssyncset.done $0x0  }
0x56: {  	s26 =	sadd.s32 s5, s26;
	[sflag:s19] =	ssyncadd.s32 $0xFFFFFF80  }
0x57: {  	[tilespmem:s4], [sflag:$0x1] =	stream.linear.gather [hbm4b:s26+s4], $0x80, $0x38;
	[tilespmem:$0x6F8] =	vst v63  }
0x58: {  	_ =	swait.ge [sflag:s22], $0x80  }
0x59: {  	[sflag:s22] =	ssyncset.done $0x0  }
0x5a: {  	[sflag:s22] =	ssyncadd.s32 $0xFFFFFF80  }
0x5b: {  	[spmem:s3] =	stream.indirect.scatter.add.f32 [tilespmem:s18], [sflag:$0x3], $0x1, s20, s20, $0xb8;
	[tilespmem:$0x6F8] =	vst v63  }
0x5c: {  	_ =	swait.ge [sflag:s19], $0x80  }
0x5d: {  	[sflag:s19] =	ssyncset.done $0x0  }
0x5e: {  	[sflag:s19] =	ssyncadd.s32 $0xFFFFFF80  }
0x5f: {  	[tilespmem:s20], [sflag:$0x2] =	stream.linear.gather [hbm4b:s11+s4], $0x80, $0x38;
	[tilespmem:$0x6F8] =	vst v63  }
0x60: {  	_ =	swait.ge [sflag:s21], $0x80  }
0x61: {  	[sflag:s21] =	ssyncset.done $0x0  }
0x62: {  	[sflag:s21] =	ssyncadd.s32 $0xFFFFFF80  }
0x63: {  	[spmem:s3] =	stream.indirect.scatter.add.f32 [tilespmem:s18], [sflag:$0x3], $0x1, s4, s20, $0xb8;
	[tilespmem:$0x6F8] =	vst v63  }
0x64: {  	_ =	swait.ge [sflag:s19], $0x80  }
0x65: {  	[sflag:s19] =	ssyncset.done $0x0  }
0x66: {  	[sflag:s19] =	ssyncadd.s32 $0xFFFFFF80  }
0x67: {  	_ =	swait.ge [sflag:s22], $0x80  }
0x68: {  	[sflag:s22] =	ssyncset.done $0x0  }
0x69: {  	[sflag:s22] =	ssyncadd.s32 $0xFFFFFF80  }
0x6a: {  	[spmem:s3] =	stream.indirect.scatter.add.f32 [tilespmem:s18], [sflag:$0x3], $0x1, s20, s20, $0xb8;
	[tilespmem:$0x6F8] =	vst v63  }
0x6b: {  	_ =	swait.ge [sflag:s19], $0x80  }
0x6c: {  	[sflag:s19] =	ssyncset.done $0x0  }
0x6d: {  	[sflag:s19] =	ssyncadd.s32 $0xFFFFFF80  }
0x6e: {  	[tilespmem:s23], [sflag:$0x1] =	stream.linear.gather [hbm4b:s12+s4], $0x10, $0x38;
	[tilespmem:$0x6F8] =	vst v63  }
0x6f: {  	_ =	swait.ge [sflag:s21], $0x10  }
0x70: {  	[sflag:s21] =	ssyncset.done $0x0  }
0x71: {  	[sflag:s21] =	ssyncadd.s32 $0xFFFFFFF0  }
0x72: {  	[spmem:s3] =	stream.indirect.scatter.add.f32 [tilespmem:s18], [sflag:$0x3], $0x1, s23, s24, $0xb8;
	[tilespmem:$0x6F8] =	vst v63  }
0x73: {  	_ =	swait.ge [sflag:s19], $0x10  }
0x74: {  	[sflag:s19] =	ssyncset.done $0x0  }
0x75: {  	[sflag:s19] =	ssyncadd.s32 $0xFFFFFFF0  }
0x76: {  	s28 =	simm.s32 @p0 $0x3;
	s26 =	simm.s32 @p0 $0x200;
	[bflag:$0x0] =	sbarrier.arrive $0xFFFF  }
0x77: {  	[tilespmem:s26], [sflag:$0x3] =	stream.linear.gather @p0 [spmem:s10], $0x208, $0x38;
	[tilespmem:$0x6F8] =	vst v63  }
0x78: {  	_ =	swait.ge @p0 [sflag:s28], $0x208  }
0x79: {  	[sflag:s28] =	ssyncset.done @p0 $0x0  }
0x7a: {  	s29 =	simm.s32 @p0 $0x0;
	[sflag:s28] =	ssyncadd.s32 @p0 $0xFFFFFDF8  }
0x7b: {  	[hbm4b:s14+s29] =	stream.linear.scatter @p0 [tilespmem:s26], [sflag:$0x3], $0x208, $0x38;
	[tilespmem:$0x6F8] =	vst v63  }
0x7c: {  	_ =	swait.ge @p0 [sflag:s28], $0x208  }
0x7d: {  	[sflag:s28] =	ssyncset.done @p0 $0x0  }
0x7e: {  	s26 =	simm.s32 @!p0 $0x200;
	[sflag:s28] =	ssyncadd.s32 @p0 $0xFFFFFDF8;
	s28 =	simm.s32 @!p0 $0x3  }
0x7f: {  	[tilespmem:s26], [sflag:$0x3] =	stream.linear.gather @!p0 [spmem:s7], $0x278, $0x38;
	[tilespmem:$0x6F8] =	vst v63  }
0x80: {  	s25 =	sadd.s32 $0x1, s25;
	_ =	swait.ge @!p0 [sflag:s28], $0x278  }
0x81: {  	p1 =	sne.s32 s25, s15;
	[sflag:s28] =	ssyncset.done @!p0 $0x0  }
.Ltmp1:
0x82: {  	s29 =	simm.s32 @!p0 $0x0;
	[sflag:s28] =	ssyncadd.s32 @!p0 $0xFFFFFD88;
	(pc) =	sbr.rel @p1 .LBB2_1-.Ltmp1, $4  }
0x83: {  	[hbm4b:s13+s29] =	stream.linear.scatter @!p0 [tilespmem:s26], [sflag:$0x3], $0x278, $0x38;
	[tilespmem:$0x6F8] =	vst v63  }
0x84: {  	_ =	swait.ge @!p0 [sflag:s28], $0x278  }
0x85: {  	[sflag:s28] =	ssyncset.done @!p0 $0x0  }
0x86: {  	[sflag:s28] =	ssyncadd.s32 @!p0 $0xFFFFFD88  }
0x87: {  	_ =	sfence.sel $0x180000  }
0x88: {  	[bflag:$0x0] =	sbarrier.arrive $0xFFFF  }
0x89: {  	p0 =	sne.s32 s2, $0x0;
	_ =	strace $0x90000047  }
0x8a: {  	s0 =	sadd.s32 @!p0 $0x100000, s0;
	[bflag:$0x2] =	sbarrier.arrive $0xFFFF  }
0x8b: {  	[sflag:s0] =	ssyncadd.tile.s32 @!p0 $0x1;
	_ =	shalt  }
.Lfunc_end2:
_tile_overlayer_lowered:
.L_overlay_start_2:
0x8c: {  	(tag) =	ssettag $0x2  }
0x8d: {  	s0 =	rddreg [dreg:$0x0];
	s2 =	stileid.u32  }
0x8e: {  	s1 =	rddreg [dreg:$0x1];
	p0 =	sne.s32 s2, $0x0  }
0x8f: {  	s3 =	rddreg [dreg:$0x2];
	[bflag:$0x3] =	sbarrier.arrive $0xFFFF;
	s2 =	simm.s32 @!p0 $0x1C03  }
0x90: {  	[timem:s3], [sflag:s2] =	dma.local @!p0 [hbm:s0], s1  }
0x91: {  	s0 =	simm.s32 @!p0 $0x3  }
0x92: {  	_ =	swait.ge @!p0 [sflag:s0], s1  }
0x93: {  	s1 =	ssub.s32 @!p0 $0x0, s1;
	[sflag:s0] =	ssyncset.done @!p0 $0x0  }
0x94: {  	[sflag:s0] =	ssyncadd.s32 @!p0 s1  }
0x95: {  	[bflag:$0x3] =	sbarrier.arrive $0xFFFF  }
0x96: {  	_ =	shalt  }

// kernel: kernel.13.cloned.1.call-start
scs
__scs_entry_jumppad:
0x0: {  	(pc) =	sbr.rel $0x88, $3  }
0x1: {  	(tag) =	ssettag $0x0;
	lr =	simm.s32 $0x1  }
0x2: {  	[smem:$0x3F95] =	sst lr;
	_ =	strace $0xD0000000  }
0x3: {  	_ = 	snop  }
0x4: {  	_ = 	snop  }
0x5: {  	_ = 	snop  }
0x6: {  	_ = 	snop  }
0x7: {  	_ = 	snop  }
__scs_overlays_trampoline_lowered:
0x8: {  	[smem:$0x3FA4] =	sst s0  }
0x9: {  	[smem:$0x3FA5] =	sst s1  }
0xa: {  	[smem:$0x3FA6] =	sst s2  }
0xb: {  	[smem:$0x3FA7] =	sst s3  }
0xc: {  	[smem:$0x3FA8] =	sst s4  }
0xd: {  	[smem:$0x3FA9] =	sst s5  }
0xe: {  	[smem:$0x3FAA] =	sst s6  }
0xf: {  	[smem:$0x3FAB] =	sst s7  }
0x10: {  	[smem:$0x3FAC] =	sst s8  }
0x11: {  	[smem:$0x3FAD] =	sst s9;
	s0 =	simm.s32 @!p0 $0x0  }
0x12: {  	s1 =	sld [smem:$0x3F93];
	s0 =	simm.s32 @p0 $0x1  }
0x13: {  	[smem:$0x3FAE] =	sst s0;
	s0 =	simm.s32 @!p1 $0x0  }
0x14: {  	s2 =	sld [smem:$0x3F92];
	s0 =	simm.s32 @p1 $0x1  }
0x15: {  	[smem:$0x3FAF] =	sst s0;
	s0 =	simm.s32 @!p2 $0x0  }
0x16: {  	s3 =	sld [smem:$0x3FDB];
	s0 =	simm.s32 @p2 $0x1  }
0x17: {  	s4 =	simm.s32 $0x1BF5;
	[smem:$0x3FB1] =	sst s0  }
0x18: {  	s0 =	sld [smem:$0x3F94];
	_ =	swait.ge [sflag:s4], $0x0  }
0x19: {  	s7 =	sld [smem:$0x3F95]  }
0x1a: {  	s8 =	sadd.s32 $0xFFFFE003, lr  }
0x1b: {  	s9 =	sadd.s32 $0xFFFFFEF7, lr;
	s5 =	simm.s32 $0xFFFFFFFF;
	p2 =	slt.u32 s8, $0xFFFFF086  }
0x1c: {  	p1 =	slt.u32 s9, $0xF7A;
	s5 =	simm.s32 @!p2 $0x0  }
0x1d: {  	s5 =	simm.s32 @p1 $0x1;
	p0 =	seq.s32 s7, s2  }
0x1e: {  	s7 =	smul.u32 @!p0 $0xF7A, s2;
	p2 =	seq.s32 @!p0 s5, $0x0  }
0x1f: {  	s9 =	smul.u32 $0xF7A, s1;
	s8 =	simm.s32 @!p0 $0x1BF5;
	p2 =	por !p2, p0  }
0x20: {  	[sflag:s8] =	ssyncset.s32 @!p0 $0xFFFFF086;
	s6 =	sadd.s32 @!p0 s3, s7;
	s7 =	simm.s32 @!p0 $0x108  }
0x21: {  	s3 =	sadd.s32 s3, s9;
	s6 =	sadd.s32 @!p0 $0x88, s6;
	s7 =	simm.s32 @p2 $0x1082  }
0x22: {  	[simem:s7], [sflag:s8] =	dma.local @!p0 [hbm:s6], $0xF7A  }
0x23: {  	s9 =	sor.u32 $0xD0000000, s2;
	s6 =	simm.s32 $0x108;
	_ =	swait.ge @!p0 [sflag:s8], $0x0  }
0x24: {  	s3 =	sadd.s32 $0x88, s3;
	s6 =	simm.s32 @!p1 $0x1082;
	[sflag:s4] =	ssyncset.s32 $0xFFFFF086  }
0x25: {  	[simem:s6], [sflag:s4] =	dma.local [hbm:s3], $0xF7A  }
0x26: {  	[smem:$0x3F95] =	sst s1;
	(tag) =	ssettag s2;
	_ =	strace s9  }
0x27: {  	s1 =	sld [smem:$0x3FA5]  }
0x28: {  	s2 =	sld [smem:$0x3FA6]  }
0x29: {  	s4 =	sld [smem:$0x3FA8]  }
0x2a: {  	p0 =	seq.s32 s5, $0x0;
	s5 =	sld [smem:$0x3FA9]  }
0x2b: {  	s6 =	sld [smem:$0x3FAA]  }
0x2c: {  	s7 =	sld [smem:$0x3FAB]  }
0x2d: {  	s3 =	simm.s32 $0x108;
	s8 =	sld [smem:$0x3FAC]  }
0x2e: {  	s3 =	simm.s32 @!p0 $0x1082;
	s9 =	sld [smem:$0x3FAD]  }
0x2f: {  	lr =	sadd.s32 s0, s3;
	s0 =	sld [smem:$0x3FA4]  }
0x30: {  	s3 =	sld [smem:$0x3FA7]  }
0x31: {  	[smem:$0x3FB0] =	sst s10  }
0x32: {  	s10 =	sld [smem:$0x3FAE];
	_ =	sdelay $0x3  }
0x33: {  	p0 =	seq.s32 s10, $0x1;
	s10 =	sld [smem:$0x3FB0];
	_ =	sdelay $0x3  }
0x34: {  	[smem:$0x3FB0] =	sst s10  }
0x35: {  	s10 =	sld [smem:$0x3FAF];
	_ =	sdelay $0x3  }
0x36: {  	p1 =	seq.s32 s10, $0x1;
	s10 =	sld [smem:$0x3FB0];
	_ =	sdelay $0x3  }
0x37: {  	[smem:$0x3FB0] =	sst s10  }
0x38: {  	s10 =	sld [smem:$0x3FB1]  }
0x39: {  	_ = 	snop;
	(pc) =	sbr.ind lr, $3  }
0x3a: {  	_ = 	snop  }
0x3b: {  	_ = 	snop  }
0x3c: {  	p2 =	seq.s32 s10, $0x1;
	s10 =	sld [smem:$0x3FB0]  }
0x3d: {  	_ =	shalt  }
0x3e: {  	_ =	shalt  }
0x3f: {  	_ =	shalt  }
0x40: {  	_ =	shalt  }
0x41: {  	_ =	shalt  }
0x42: {  	_ =	shalt  }
0x43: {  	_ =	shalt  }
0x44: {  	_ =	shalt  }
0x45: {  	_ =	shalt  }
0x46: {  	_ =	shalt  }
0x47: {  	_ =	shalt  }
0x48: {  	_ =	shalt  }
0x49: {  	_ =	shalt  }
0x4a: {  	_ =	shalt  }
0x4b: {  	_ =	shalt  }
0x4c: {  	_ =	shalt  }
0x4d: {  	_ =	shalt  }
0x4e: {  	_ =	shalt  }
0x4f: {  	_ =	shalt  }
0x50: {  	_ =	shalt  }
0x51: {  	_ =	shalt  }
0x52: {  	_ =	shalt  }
0x53: {  	_ =	shalt  }
0x54: {  	_ =	shalt  }
0x55: {  	_ =	shalt  }
0x56: {  	_ =	shalt  }
0x57: {  	_ =	shalt  }
0x58: {  	_ =	shalt  }
0x59: {  	_ =	shalt  }
0x5a: {  	_ =	shalt  }
0x5b: {  	_ =	shalt  }
0x5c: {  	_ =	shalt  }
0x5d: {  	_ =	shalt  }
0x5e: {  	_ =	shalt  }
0x5f: {  	_ =	shalt  }
0x60: {  	_ =	shalt  }
0x61: {  	_ =	shalt  }
0x62: {  	_ =	shalt  }
0x63: {  	_ =	shalt  }
0x64: {  	_ =	shalt  }
0x65: {  	_ =	shalt  }
0x66: {  	_ =	shalt  }
0x67: {  	_ =	shalt  }
0x68: {  	_ =	shalt  }
0x69: {  	_ =	shalt  }
0x6a: {  	_ =	shalt  }
0x6b: {  	_ =	shalt  }
0x6c: {  	_ =	shalt  }
0x6d: {  	_ =	shalt  }
0x6e: {  	_ =	shalt  }
0x6f: {  	_ =	shalt  }
0x70: {  	_ =	shalt  }
0x71: {  	_ =	shalt  }
0x72: {  	_ =	shalt  }
0x73: {  	_ =	shalt  }
0x74: {  	_ =	shalt  }
0x75: {  	_ =	shalt  }
0x76: {  	_ =	shalt  }
0x77: {  	_ =	shalt  }
0x78: {  	_ =	shalt  }
0x79: {  	_ =	shalt  }
0x7a: {  	_ =	shalt  }
0x7b: {  	_ =	shalt  }
0x7c: {  	_ =	shalt  }
0x7d: {  	_ =	shalt  }
0x7e: {  	_ =	shalt  }
0x7f: {  	_ =	shalt  }
0x80: {  	_ =	shalt  }
0x81: {  	_ =	shalt  }
0x82: {  	_ =	shalt  }
0x83: {  	_ =	shalt  }
0x84: {  	_ =	shalt  }
0x85: {  	_ =	shalt  }
0x86: {  	_ =	shalt  }
0x87: {  	_ =	shalt  }
.Lfunc_end0:
.L_simem_size_0:
called_computation.1_lowered:
.L_overlay_start_0:
0x88: {  	s2 =	sld [smem:$0x3FD9]  }
0x89: {  	s3 =	sld [smem:$0x3FFE];
	_ =	sdelay $0x1  }
0x8a: {  	s1 =	srdreg.scid  }
0x8b: {  	s0 =	sand.u32 $0x1, s1  }
0x8c: {  	s16 =	sshll.u32 s0, $0xA;
	s2 =	sadd.s32 s3, s2  }
0x8d: {  	s2 =	sadd.s32 s2, s16  }
0x8e: {  	[smem:$0x3FBC] =	sst s2  }
0x8f: {  	_ = 	snop  }
0x90: {  	(tm) =	ssettm $0x1  }
0x91: {  	s17 =	sld [smem:$0x3FFB];
	_ =	sdelay $0x3  }
0x92: {  	_ =	strace s17  }
0x93: {  	s2 =	sld [smem:$0x3FFC];
	_ =	sdelay $0x3  }
0x94: {  	_ =	strace s2  }
0x95: {  	s2 =	sld [smem:$0x3FFD];
	_ =	sdelay $0x3  }
0x96: {  	_ =	strace s2  }
0x97: {  	_ =	strace $0x8FFFFFFF  }
0x98: {  	s18 =	sld [smem:$0x3FDB];
	_ =	sdelay $0x1  }
0x99: {  	s19 =	simm.s32 $_scs_section_size  }
0x9a: {  	s4 =	simm.s32 $_size__tile_overlayer_lowered;
	s5 =	simm.s32 $_tile_overlayer_lowered  }
0x9b: {  	s22 =	simm.s32 $0x1BFF;
	s21 =	sshll.u32 s5, $0x1;
	s2 =	sadd.s32 s19, s18  }
0x9c: {  	s6 =	simm.s32 $0x0;
	s20 =	sshll.u32 s4, $0x1;
	s4 =	sadd.s32 s21, s2  }
0x9d: {  	[timem:s6], [sflag:s22] =	dma.local [hbm:s4], s20  }
0x9e: {  	_ =	swait.ge [sflag:s22], s20  }
0x9f: {  	s3 =	ssub.s32 $0x0, s20;
	[sflag:s22] =	ssyncset.done $0x0  }
0xa0: {  	[sflag:s22] =	ssyncadd.s32 s3;
	_ =	sdelay $0x1  }
0xa1: {  	s23 =	simm.s32 $0x1B8B  }
0xa2: {  	_ =	swait.ge [sflag:s23], $0x1  }
0xa3: {  	[sflag:s23] =	ssyncset.done $0x0  }
0xa4: {  	s25 =	simm.s32 $0x1B8E;
	s24 =	sld [smem:$0x3FFE];
	[sflag:s23] =	ssyncadd.s32 $0xFFFFFFFF  }
0xa5: {  	s26 =	simm.s32 $execute0_lowered;
	[smem:$0x3FD2] =	sst s25  }
0xa6: {  	s4 =	sshll.u32 s26, $0x1;
	_ =	strace $0x80000049;
	[dreg:$0x1] =	wrdreg $0xFFFFFFFF  }
0xa7: {  	s28 =	simm.s32 $_size_execute0_lowered;
	s2 =	sadd.s32 s2, s4;
	[dreg:$0x0] =	wrdreg $0x0  }
0xa8: {  	s4 =	sshll.u32 s28, $0x1;
	[dreg:$0x2] =	wrdreg s2  }
0xa9: {  	[dreg:$0x3] =	wrdreg s4  }
0xaa: {  	[dreg:$0x4] =	wrdreg $0xC0  }
0xab: {  	_ =	task [dreg:s6], $0x5FFFF  }
0xac: {  	[dreg:$0x1] =	wrdreg $0xFFFFFFFF  }
0xad: {  	[dreg:$0x0] =	wrdreg $0x60  }
0xae: {  	[dreg:$0x2] =	wrdreg s24  }
0xaf: {  	[dreg:$0x3] =	wrdreg $0xB1000  }
0xb0: {  	[dreg:$0x4] =	wrdreg $0x9  }
0xb1: {  	_ =	task.clear_ibuf [dreg:s6], $0x5FFFF;
	_ =	strace $0x90000049  }
0xb2: {  	s29 =	simm.s32 $0x9;
	_ =	strace $0x8000004B  }
0xb3: {  	_ =	swait.ge [sflag:s29], $0x1  }
0xb4: {  	[sflag:s29] =	ssyncadd.s32 $0xFFFFFFFF  }
0xb5: {  	_ =	strace $0x9000004B  }
0xb6: {  	_ =	sfence  }
0xb7: {  	s30 =	sld [smem:$0x0];
	_ =	sdelay $0x2  }
0xb8: {  	s31 =	sshll.u32 s1, $0xD;
	s1 =	sshrl.u32 s1, $0x2  }
0xb9: {  	s3 =	sand.u32 $0x4000, s31;
	s1 =	sadd.s32 s1, s30  }
0xba: {  	s0 =	sor.u32 s3, s0;
	s1 =	sshll.u32 s1, $0x11  }
0xbb: {  	s0 =	sor.u32 s1, s0  }
0xbc: {  	s0 =	sadd.s32 $0x8F2B, s0  }
0xbd: {  	[sflag:s0] =	ssyncadd.remote.s32 $0x1  }
0xbe: {  	_ =	sfence.sel $0xFFFF  }
0xbf: {  	[dreg:$0x0] =	wrdreg $0xFFFFFFFF;
	(pc) =	sbr.abs _section_cstart, $3  }
0xc0: {  	[dreg:$0x1] =	wrdreg $0xFFFFFFFF  }
0xc1: {  	_ =	task.clear_ibuf [dreg:s6], $0x2FFFF;
	_ =	strace $0x9FFFFFFF  }
0xc2: {  	(tm) =	ssettm $0x7FFFFFFF  }
0xc3: {  	_ =	shalt  }
tec
execute0_lowered:
.L_overlay_start_1:
0x0: {  	(tag) =	ssettag $0x1  }
0x1: {  	s0 =	rddreg [dreg:$0x0];
	s1 =	srdreg.scid  }
0x2: {  	s19 =	stileid.u32;
	s2 =	rddreg [dreg:$0x1];
	s3 =	simm.s32 $0x0  }
0x3: {  	s28 =	simm.s32 $0x2;
	s30 =	simm.s32 $0x2880;
	s31 =	simm.s32 $0x10  }
0x4: {  	s29 =	simm.s32 $0x0;
	s1 =	sand.u32 $0x1, s1;
	s7 =	smul.u32 $0x2780, s19  }
0x5: {  	s4 =	sshll.u32 s19, $0x1;
	[smem:$0x7FF] =	sst s3;
	s12 =	smul.u32 $0x4F000, s19  }
0x6: {  	s13 =	sadd.s32 $0x65400, s0;
	s15 =	smul.u32 $0x4E20, s19;
	s18 =	sadd.s32 $0x128400, s2  }
0x7: {  	p0 =	seq.s32 s19, $0xF;
	s4 =	sor.u32 s1, s4;
	_ =	strace $0x8000004A  }
0x8: {  	s9 =	ssub.s32 $0x2, s1;
	s14 =	smul.u32 $0x27100, s1;
	s18 =	sshrl.u32 @p0 s18, $0x3  }
0x9: {  	s5 =	smul.u32 $0x2710, s4;
	s4 =	sadd.s32 $0x17000, s0;
	s11 =	sshrl.u32 s9, $0x1  }
0xa: {  	s10 =	sadd.s32 s7, s0;
	s26 =	sshrl.u32 s12, $0x2;
	s9 =	ssub.s32 s9, s11  }
0xb: {  	s11 =	smul.u32 $0x138800, s1;
	s20 =	sadd.s32 s26, s2;
	s16 =	sadd.s32 $0x3E200, s10  }
0xc: {  	s1 =	smul.u32 $0x2710, s1;
	s22 =	sadd.s32 s7, s14;
	s6 =	sshrl.u32 s5, $0x3  }
0xd: {  	s5 =	sadd.s32 $0xD200, s0;
	[dreg:$0x4] =	wrdreg s16;
	s12 =	sadd.s32 s13, s22  }
0xe: {  	s14 =	smax.u32 s9, $0x1;
	s20 =	sshrl.u32 @!p0 s20, $0x3;
	s22 =	simm.s32 $0x80  }
0xf: {  	s8 =	sadd.s32 s6, s0;
	s0 =	sadd.s32 $0x63280, s0;
	s23 =	sshrl.u32 s11, $0x3  }
0x10: {  	s1 =	sadd.s32 s1, s15;
	s8 =	sadd.s32 $0x3400, s8;
	[dreg:$0x5] =	wrdreg s0  }
0x11: {  	s24 =	sadd.s32 s13, s23;
	s25 =	sadd.s32 $0x80, s1;
	s15 =	sadd.s32 $0x100, s1  }
0x12: {  	s0 =	sshll.u32 @!p0 s19, $0x6;
	s23 =	simm.s32 $0x2900;
	[dreg:$0x3] =	wrdreg s8  }
0x13: {  	s8 =	sadd.s32 s5, s6;
	s13 =	sadd.s32 $0x25080, s24;
	s26 =	sshrl.u32 s25, $0x3  }
0x14: {  	s19 =	sor.u32 @!p0 $0x1C03, s0;
	s24 =	simm.s32 $0x2800;
	s25 =	simm.s32 $0x6900  }
0x15: {  	s0 =	simm.s32 $0xA900;
	s17 =	sadd.s32 $0x4D0, s8;
	s21 =	sadd.s32 $0x4E0, s8  }
0x16: {  	s16 =	sadd.s32 s26, s5;
	s26 =	simm.s32 $0x1;
	[dreg:$0x6] =	wrdreg s17  }
0x17: {  	[dreg:$0x7] =	wrdreg s21;
	s17 =	simm.s32 $0x3;
	s21 =	simm.s32 $0x2780  }
.LBB2_1:
0x18: {  	s1 =	rddreg [dreg:$0x3]  }
0x19: {  	[tilespmem:s3], [sflag:$0x3] =	stream.linear.gather [hbm4b:s1+s3], $0x2710, $0x38;
	[tilespmem:$0x1E980] =	vst v63  }
0x1a: {  	_ =	swait.ge [sflag:s17], $0x2710  }
0x1b: {  	[sflag:s17] =	ssyncset.done $0x0  }
0x1c: {  	s1 =	simm.s32 @p0 $0x1FC3;
	s6 =	rddreg [dreg:$0x5];
	[sflag:s17] =	ssyncadd.s32 $0xFFFFD8F0  }
0x1d: {  	[spmem:s18], [sflag:s1] =	dma.local @p0 [hbm:s6], $0x2080  }
0x1e: {  	s1 =	simm.s32 @p0 $0x3  }
0x1f: {  	_ =	swait.ge @p0 [sflag:s1], $0x2080  }
0x20: {  	[sflag:s1] =	ssyncset.done @p0 $0x0  }
0x21: {  	[sflag:s1] =	ssyncadd.s32 @p0 $0xFFFFDF80;
	s1 =	rddreg [dreg:$0x4]  }
0x22: {  	[spmem:s20], [sflag:s19] =	dma.local @!p0 [hbm:s1], $0x2780  }
0x23: {  	s1 =	simm.s32 @!p0 $0x3  }
0x24: {  	_ =	swait.ge @!p0 [sflag:s1], $0x2780  }
0x25: {  	[sflag:s1] =	ssyncset.done @!p0 $0x0  }
0x26: {  	[sflag:s1] =	ssyncadd.s32 @!p0 $0xFFFFD880  }
0x27: {  	[bflag:$0x0] =	sbarrier.arrive $0xFFFF  }
0x28: {  	[tilespmem:s21], [sflag:$0x1] =	stream.linear.gather [hbm4b:s8+s3], $0x80, $0x38;
	[tilespmem:$0x1E980] =	vst v63  }
0x29: {  	_ = 	snop  }
0x2a: {  	[tilespmem:s23], [sflag:$0x1] =	stream.indirect.gather [hbm4b:s4+s22], $0x80, s3, s22, $0xb8;
	[tilespmem:$0x1E980] =	vst v63  }
0x2b: {  	s7 =	sadd.s32 $0x0, s16  }
0x2c: {  	[tilespmem:s24], [sflag:$0x2] =	stream.linear.gather [hbm4b:s7+s3], $0x80, $0x38;
	[tilespmem:$0x1E980] =	vst v63  }
0x2d: {  	s9 =	simm.s32 $0x80  }
0x2e: {  	[tilespmem:s25], [sflag:$0x2] =	stream.indirect.gather [hbm4b:s4+s22], $0x80, s9, s22, $0xb8;
	[tilespmem:$0x1E980] =	vst v63  }
0x2f: {  	_ =	swait.ge [sflag:s26], $0x80  }
0x30: {  	[sflag:s26] =	ssyncset.done $0x0  }
0x31: {  	[sflag:s26] =	ssyncadd.s32 $0xFFFFFF80  }
0x32: {  	_ =	swait.ge [sflag:s26], $0x4000  }
0x33: {  	[sflag:s26] =	ssyncset.done $0x0  }
0x34: {  	[sflag:s26] =	ssyncadd.s32 $0xFFFFC000  }
0x35: {  	[spmem:s2] =	stream.indirect.scatter.add.f32 [tilespmem:s23], [sflag:$0x3], $0x80, s21, s22, $0xb8;
	[tilespmem:$0x1E980] =	vst v63  }
0x36: {  	_ =	swait.ge [sflag:s17], $0x4000  }
0x37: {  	s10 =	sshrl.u32 s15, $0x3;
	[sflag:s17] =	ssyncset.done $0x0  }
0x38: {  	s1 =	sadd.s32 s5, s10;
	[sflag:s17] =	ssyncadd.s32 $0xFFFFC000  }
0x39: {  	[tilespmem:s21], [sflag:$0x1] =	stream.linear.gather [hbm4b:s1+s3], $0x80, $0x38;
	[tilespmem:$0x1E980] =	vst v63  }
0x3a: {  	s11 =	simm.s32 $0x100  }
0x3b: {  	[tilespmem:s23], [sflag:$0x1] =	stream.indirect.gather [hbm4b:s4+s22], $0x80, s11, s22, $0xb8;
	[tilespmem:$0x1E980] =	vst v63  }
0x3c: {  	_ =	swait.ge [sflag:s28], $0x80  }
0x3d: {  	[sflag:s28] =	ssyncset.done $0x0  }
0x3e: {  	[sflag:s28] =	ssyncadd.s32 $0xFFFFFF80  }
0x3f: {  	_ =	swait.ge [sflag:s28], $0x4000  }
0x40: {  	[sflag:s28] =	ssyncset.done $0x0  }
0x41: {  	[sflag:s28] =	ssyncadd.s32 $0xFFFFC000  }
0x42: {  	[spmem:s2] =	stream.indirect.scatter.add.f32 [tilespmem:s25], [sflag:$0x3], $0x80, s24, s22, $0xb8;
	[tilespmem:$0x1E980] =	vst v63  }
0x43: {  	s6 =	sadd.s32 $0x100, s15;
	s7 =	simm.s32 $0x20;
	_ =	swait.ge [sflag:s17], $0x4000  }
0x44: {  	s9 =	simm.s32 $0x40;
	s1 =	simm.s32 $0x200;
	[sflag:s17] =	ssyncset.done $0x0  }
.LBB2_2:
0x45: {  	s10 =	sadd.s32 s7, s16  }
0x46: {  	[sflag:s17] =	ssyncadd.s32 $0xFFFFC000;
	s7 =	smov.u32 s9;
	s11 =	sadd.s32 $0x20, s9  }
0x47: {  	[tilespmem:s24], [sflag:$0x2] =	stream.linear.gather [hbm4b:s10+s3], $0x80, $0x38;
	[tilespmem:$0x1E980] =	vst v63  }
0x48: {  	p1 =	sne.s32 s9, $0x4A0;
	s9 =	sadd.s32 $0xFFFFFF80, s1  }
0x49: {  	[tilespmem:s25], [sflag:$0x2] =	stream.indirect.gather [hbm4b:s4+s22], $0x80, s9, s22, $0xb8;
	[tilespmem:$0x1E980] =	vst v63  }
0x4a: {  	_ =	swait.ge [sflag:s26], $0x80  }
0x4b: {  	[sflag:s26] =	ssyncset.done $0x0  }
0x4c: {  	[sflag:s26] =	ssyncadd.s32 $0xFFFFFF80  }
0x4d: {  	_ =	swait.ge [sflag:s26], $0x4000  }
0x4e: {  	[sflag:s26] =	ssyncset.done $0x0  }
0x4f: {  	[sflag:s26] =	ssyncadd.s32 $0xFFFFC000  }
0x50: {  	[spmem:s2] =	stream.indirect.scatter.add.f32 [tilespmem:s23], [sflag:$0x3], $0x80, s21, s22, $0xb8;
	[tilespmem:$0x1E980] =	vst v63  }
0x51: {  	_ =	swait.ge [sflag:s17], $0x4000  }
0x52: {  	s9 =	sshrl.u32 s6, $0x3;
	[sflag:s17] =	ssyncset.done $0x0  }
0x53: {  	s9 =	sadd.s32 s5, s9;
	[sflag:s17] =	ssyncadd.s32 $0xFFFFC000  }
0x54: {  	[tilespmem:s21], [sflag:$0x1] =	stream.linear.gather [hbm4b:s9+s3], $0x80, $0x38;
	[tilespmem:$0x1E980] =	vst v63  }
0x55: {  	_ = 	snop  }
0x56: {  	[tilespmem:s23], [sflag:$0x1] =	stream.indirect.gather [hbm4b:s4+s22], $0x80, s1, s22, $0xb8;
	[tilespmem:$0x1E980] =	vst v63  }
0x57: {  	_ =	swait.ge [sflag:s28], $0x80  }
0x58: {  	[sflag:s28] =	ssyncset.done $0x0  }
0x59: {  	[sflag:s28] =	ssyncadd.s32 $0xFFFFFF80  }
0x5a: {  	_ =	swait.ge [sflag:s28], $0x4000  }
.Ltmp0:
0x5b: {  	[sflag:s28] =	ssyncset.done $0x0;
	(pc) =	sbr.rel @p1 .LBB2_2-.Ltmp0, $4  }
0x5c: {  	[sflag:s28] =	ssyncadd.s32 $0xFFFFC000  }
0x5d: {  	[spmem:s2] =	stream.indirect.scatter.add.f32 [tilespmem:s25], [sflag:$0x3], $0x80, s24, s22, $0xb8;
	[tilespmem:$0x1E980] =	vst v63  }
0x5e: {  	s6 =	sadd.s32 $0x100, s6;
	_ =	swait.ge [sflag:s17], $0x4000  }
0x5f: {  	s9 =	smov.u32 s11;
	s1 =	sadd.s32 $0x100, s1;
	[sflag:s17] =	ssyncset.done $0x0  }
0x60: {  	s7 =	sadd.s32 s7, s16;
	[sflag:s17] =	ssyncadd.s32 $0xFFFFC000  }
0x61: {  	[tilespmem:s24], [sflag:$0x2] =	stream.linear.gather [hbm4b:s7+s3], $0x80, $0x38;
	[tilespmem:$0x1E980] =	vst v63  }
0x62: {  	s11 =	sadd.s32 $0xFFFFFF80, s1  }
0x63: {  	[tilespmem:s25], [sflag:$0x2] =	stream.indirect.gather [hbm4b:s4+s22], $0x80, s11, s22, $0xb8;
	[tilespmem:$0x1E980] =	vst v63  }
0x64: {  	_ =	swait.ge [sflag:s26], $0x80  }
0x65: {  	[sflag:s26] =	ssyncset.done $0x0  }
0x66: {  	[sflag:s26] =	ssyncadd.s32 $0xFFFFFF80  }
0x67: {  	_ =	swait.ge [sflag:s26], $0x4000  }
0x68: {  	[sflag:s26] =	ssyncset.done $0x0  }
0x69: {  	[sflag:s26] =	ssyncadd.s32 $0xFFFFC000  }
0x6a: {  	[spmem:s2] =	stream.indirect.scatter.add.f32 [tilespmem:s23], [sflag:$0x3], $0x80, s21, s22, $0xb8;
	[tilespmem:$0x1E980] =	vst v63  }
0x6b: {  	_ =	swait.ge [sflag:s17], $0x4000  }
0x6c: {  	s6 =	sshrl.u32 s6, $0x3;
	[sflag:s17] =	ssyncset.done $0x0  }
0x6d: {  	s6 =	sadd.s32 s5, s6;
	[sflag:s17] =	ssyncadd.s32 $0xFFFFC000  }
0x6e: {  	[tilespmem:s21], [sflag:$0x1] =	stream.linear.gather [hbm4b:s6+s3], $0x80, $0x38;
	[tilespmem:$0x1E980] =	vst v63  }
0x6f: {  	_ = 	snop  }
0x70: {  	[tilespmem:s23], [sflag:$0x1] =	stream.indirect.gather [hbm4b:s4+s22], $0x80, s1, s22, $0xb8;
	[tilespmem:$0x1E980] =	vst v63  }
0x71: {  	_ =	swait.ge [sflag:s28], $0x80  }
0x72: {  	[sflag:s28] =	ssyncset.done $0x0  }
0x73: {  	[sflag:s28] =	ssyncadd.s32 $0xFFFFFF80  }
0x74: {  	_ =	swait.ge [sflag:s28], $0x4000  }
0x75: {  	[sflag:s28] =	ssyncset.done $0x0  }
0x76: {  	[sflag:s28] =	ssyncadd.s32 $0xFFFFC000  }
0x77: {  	[spmem:s2] =	stream.indirect.scatter.add.f32 [tilespmem:s25], [sflag:$0x3], $0x80, s24, s22, $0xb8;
	[tilespmem:$0x1E980] =	vst v63  }
0x78: {  	_ =	swait.ge [sflag:s17], $0x4000  }
0x79: {  	[sflag:s17] =	ssyncset.done $0x0  }
0x7a: {  	s7 =	rddreg [dreg:$0x6];
	[sflag:s17] =	ssyncadd.s32 $0xFFFFC000  }
0x7b: {  	[tilespmem:s24], [sflag:$0x2] =	stream.linear.gather [hbm4b:s7+s3], $0x80, $0x38;
	[tilespmem:$0x1E980] =	vst v63  }
0x7c: {  	s9 =	simm.s32 $0x2680  }
0x7d: {  	[tilespmem:s25], [sflag:$0x2] =	stream.indirect.gather [hbm4b:s4+s22], $0x80, s9, s22, $0xb8;
	[tilespmem:$0x1E980] =	vst v63  }
0x7e: {  	_ =	swait.ge [sflag:s26], $0x80  }
0x7f: {  	[sflag:s26] =	ssyncset.done $0x0  }
0x80: {  	[sflag:s26] =	ssyncadd.s32 $0xFFFFFF80  }
0x81: {  	_ =	swait.ge [sflag:s26], $0x4000  }
0x82: {  	[sflag:s26] =	ssyncset.done $0x0  }
0x83: {  	[sflag:s26] =	ssyncadd.s32 $0xFFFFC000  }
0x84: {  	[spmem:s2] =	stream.indirect.scatter.add.f32 [tilespmem:s23], [sflag:$0x3], $0x80, s21, s22, $0xb8;
	[tilespmem:$0x1E980] =	vst v63  }
0x85: {  	_ =	swait.ge [sflag:s17], $0x4000  }
0x86: {  	[sflag:s17] =	ssyncset.done $0x0  }
0x87: {  	[sflag:s17] =	ssyncadd.s32 $0xFFFFC000  }
0x88: {  	_ =	swait.ge [sflag:s28], $0x80  }
0x89: {  	[sflag:s28] =	ssyncset.done $0x0  }
0x8a: {  	[sflag:s28] =	ssyncadd.s32 $0xFFFFFF80  }
0x8b: {  	_ =	swait.ge [sflag:s28], $0x4000  }
0x8c: {  	[sflag:s28] =	ssyncset.done $0x0  }
0x8d: {  	[sflag:s28] =	ssyncadd.s32 $0xFFFFC000  }
0x8e: {  	[spmem:s2] =	stream.indirect.scatter.add.f32 [tilespmem:s25], [sflag:$0x3], $0x80, s24, s22, $0xb8;
	[tilespmem:$0x1E980] =	vst v63  }
0x8f: {  	_ =	swait.ge [sflag:s17], $0x4000  }
0x90: {  	[sflag:s17] =	ssyncset.done $0x0  }
0x91: {  	s10 =	rddreg [dreg:$0x7];
	[sflag:s17] =	ssyncadd.s32 $0xFFFFC000  }
0x92: {  	[tilespmem:s30], [sflag:$0x1] =	stream.linear.gather [hbm4b:s10+s3], $0x10, $0x38;
	[tilespmem:$0x1E980] =	vst v63  }
0x93: {  	s11 =	simm.s32 $0x2700  }
0x94: {  	[tilespmem:s0], [sflag:$0x1] =	stream.indirect.gather [hbm4b:s4+s31], $0x80, s11, s31, $0xb8;
	[tilespmem:$0x1E980] =	vst v63  }
0x95: {  	_ =	swait.ge [sflag:s26], $0x10  }
0x96: {  	[sflag:s26] =	ssyncset.done $0x0  }
0x97: {  	[sflag:s26] =	ssyncadd.s32 $0xFFFFFFF0  }
0x98: {  	_ =	swait.ge [sflag:s26], $0x800  }
0x99: {  	[sflag:s26] =	ssyncset.done $0x0  }
0x9a: {  	[sflag:s26] =	ssyncadd.s32 $0xFFFFF800  }
0x9b: {  	[spmem:s2] =	stream.indirect.scatter.add.f32 [tilespmem:s0], [sflag:$0x3], $0x80, s30, s31, $0xb8;
	[tilespmem:$0x1E980] =	vst v63  }
0x9c: {  	_ =	swait.ge [sflag:s17], $0x800  }
0x9d: {  	[sflag:s17] =	ssyncset.done $0x0  }
0x9e: {  	[sflag:s17] =	ssyncadd.s32 $0xFFFFF800  }
0x9f: {  	s1 =	simm.s32 @p0 $0x1FC3;
	[bflag:$0x0] =	sbarrier.arrive $0xFFFF  }
0xa0: {  	[hbm:s13], [sflag:s1] =	dma.local @p0 [spmem:s18], $0x2080  }
0xa1: {  	s1 =	simm.s32 @p0 $0x3  }
0xa2: {  	s29 =	sadd.s32 $0x1, s29;
	_ =	swait.ge @p0 [sflag:s1], $0x2080  }
0xa3: {  	p1 =	sne.s32 s29, s14;
	[sflag:s1] =	ssyncset.done @p0 $0x0  }
.Ltmp1:
0xa4: {  	[sflag:s1] =	ssyncadd.s32 @p0 $0xFFFFDF80;
	s1 =	simm.s32 @!p0 $0x3;
	(pc) =	sbr.rel @p1 .LBB2_1-.Ltmp1, $4  }
0xa5: {  	[hbm:s12], [sflag:s19] =	dma.local @!p0 [spmem:s20], $0x2780  }
0xa6: {  	_ =	swait.ge @!p0 [sflag:s1], $0x2780  }
0xa7: {  	[sflag:s1] =	ssyncset.done @!p0 $0x0  }
0xa8: {  	[sflag:s1] =	ssyncadd.s32 @!p0 $0xFFFFD880  }
0xa9: {  	_ =	sfence.sel $0x180000  }
0xaa: {  	[bflag:$0x0] =	sbarrier.arrive $0xFFFF  }
0xab: {  	_ =	strace $0x9000004A  }
0xac: {  	s0 =	stileid.u32;
	[bflag:$0x2] =	sbarrier.arrive $0xFFFF  }
0xad: {  	p0 =	sne.s32 s0, $0x0;
	s0 =	rddreg [dreg:$0x2]  }
0xae: {  	s0 =	sadd.s32 @!p0 $0x100000, s0  }
0xaf: {  	[sflag:s0] =	ssyncadd.tile.s32 @!p0 $0x1;
	_ =	shalt  }
.Lfunc_end2:
_tile_overlayer_lowered:
.L_overlay_start_2:
0xb0: {  	(tag) =	ssettag $0x2  }
0xb1: {  	s0 =	rddreg [dreg:$0x0];
	s2 =	stileid.u32  }
0xb2: {  	s1 =	rddreg [dreg:$0x1];
	p0 =	sne.s32 s2, $0x0  }
0xb3: {  	s3 =	rddreg [dreg:$0x2];
	[bflag:$0x3] =	sbarrier.arrive $0xFFFF;
	s2 =	simm.s32 @!p0 $0x1C03  }
0xb4: {  	[timem:s3], [sflag:s2] =	dma.local @!p0 [hbm:s0], s1  }
0xb5: {  	s0 =	simm.s32 @!p0 $0x3  }
0xb6: {  	_ =	swait.ge @!p0 [sflag:s0], s1  }
0xb7: {  	s1 =	ssub.s32 @!p0 $0x0, s1;
	[sflag:s0] =	ssyncset.done @!p0 $0x0  }
0xb8: {  	[sflag:s0] =	ssyncadd.s32 @!p0 s1  }
0xb9: {  	[bflag:$0x3] =	sbarrier.arrive $0xFFFF  }
0xba: {  	_ =	shalt  }

// kernel: kernel.16.cloned.1.call-start
scs
__scs_entry_jumppad:
0x0: {  	(pc) =	sbr.rel $0x88, $3  }
0x1: {  	(tag) =	ssettag $0x0;
	lr =	simm.s32 $0x1  }
0x2: {  	[smem:$0x3F95] =	sst lr;
	_ =	strace $0xD0000000  }
0x3: {  	_ = 	snop  }
0x4: {  	_ = 	snop  }
0x5: {  	_ = 	snop  }
0x6: {  	_ = 	snop  }
0x7: {  	_ = 	snop  }
__scs_overlays_trampoline_lowered:
0x8: {  	[smem:$0x3FA4] =	sst s0  }
0x9: {  	[smem:$0x3FA5] =	sst s1  }
0xa: {  	[smem:$0x3FA6] =	sst s2  }
0xb: {  	[smem:$0x3FA7] =	sst s3  }
0xc: {  	[smem:$0x3FA8] =	sst s4  }
0xd: {  	[smem:$0x3FA9] =	sst s5  }
0xe: {  	[smem:$0x3FAA] =	sst s6  }
0xf: {  	[smem:$0x3FAB] =	sst s7  }
0x10: {  	[smem:$0x3FAC] =	sst s8  }
0x11: {  	[smem:$0x3FAD] =	sst s9;
	s0 =	simm.s32 @!p0 $0x0  }
0x12: {  	s1 =	sld [smem:$0x3F93];
	s0 =	simm.s32 @p0 $0x1  }
0x13: {  	[smem:$0x3FAE] =	sst s0;
	s0 =	simm.s32 @!p1 $0x0  }
0x14: {  	s2 =	sld [smem:$0x3F92];
	s0 =	simm.s32 @p1 $0x1  }
0x15: {  	[smem:$0x3FAF] =	sst s0;
	s0 =	simm.s32 @!p2 $0x0  }
0x16: {  	s3 =	sld [smem:$0x3FDB];
	s0 =	simm.s32 @p2 $0x1  }
0x17: {  	s4 =	simm.s32 $0x1BF5;
	[smem:$0x3FB1] =	sst s0  }
0x18: {  	s0 =	sld [smem:$0x3F94];
	_ =	swait.ge [sflag:s4], $0x0  }
0x19: {  	s7 =	sld [smem:$0x3F95]  }
0x1a: {  	s8 =	sadd.s32 $0xFFFFE003, lr  }
0x1b: {  	s9 =	sadd.s32 $0xFFFFFEF7, lr;
	s5 =	simm.s32 $0xFFFFFFFF;
	p2 =	slt.u32 s8, $0xFFFFF086  }
0x1c: {  	p1 =	slt.u32 s9, $0xF7A;
	s5 =	simm.s32 @!p2 $0x0  }
0x1d: {  	s5 =	simm.s32 @p1 $0x1;
	p0 =	seq.s32 s7, s2  }
0x1e: {  	s7 =	smul.u32 @!p0 $0xF7A, s2;
	p2 =	seq.s32 @!p0 s5, $0x0  }
0x1f: {  	s9 =	smul.u32 $0xF7A, s1;
	s8 =	simm.s32 @!p0 $0x1BF5;
	p2 =	por !p2, p0  }
0x20: {  	[sflag:s8] =	ssyncset.s32 @!p0 $0xFFFFF086;
	s6 =	sadd.s32 @!p0 s3, s7;
	s7 =	simm.s32 @!p0 $0x108  }
0x21: {  	s3 =	sadd.s32 s3, s9;
	s6 =	sadd.s32 @!p0 $0x88, s6;
	s7 =	simm.s32 @p2 $0x1082  }
0x22: {  	[simem:s7], [sflag:s8] =	dma.local @!p0 [hbm:s6], $0xF7A  }
0x23: {  	s9 =	sor.u32 $0xD0000000, s2;
	s6 =	simm.s32 $0x108;
	_ =	swait.ge @!p0 [sflag:s8], $0x0  }
0x24: {  	s3 =	sadd.s32 $0x88, s3;
	s6 =	simm.s32 @!p1 $0x1082;
	[sflag:s4] =	ssyncset.s32 $0xFFFFF086  }
0x25: {  	[simem:s6], [sflag:s4] =	dma.local [hbm:s3], $0xF7A  }
0x26: {  	[smem:$0x3F95] =	sst s1;
	(tag) =	ssettag s2;
	_ =	strace s9  }
0x27: {  	s1 =	sld [smem:$0x3FA5]  }
0x28: {  	s2 =	sld [smem:$0x3FA6]  }
0x29: {  	s4 =	sld [smem:$0x3FA8]  }
0x2a: {  	p0 =	seq.s32 s5, $0x0;
	s5 =	sld [smem:$0x3FA9]  }
0x2b: {  	s6 =	sld [smem:$0x3FAA]  }
0x2c: {  	s7 =	sld [smem:$0x3FAB]  }
0x2d: {  	s3 =	simm.s32 $0x108;
	s8 =	sld [smem:$0x3FAC]  }
0x2e: {  	s3 =	simm.s32 @!p0 $0x1082;
	s9 =	sld [smem:$0x3FAD]  }
0x2f: {  	lr =	sadd.s32 s0, s3;
	s0 =	sld [smem:$0x3FA4]  }
0x30: {  	s3 =	sld [smem:$0x3FA7]  }
0x31: {  	[smem:$0x3FB0] =	sst s10  }
0x32: {  	s10 =	sld [smem:$0x3FAE];
	_ =	sdelay $0x3  }
0x33: {  	p0 =	seq.s32 s10, $0x1;
	s10 =	sld [smem:$0x3FB0];
	_ =	sdelay $0x3  }
0x34: {  	[smem:$0x3FB0] =	sst s10  }
0x35: {  	s10 =	sld [smem:$0x3FAF];
	_ =	sdelay $0x3  }
0x36: {  	p1 =	seq.s32 s10, $0x1;
	s10 =	sld [smem:$0x3FB0];
	_ =	sdelay $0x3  }
0x37: {  	[smem:$0x3FB0] =	sst s10  }
0x38: {  	s10 =	sld [smem:$0x3FB1]  }
0x39: {  	_ = 	snop;
	(pc) =	sbr.ind lr, $3  }
0x3a: {  	_ = 	snop  }
0x3b: {  	_ = 	snop  }
0x3c: {  	p2 =	seq.s32 s10, $0x1;
	s10 =	sld [smem:$0x3FB0]  }
0x3d: {  	_ =	shalt  }
0x3e: {  	_ =	shalt  }
0x3f: {  	_ =	shalt  }
0x40: {  	_ =	shalt  }
0x41: {  	_ =	shalt  }
0x42: {  	_ =	shalt  }
0x43: {  	_ =	shalt  }
0x44: {  	_ =	shalt  }
0x45: {  	_ =	shalt  }
0x46: {  	_ =	shalt  }
0x47: {  	_ =	shalt  }
0x48: {  	_ =	shalt  }
0x49: {  	_ =	shalt  }
0x4a: {  	_ =	shalt  }
0x4b: {  	_ =	shalt  }
0x4c: {  	_ =	shalt  }
0x4d: {  	_ =	shalt  }
0x4e: {  	_ =	shalt  }
0x4f: {  	_ =	shalt  }
0x50: {  	_ =	shalt  }
0x51: {  	_ =	shalt  }
0x52: {  	_ =	shalt  }
0x53: {  	_ =	shalt  }
0x54: {  	_ =	shalt  }
0x55: {  	_ =	shalt  }
0x56: {  	_ =	shalt  }
0x57: {  	_ =	shalt  }
0x58: {  	_ =	shalt  }
0x59: {  	_ =	shalt  }
0x5a: {  	_ =	shalt  }
0x5b: {  	_ =	shalt  }
0x5c: {  	_ =	shalt  }
0x5d: {  	_ =	shalt  }
0x5e: {  	_ =	shalt  }
0x5f: {  	_ =	shalt  }
0x60: {  	_ =	shalt  }
0x61: {  	_ =	shalt  }
0x62: {  	_ =	shalt  }
0x63: {  	_ =	shalt  }
0x64: {  	_ =	shalt  }
0x65: {  	_ =	shalt  }
0x66: {  	_ =	shalt  }
0x67: {  	_ =	shalt  }
0x68: {  	_ =	shalt  }
0x69: {  	_ =	shalt  }
0x6a: {  	_ =	shalt  }
0x6b: {  	_ =	shalt  }
0x6c: {  	_ =	shalt  }
0x6d: {  	_ =	shalt  }
0x6e: {  	_ =	shalt  }
0x6f: {  	_ =	shalt  }
0x70: {  	_ =	shalt  }
0x71: {  	_ =	shalt  }
0x72: {  	_ =	shalt  }
0x73: {  	_ =	shalt  }
0x74: {  	_ =	shalt  }
0x75: {  	_ =	shalt  }
0x76: {  	_ =	shalt  }
0x77: {  	_ =	shalt  }
0x78: {  	_ =	shalt  }
0x79: {  	_ =	shalt  }
0x7a: {  	_ =	shalt  }
0x7b: {  	_ =	shalt  }
0x7c: {  	_ =	shalt  }
0x7d: {  	_ =	shalt  }
0x7e: {  	_ =	shalt  }
0x7f: {  	_ =	shalt  }
0x80: {  	_ =	shalt  }
0x81: {  	_ =	shalt  }
0x82: {  	_ =	shalt  }
0x83: {  	_ =	shalt  }
0x84: {  	_ =	shalt  }
0x85: {  	_ =	shalt  }
0x86: {  	_ =	shalt  }
0x87: {  	_ =	shalt  }
.Lfunc_end0:
.L_simem_size_0:
called_computation.2_lowered:
.L_overlay_start_0:
0x88: {  	s2 =	sld [smem:$0x3FD9]  }
0x89: {  	s3 =	sld [smem:$0x3FFE];
	_ =	sdelay $0x1  }
0x8a: {  	s1 =	srdreg.scid  }
0x8b: {  	s0 =	sand.u32 $0x1, s1  }
0x8c: {  	s16 =	sshll.u32 s0, $0xA;
	s2 =	sadd.s32 s3, s2  }
0x8d: {  	s2 =	sadd.s32 s2, s16  }
0x8e: {  	[smem:$0x3FBC] =	sst s2  }
0x8f: {  	_ = 	snop  }
0x90: {  	(tm) =	ssettm $0x1  }
0x91: {  	s17 =	sld [smem:$0x3FFB];
	_ =	sdelay $0x3  }
0x92: {  	_ =	strace s17  }
0x93: {  	s2 =	sld [smem:$0x3FFC];
	_ =	sdelay $0x3  }
0x94: {  	_ =	strace s2  }
0x95: {  	s2 =	sld [smem:$0x3FFD];
	_ =	sdelay $0x3  }
0x96: {  	_ =	strace s2  }
0x97: {  	_ =	strace $0x8FFFFFFF  }
0x98: {  	s18 =	sld [smem:$0x3FDB];
	_ =	sdelay $0x1  }
0x99: {  	s19 =	simm.s32 $_scs_section_size  }
0x9a: {  	s4 =	simm.s32 $_size__tile_overlayer_lowered;
	s5 =	simm.s32 $_tile_overlayer_lowered  }
0x9b: {  	s22 =	simm.s32 $0x1BFF;
	s21 =	sshll.u32 s5, $0x1;
	s2 =	sadd.s32 s19, s18  }
0x9c: {  	s6 =	simm.s32 $0x0;
	s20 =	sshll.u32 s4, $0x1;
	s4 =	sadd.s32 s21, s2  }
0x9d: {  	[timem:s6], [sflag:s22] =	dma.local [hbm:s4], s20  }
0x9e: {  	_ =	swait.ge [sflag:s22], s20  }
0x9f: {  	s3 =	ssub.s32 $0x0, s20;
	[sflag:s22] =	ssyncset.done $0x0  }
0xa0: {  	[sflag:s22] =	ssyncadd.s32 s3;
	_ =	sdelay $0x1  }
0xa1: {  	s23 =	simm.s32 $0x1B8B  }
0xa2: {  	_ =	swait.ge [sflag:s23], $0x1  }
0xa3: {  	[sflag:s23] =	ssyncset.done $0x0  }
0xa4: {  	s25 =	simm.s32 $0x1B8E;
	s24 =	sld [smem:$0x3FFE];
	[sflag:s23] =	ssyncadd.s32 $0xFFFFFFFF  }
0xa5: {  	s26 =	simm.s32 $execute0_lowered;
	[smem:$0x3FD2] =	sst s25  }
0xa6: {  	s4 =	sshll.u32 s26, $0x1;
	_ =	strace $0x8000004C;
	[dreg:$0x1] =	wrdreg $0xFFFFFFFF  }
0xa7: {  	s28 =	simm.s32 $_size_execute0_lowered;
	s2 =	sadd.s32 s2, s4;
	[dreg:$0x0] =	wrdreg $0x0  }
0xa8: {  	s4 =	sshll.u32 s28, $0x1;
	[dreg:$0x2] =	wrdreg s2  }
0xa9: {  	[dreg:$0x3] =	wrdreg s4  }
0xaa: {  	[dreg:$0x4] =	wrdreg $0xC0  }
0xab: {  	_ =	task [dreg:s6], $0x5FFFF  }
0xac: {  	[dreg:$0x1] =	wrdreg $0xFFFFFFFF  }
0xad: {  	[dreg:$0x0] =	wrdreg $0x60  }
0xae: {  	[dreg:$0x2] =	wrdreg s24  }
0xaf: {  	[dreg:$0x3] =	wrdreg $0xB1000  }
0xb0: {  	[dreg:$0x4] =	wrdreg $0x9  }
0xb1: {  	_ =	task.clear_ibuf [dreg:s6], $0x5FFFF;
	_ =	strace $0x9000004C  }
0xb2: {  	s29 =	simm.s32 $0x9;
	_ =	strace $0x8000004E  }
0xb3: {  	_ =	swait.ge [sflag:s29], $0x1  }
0xb4: {  	[sflag:s29] =	ssyncadd.s32 $0xFFFFFFFF  }
0xb5: {  	_ =	strace $0x9000004E  }
0xb6: {  	_ =	sfence  }
0xb7: {  	s30 =	sld [smem:$0x0];
	_ =	sdelay $0x2  }
0xb8: {  	s31 =	sshll.u32 s1, $0xD;
	s1 =	sshrl.u32 s1, $0x2  }
0xb9: {  	s3 =	sand.u32 $0x4000, s31;
	s1 =	sadd.s32 s1, s30  }
0xba: {  	s0 =	sor.u32 s3, s0;
	s1 =	sshll.u32 s1, $0x11  }
0xbb: {  	s0 =	sor.u32 s1, s0  }
0xbc: {  	s0 =	sadd.s32 $0x8F2B, s0  }
0xbd: {  	[sflag:s0] =	ssyncadd.remote.s32 $0x1  }
0xbe: {  	_ =	sfence.sel $0xFFFF  }
0xbf: {  	[dreg:$0x0] =	wrdreg $0xFFFFFFFF;
	(pc) =	sbr.abs _section_cstart, $3  }
0xc0: {  	[dreg:$0x1] =	wrdreg $0xFFFFFFFF  }
0xc1: {  	_ =	task.clear_ibuf [dreg:s6], $0x2FFFF;
	_ =	strace $0x9FFFFFFF  }
0xc2: {  	(tm) =	ssettm $0x7FFFFFFF  }
0xc3: {  	_ =	shalt  }
tec
execute0_lowered:
.L_overlay_start_1:
0x0: {  	(tag) =	ssettag $0x1  }
0x1: {  	s0 =	rddreg [dreg:$0x0];
	s1 =	srdreg.scid  }
0x2: {  	s19 =	stileid.u32;
	s2 =	rddreg [dreg:$0x1];
	s3 =	simm.s32 $0x0  }
0x3: {  	s28 =	simm.s32 $0x2;
	s30 =	simm.s32 $0x2880;
	s31 =	simm.s32 $0x10  }
0x4: {  	s29 =	simm.s32 $0x0;
	s1 =	sand.u32 $0x1, s1;
	s7 =	smul.u32 $0x2780, s19  }
0x5: {  	s4 =	sshll.u32 s19, $0x1;
	[smem:$0x7FF] =	sst s3;
	s12 =	smul.u32 $0x4F000, s19  }
0x6: {  	s13 =	sadd.s32 $0x65400, s0;
	s15 =	smul.u32 $0x4E20, s19;
	s18 =	sadd.s32 $0x128400, s2  }
0x7: {  	p0 =	seq.s32 s19, $0xF;
	s4 =	sor.u32 s1, s4;
	_ =	strace $0x8000004D  }
0x8: {  	s9 =	ssub.s32 $0x2, s1;
	s14 =	smul.u32 $0x27100, s1;
	s18 =	sshrl.u32 @p0 s18, $0x3  }
0x9: {  	s5 =	smul.u32 $0x2710, s4;
	s4 =	sadd.s32 $0x17000, s0;
	s11 =	sshrl.u32 s9, $0x1  }
0xa: {  	s10 =	sadd.s32 s7, s0;
	s26 =	sshrl.u32 s12, $0x2;
	s9 =	ssub.s32 s9, s11  }
0xb: {  	s11 =	smul.u32 $0x138800, s1;
	s20 =	sadd.s32 s26, s2;
	s16 =	sadd.s32 $0x3E200, s10  }
0xc: {  	s1 =	smul.u32 $0x2710, s1;
	s22 =	sadd.s32 s7, s14;
	s6 =	sshrl.u32 s5, $0x3  }
0xd: {  	s5 =	sadd.s32 $0xD200, s0;
	[dreg:$0x4] =	wrdreg s16;
	s12 =	sadd.s32 s13, s22  }
0xe: {  	s14 =	smax.u32 s9, $0x1;
	s20 =	sshrl.u32 @!p0 s20, $0x3;
	s22 =	simm.s32 $0x80  }
0xf: {  	s8 =	sadd.s32 s6, s0;
	s0 =	sadd.s32 $0x63280, s0;
	s23 =	sshrl.u32 s11, $0x3  }
0x10: {  	s1 =	sadd.s32 s1, s15;
	s8 =	sadd.s32 $0x3400, s8;
	[dreg:$0x5] =	wrdreg s0  }
0x11: {  	s24 =	sadd.s32 s13, s23;
	s25 =	sadd.s32 $0x80, s1;
	s15 =	sadd.s32 $0x100, s1  }
0x12: {  	s0 =	sshll.u32 @!p0 s19, $0x6;
	s23 =	simm.s32 $0x2900;
	[dreg:$0x3] =	wrdreg s8  }
0x13: {  	s8 =	sadd.s32 s5, s6;
	s13 =	sadd.s32 $0x25080, s24;
	s26 =	sshrl.u32 s25, $0x3  }
0x14: {  	s19 =	sor.u32 @!p0 $0x1C03, s0;
	s24 =	simm.s32 $0x2800;
	s25 =	simm.s32 $0x6900  }
0x15: {  	s0 =	simm.s32 $0xA900;
	s17 =	sadd.s32 $0x4D0, s8;
	s21 =	sadd.s32 $0x4E0, s8  }
0x16: {  	s16 =	sadd.s32 s26, s5;
	s26 =	simm.s32 $0x1;
	[dreg:$0x6] =	wrdreg s17  }
0x17: {  	[dreg:$0x7] =	wrdreg s21;
	s17 =	simm.s32 $0x3;
	s21 =	simm.s32 $0x2780  }
.LBB2_1:
0x18: {  	s1 =	rddreg [dreg:$0x3]  }
0x19: {  	[tilespmem:s3], [sflag:$0x3] =	stream.linear.gather [hbm4b:s1+s3], $0x2710, $0x38;
	[tilespmem:$0x1E980] =	vst v63  }
0x1a: {  	_ =	swait.ge [sflag:s17], $0x2710  }
0x1b: {  	[sflag:s17] =	ssyncset.done $0x0  }
0x1c: {  	s1 =	simm.s32 @p0 $0x1FC3;
	s6 =	rddreg [dreg:$0x5];
	[sflag:s17] =	ssyncadd.s32 $0xFFFFD8F0  }
0x1d: {  	[spmem:s18], [sflag:s1] =	dma.local @p0 [hbm:s6], $0x2080  }
0x1e: {  	s1 =	simm.s32 @p0 $0x3  }
0x1f: {  	_ =	swait.ge @p0 [sflag:s1], $0x2080  }
0x20: {  	[sflag:s1] =	ssyncset.done @p0 $0x0  }
0x21: {  	[sflag:s1] =	ssyncadd.s32 @p0 $0xFFFFDF80;
	s1 =	rddreg [dreg:$0x4]  }
0x22: {  	[spmem:s20], [sflag:s19] =	dma.local @!p0 [hbm:s1], $0x2780  }
0x23: {  	s1 =	simm.s32 @!p0 $0x3  }
0x24: {  	_ =	swait.ge @!p0 [sflag:s1], $0x2780  }
0x25: {  	[sflag:s1] =	ssyncset.done @!p0 $0x0  }
0x26: {  	[sflag:s1] =	ssyncadd.s32 @!p0 $0xFFFFD880  }
0x27: {  	[bflag:$0x0] =	sbarrier.arrive $0xFFFF  }
0x28: {  	[tilespmem:s21], [sflag:$0x1] =	stream.linear.gather [hbm4b:s8+s3], $0x80, $0x38;
	[tilespmem:$0x1E980] =	vst v63  }
0x29: {  	_ = 	snop  }
0x2a: {  	[tilespmem:s23], [sflag:$0x1] =	stream.indirect.gather [hbm4b:s4+s22], $0x80, s3, s22, $0xb8;
	[tilespmem:$0x1E980] =	vst v63  }
0x2b: {  	s7 =	sadd.s32 $0x0, s16  }
0x2c: {  	[tilespmem:s24], [sflag:$0x2] =	stream.linear.gather [hbm4b:s7+s3], $0x80, $0x38;
	[tilespmem:$0x1E980] =	vst v63  }
0x2d: {  	s9 =	simm.s32 $0x80  }
0x2e: {  	[tilespmem:s25], [sflag:$0x2] =	stream.indirect.gather [hbm4b:s4+s22], $0x80, s9, s22, $0xb8;
	[tilespmem:$0x1E980] =	vst v63  }
0x2f: {  	_ =	swait.ge [sflag:s26], $0x80  }
0x30: {  	[sflag:s26] =	ssyncset.done $0x0  }
0x31: {  	[sflag:s26] =	ssyncadd.s32 $0xFFFFFF80  }
0x32: {  	_ =	swait.ge [sflag:s26], $0x4000  }
0x33: {  	[sflag:s26] =	ssyncset.done $0x0  }
0x34: {  	[sflag:s26] =	ssyncadd.s32 $0xFFFFC000  }
0x35: {  	[spmem:s2] =	stream.indirect.scatter.add.f32 [tilespmem:s23], [sflag:$0x3], $0x80, s21, s22, $0xb8;
	[tilespmem:$0x1E980] =	vst v63  }
0x36: {  	_ =	swait.ge [sflag:s17], $0x4000  }
0x37: {  	s10 =	sshrl.u32 s15, $0x3;
	[sflag:s17] =	ssyncset.done $0x0  }
0x38: {  	s1 =	sadd.s32 s5, s10;
	[sflag:s17] =	ssyncadd.s32 $0xFFFFC000  }
0x39: {  	[tilespmem:s21], [sflag:$0x1] =	stream.linear.gather [hbm4b:s1+s3], $0x80, $0x38;
	[tilespmem:$0x1E980] =	vst v63  }
0x3a: {  	s11 =	simm.s32 $0x100  }
0x3b: {  	[tilespmem:s23], [sflag:$0x1] =	stream.indirect.gather [hbm4b:s4+s22], $0x80, s11, s22, $0xb8;
	[tilespmem:$0x1E980] =	vst v63  }
0x3c: {  	_ =	swait.ge [sflag:s28], $0x80  }
0x3d: {  	[sflag:s28] =	ssyncset.done $0x0  }
0x3e: {  	[sflag:s28] =	ssyncadd.s32 $0xFFFFFF80  }
0x3f: {  	_ =	swait.ge [sflag:s28], $0x4000  }
0x40: {  	[sflag:s28] =	ssyncset.done $0x0  }
0x41: {  	[sflag:s28] =	ssyncadd.s32 $0xFFFFC000  }
0x42: {  	[spmem:s2] =	stream.indirect.scatter.add.f32 [tilespmem:s25], [sflag:$0x3], $0x80, s24, s22, $0xb8;
	[tilespmem:$0x1E980] =	vst v63  }
0x43: {  	s6 =	sadd.s32 $0x100, s15;
	s7 =	simm.s32 $0x20;
	_ =	swait.ge [sflag:s17], $0x4000  }
0x44: {  	s9 =	simm.s32 $0x40;
	s1 =	simm.s32 $0x200;
	[sflag:s17] =	ssyncset.done $0x0  }
.LBB2_2:
0x45: {  	s10 =	sadd.s32 s7, s16  }
0x46: {  	[sflag:s17] =	ssyncadd.s32 $0xFFFFC000;
	s7 =	smov.u32 s9;
	s11 =	sadd.s32 $0x20, s9  }
0x47: {  	[tilespmem:s24], [sflag:$0x2] =	stream.linear.gather [hbm4b:s10+s3], $0x80, $0x38;
	[tilespmem:$0x1E980] =	vst v63  }
0x48: {  	p1 =	sne.s32 s9, $0x4A0;
	s9 =	sadd.s32 $0xFFFFFF80, s1  }
0x49: {  	[tilespmem:s25], [sflag:$0x2] =	stream.indirect.gather [hbm4b:s4+s22], $0x80, s9, s22, $0xb8;
	[tilespmem:$0x1E980] =	vst v63  }
0x4a: {  	_ =	swait.ge [sflag:s26], $0x80  }
0x4b: {  	[sflag:s26] =	ssyncset.done $0x0  }
0x4c: {  	[sflag:s26] =	ssyncadd.s32 $0xFFFFFF80  }
0x4d: {  	_ =	swait.ge [sflag:s26], $0x4000  }
0x4e: {  	[sflag:s26] =	ssyncset.done $0x0  }
0x4f: {  	[sflag:s26] =	ssyncadd.s32 $0xFFFFC000  }
0x50: {  	[spmem:s2] =	stream.indirect.scatter.add.f32 [tilespmem:s23], [sflag:$0x3], $0x80, s21, s22, $0xb8;
	[tilespmem:$0x1E980] =	vst v63  }
0x51: {  	_ =	swait.ge [sflag:s17], $0x4000  }
0x52: {  	s9 =	sshrl.u32 s6, $0x3;
	[sflag:s17] =	ssyncset.done $0x0  }
0x53: {  	s9 =	sadd.s32 s5, s9;
	[sflag:s17] =	ssyncadd.s32 $0xFFFFC000  }
0x54: {  	[tilespmem:s21], [sflag:$0x1] =	stream.linear.gather [hbm4b:s9+s3], $0x80, $0x38;
	[tilespmem:$0x1E980] =	vst v63  }
0x55: {  	_ = 	snop  }
0x56: {  	[tilespmem:s23], [sflag:$0x1] =	stream.indirect.gather [hbm4b:s4+s22], $0x80, s1, s22, $0xb8;
	[tilespmem:$0x1E980] =	vst v63  }
0x57: {  	_ =	swait.ge [sflag:s28], $0x80  }
0x58: {  	[sflag:s28] =	ssyncset.done $0x0  }
0x59: {  	[sflag:s28] =	ssyncadd.s32 $0xFFFFFF80  }
0x5a: {  	_ =	swait.ge [sflag:s28], $0x4000  }
.Ltmp0:
0x5b: {  	[sflag:s28] =	ssyncset.done $0x0;
	(pc) =	sbr.rel @p1 .LBB2_2-.Ltmp0, $4  }
0x5c: {  	[sflag:s28] =	ssyncadd.s32 $0xFFFFC000  }
0x5d: {  	[spmem:s2] =	stream.indirect.scatter.add.f32 [tilespmem:s25], [sflag:$0x3], $0x80, s24, s22, $0xb8;
	[tilespmem:$0x1E980] =	vst v63  }
0x5e: {  	s6 =	sadd.s32 $0x100, s6;
	_ =	swait.ge [sflag:s17], $0x4000  }
0x5f: {  	s9 =	smov.u32 s11;
	s1 =	sadd.s32 $0x100, s1;
	[sflag:s17] =	ssyncset.done $0x0  }
0x60: {  	s7 =	sadd.s32 s7, s16;
	[sflag:s17] =	ssyncadd.s32 $0xFFFFC000  }
0x61: {  	[tilespmem:s24], [sflag:$0x2] =	stream.linear.gather [hbm4b:s7+s3], $0x80, $0x38;
	[tilespmem:$0x1E980] =	vst v63  }
0x62: {  	s11 =	sadd.s32 $0xFFFFFF80, s1  }
0x63: {  	[tilespmem:s25], [sflag:$0x2] =	stream.indirect.gather [hbm4b:s4+s22], $0x80, s11, s22, $0xb8;
	[tilespmem:$0x1E980] =	vst v63  }
0x64: {  	_ =	swait.ge [sflag:s26], $0x80  }
0x65: {  	[sflag:s26] =	ssyncset.done $0x0  }
0x66: {  	[sflag:s26] =	ssyncadd.s32 $0xFFFFFF80  }
0x67: {  	_ =	swait.ge [sflag:s26], $0x4000  }
0x68: {  	[sflag:s26] =	ssyncset.done $0x0  }
0x69: {  	[sflag:s26] =	ssyncadd.s32 $0xFFFFC000  }
0x6a: {  	[spmem:s2] =	stream.indirect.scatter.add.f32 [tilespmem:s23], [sflag:$0x3], $0x80, s21, s22, $0xb8;
	[tilespmem:$0x1E980] =	vst v63  }
0x6b: {  	_ =	swait.ge [sflag:s17], $0x4000  }
0x6c: {  	s6 =	sshrl.u32 s6, $0x3;
	[sflag:s17] =	ssyncset.done $0x0  }
0x6d: {  	s6 =	sadd.s32 s5, s6;
	[sflag:s17] =	ssyncadd.s32 $0xFFFFC000  }
0x6e: {  	[tilespmem:s21], [sflag:$0x1] =	stream.linear.gather [hbm4b:s6+s3], $0x80, $0x38;
	[tilespmem:$0x1E980] =	vst v63  }
0x6f: {  	_ = 	snop  }
0x70: {  	[tilespmem:s23], [sflag:$0x1] =	stream.indirect.gather [hbm4b:s4+s22], $0x80, s1, s22, $0xb8;
	[tilespmem:$0x1E980] =	vst v63  }
0x71: {  	_ =	swait.ge [sflag:s28], $0x80  }
0x72: {  	[sflag:s28] =	ssyncset.done $0x0  }
0x73: {  	[sflag:s28] =	ssyncadd.s32 $0xFFFFFF80  }
0x74: {  	_ =	swait.ge [sflag:s28], $0x4000  }
0x75: {  	[sflag:s28] =	ssyncset.done $0x0  }
0x76: {  	[sflag:s28] =	ssyncadd.s32 $0xFFFFC000  }
0x77: {  	[spmem:s2] =	stream.indirect.scatter.add.f32 [tilespmem:s25], [sflag:$0x3], $0x80, s24, s22, $0xb8;
	[tilespmem:$0x1E980] =	vst v63  }
0x78: {  	_ =	swait.ge [sflag:s17], $0x4000  }
0x79: {  	[sflag:s17] =	ssyncset.done $0x0  }
0x7a: {  	s7 =	rddreg [dreg:$0x6];
	[sflag:s17] =	ssyncadd.s32 $0xFFFFC000  }
0x7b: {  	[tilespmem:s24], [sflag:$0x2] =	stream.linear.gather [hbm4b:s7+s3], $0x80, $0x38;
	[tilespmem:$0x1E980] =	vst v63  }
0x7c: {  	s9 =	simm.s32 $0x2680  }
0x7d: {  	[tilespmem:s25], [sflag:$0x2] =	stream.indirect.gather [hbm4b:s4+s22], $0x80, s9, s22, $0xb8;
	[tilespmem:$0x1E980] =	vst v63  }
0x7e: {  	_ =	swait.ge [sflag:s26], $0x80  }
0x7f: {  	[sflag:s26] =	ssyncset.done $0x0  }
0x80: {  	[sflag:s26] =	ssyncadd.s32 $0xFFFFFF80  }
0x81: {  	_ =	swait.ge [sflag:s26], $0x4000  }
0x82: {  	[sflag:s26] =	ssyncset.done $0x0  }
0x83: {  	[sflag:s26] =	ssyncadd.s32 $0xFFFFC000  }
0x84: {  	[spmem:s2] =	stream.indirect.scatter.add.f32 [tilespmem:s23], [sflag:$0x3], $0x80, s21, s22, $0xb8;
	[tilespmem:$0x1E980] =	vst v63  }
0x85: {  	_ =	swait.ge [sflag:s17], $0x4000  }
0x86: {  	[sflag:s17] =	ssyncset.done $0x0  }
0x87: {  	[sflag:s17] =	ssyncadd.s32 $0xFFFFC000  }
0x88: {  	_ =	swait.ge [sflag:s28], $0x80  }
0x89: {  	[sflag:s28] =	ssyncset.done $0x0  }
0x8a: {  	[sflag:s28] =	ssyncadd.s32 $0xFFFFFF80  }
0x8b: {  	_ =	swait.ge [sflag:s28], $0x4000  }
0x8c: {  	[sflag:s28] =	ssyncset.done $0x0  }
0x8d: {  	[sflag:s28] =	ssyncadd.s32 $0xFFFFC000  }
0x8e: {  	[spmem:s2] =	stream.indirect.scatter.add.f32 [tilespmem:s25], [sflag:$0x3], $0x80, s24, s22, $0xb8;
	[tilespmem:$0x1E980] =	vst v63  }
0x8f: {  	_ =	swait.ge [sflag:s17], $0x4000  }
0x90: {  	[sflag:s17] =	ssyncset.done $0x0  }
0x91: {  	s10 =	rddreg [dreg:$0x7];
	[sflag:s17] =	ssyncadd.s32 $0xFFFFC000  }
0x92: {  	[tilespmem:s30], [sflag:$0x1] =	stream.linear.gather [hbm4b:s10+s3], $0x10, $0x38;
	[tilespmem:$0x1E980] =	vst v63  }
0x93: {  	s11 =	simm.s32 $0x2700  }
0x94: {  	[tilespmem:s0], [sflag:$0x1] =	stream.indirect.gather [hbm4b:s4+s31], $0x80, s11, s31, $0xb8;
	[tilespmem:$0x1E980] =	vst v63  }
0x95: {  	_ =	swait.ge [sflag:s26], $0x10  }
0x96: {  	[sflag:s26] =	ssyncset.done $0x0  }
0x97: {  	[sflag:s26] =	ssyncadd.s32 $0xFFFFFFF0  }
0x98: {  	_ =	swait.ge [sflag:s26], $0x800  }
0x99: {  	[sflag:s26] =	ssyncset.done $0x0  }
0x9a: {  	[sflag:s26] =	ssyncadd.s32 $0xFFFFF800  }
0x9b: {  	[spmem:s2] =	stream.indirect.scatter.add.f32 [tilespmem:s0], [sflag:$0x3], $0x80, s30, s31, $0xb8;
	[tilespmem:$0x1E980] =	vst v63  }
0x9c: {  	_ =	swait.ge [sflag:s17], $0x800  }
0x9d: {  	[sflag:s17] =	ssyncset.done $0x0  }
0x9e: {  	[sflag:s17] =	ssyncadd.s32 $0xFFFFF800  }
0x9f: {  	s1 =	simm.s32 @p0 $0x1FC3;
	[bflag:$0x0] =	sbarrier.arrive $0xFFFF  }
0xa0: {  	[hbm:s13], [sflag:s1] =	dma.local @p0 [spmem:s18], $0x2080  }
0xa1: {  	s1 =	simm.s32 @p0 $0x3  }
0xa2: {  	s29 =	sadd.s32 $0x1, s29;
	_ =	swait.ge @p0 [sflag:s1], $0x2080  }
0xa3: {  	p1 =	sne.s32 s29, s14;
	[sflag:s1] =	ssyncset.done @p0 $0x0  }
.Ltmp1:
0xa4: {  	[sflag:s1] =	ssyncadd.s32 @p0 $0xFFFFDF80;
	s1 =	simm.s32 @!p0 $0x3;
	(pc) =	sbr.rel @p1 .LBB2_1-.Ltmp1, $4  }
0xa5: {  	[hbm:s12], [sflag:s19] =	dma.local @!p0 [spmem:s20], $0x2780  }
0xa6: {  	_ =	swait.ge @!p0 [sflag:s1], $0x2780  }
0xa7: {  	[sflag:s1] =	ssyncset.done @!p0 $0x0  }
0xa8: {  	[sflag:s1] =	ssyncadd.s32 @!p0 $0xFFFFD880  }
0xa9: {  	_ =	sfence.sel $0x180000  }
0xaa: {  	[bflag:$0x0] =	sbarrier.arrive $0xFFFF  }
0xab: {  	_ =	strace $0x9000004D  }
0xac: {  	s0 =	stileid.u32;
	[bflag:$0x2] =	sbarrier.arrive $0xFFFF  }
0xad: {  	p0 =	sne.s32 s0, $0x0;
	s0 =	rddreg [dreg:$0x2]  }
0xae: {  	s0 =	sadd.s32 @!p0 $0x100000, s0  }
0xaf: {  	[sflag:s0] =	ssyncadd.tile.s32 @!p0 $0x1;
	_ =	shalt  }
.Lfunc_end2:
_tile_overlayer_lowered:
.L_overlay_start_2:
0xb0: {  	(tag) =	ssettag $0x2  }
0xb1: {  	s0 =	rddreg [dreg:$0x0];
	s2 =	stileid.u32  }
0xb2: {  	s1 =	rddreg [dreg:$0x1];
	p0 =	sne.s32 s2, $0x0  }
0xb3: {  	s3 =	rddreg [dreg:$0x2];
	[bflag:$0x3] =	sbarrier.arrive $0xFFFF;
	s2 =	simm.s32 @!p0 $0x1C03  }
0xb4: {  	[timem:s3], [sflag:s2] =	dma.local @!p0 [hbm:s0], s1  }
0xb5: {  	s0 =	simm.s32 @!p0 $0x3  }
0xb6: {  	_ =	swait.ge @!p0 [sflag:s0], s1  }
0xb7: {  	s1 =	ssub.s32 @!p0 $0x0, s1;
	[sflag:s0] =	ssyncset.done @!p0 $0x0  }
0xb8: {  	[sflag:s0] =	ssyncadd.s32 @!p0 s1  }
0xb9: {  	[bflag:$0x3] =	sbarrier.arrive $0xFFFF  }
0xba: {  	_ =	shalt  }

// kernel: kernel.19.cloned.1.call-start
scs
__scs_entry_jumppad:
0x0: {  	(pc) =	sbr.rel $0x88, $3  }
0x1: {  	(tag) =	ssettag $0x0;
	lr =	simm.s32 $0x1  }
0x2: {  	[smem:$0x3F95] =	sst lr;
	_ =	strace $0xD0000000  }
0x3: {  	_ = 	snop  }
0x4: {  	_ = 	snop  }
0x5: {  	_ = 	snop  }
0x6: {  	_ = 	snop  }
0x7: {  	_ = 	snop  }
__scs_overlays_trampoline_lowered:
0x8: {  	[smem:$0x3FA4] =	sst s0  }
0x9: {  	[smem:$0x3FA5] =	sst s1  }
0xa: {  	[smem:$0x3FA6] =	sst s2  }
0xb: {  	[smem:$0x3FA7] =	sst s3  }
0xc: {  	[smem:$0x3FA8] =	sst s4  }
0xd: {  	[smem:$0x3FA9] =	sst s5  }
0xe: {  	[smem:$0x3FAA] =	sst s6  }
0xf: {  	[smem:$0x3FAB] =	sst s7  }
0x10: {  	[smem:$0x3FAC] =	sst s8  }
0x11: {  	[smem:$0x3FAD] =	sst s9;
	s0 =	simm.s32 @!p0 $0x0  }
0x12: {  	s1 =	sld [smem:$0x3F93];
	s0 =	simm.s32 @p0 $0x1  }
0x13: {  	[smem:$0x3FAE] =	sst s0;
	s0 =	simm.s32 @!p1 $0x0  }
0x14: {  	s2 =	sld [smem:$0x3F92];
	s0 =	simm.s32 @p1 $0x1  }
0x15: {  	[smem:$0x3FAF] =	sst s0;
	s0 =	simm.s32 @!p2 $0x0  }
0x16: {  	s3 =	sld [smem:$0x3FDB];
	s0 =	simm.s32 @p2 $0x1  }
0x17: {  	s4 =	simm.s32 $0x1BF5;
	[smem:$0x3FB1] =	sst s0  }
0x18: {  	s0 =	sld [smem:$0x3F94];
	_ =	swait.ge [sflag:s4], $0x0  }
0x19: {  	s7 =	sld [smem:$0x3F95]  }
0x1a: {  	s8 =	sadd.s32 $0xFFFFE003, lr  }
0x1b: {  	s9 =	sadd.s32 $0xFFFFFEF7, lr;
	s5 =	simm.s32 $0xFFFFFFFF;
	p2 =	slt.u32 s8, $0xFFFFF086  }
0x1c: {  	p1 =	slt.u32 s9, $0xF7A;
	s5 =	simm.s32 @!p2 $0x0  }
0x1d: {  	s5 =	simm.s32 @p1 $0x1;
	p0 =	seq.s32 s7, s2  }
0x1e: {  	s7 =	smul.u32 @!p0 $0xF7A, s2;
	p2 =	seq.s32 @!p0 s5, $0x0  }
0x1f: {  	s9 =	smul.u32 $0xF7A, s1;
	s8 =	simm.s32 @!p0 $0x1BF5;
	p2 =	por !p2, p0  }
0x20: {  	[sflag:s8] =	ssyncset.s32 @!p0 $0xFFFFF086;
	s6 =	sadd.s32 @!p0 s3, s7;
	s7 =	simm.s32 @!p0 $0x108  }
0x21: {  	s3 =	sadd.s32 s3, s9;
	s6 =	sadd.s32 @!p0 $0x88, s6;
	s7 =	simm.s32 @p2 $0x1082  }
0x22: {  	[simem:s7], [sflag:s8] =	dma.local @!p0 [hbm:s6], $0xF7A  }
0x23: {  	s9 =	sor.u32 $0xD0000000, s2;
	s6 =	simm.s32 $0x108;
	_ =	swait.ge @!p0 [sflag:s8], $0x0  }
0x24: {  	s3 =	sadd.s32 $0x88, s3;
	s6 =	simm.s32 @!p1 $0x1082;
	[sflag:s4] =	ssyncset.s32 $0xFFFFF086  }
0x25: {  	[simem:s6], [sflag:s4] =	dma.local [hbm:s3], $0xF7A  }
0x26: {  	[smem:$0x3F95] =	sst s1;
	(tag) =	ssettag s2;
	_ =	strace s9  }
0x27: {  	s1 =	sld [smem:$0x3FA5]  }
0x28: {  	s2 =	sld [smem:$0x3FA6]  }
0x29: {  	s4 =	sld [smem:$0x3FA8]  }
0x2a: {  	p0 =	seq.s32 s5, $0x0;
	s5 =	sld [smem:$0x3FA9]  }
0x2b: {  	s6 =	sld [smem:$0x3FAA]  }
0x2c: {  	s7 =	sld [smem:$0x3FAB]  }
0x2d: {  	s3 =	simm.s32 $0x108;
	s8 =	sld [smem:$0x3FAC]  }
0x2e: {  	s3 =	simm.s32 @!p0 $0x1082;
	s9 =	sld [smem:$0x3FAD]  }
0x2f: {  	lr =	sadd.s32 s0, s3;
	s0 =	sld [smem:$0x3FA4]  }
0x30: {  	s3 =	sld [smem:$0x3FA7]  }
0x31: {  	[smem:$0x3FB0] =	sst s10  }
0x32: {  	s10 =	sld [smem:$0x3FAE];
	_ =	sdelay $0x3  }
0x33: {  	p0 =	seq.s32 s10, $0x1;
	s10 =	sld [smem:$0x3FB0];
	_ =	sdelay $0x3  }
0x34: {  	[smem:$0x3FB0] =	sst s10  }
0x35: {  	s10 =	sld [smem:$0x3FAF];
	_ =	sdelay $0x3  }
0x36: {  	p1 =	seq.s32 s10, $0x1;
	s10 =	sld [smem:$0x3FB0];
	_ =	sdelay $0x3  }
0x37: {  	[smem:$0x3FB0] =	sst s10  }
0x38: {  	s10 =	sld [smem:$0x3FB1]  }
0x39: {  	_ = 	snop;
	(pc) =	sbr.ind lr, $3  }
0x3a: {  	_ = 	snop  }
0x3b: {  	_ = 	snop  }
0x3c: {  	p2 =	seq.s32 s10, $0x1;
	s10 =	sld [smem:$0x3FB0]  }
0x3d: {  	_ =	shalt  }
0x3e: {  	_ =	shalt  }
0x3f: {  	_ =	shalt  }
0x40: {  	_ =	shalt  }
0x41: {  	_ =	shalt  }
0x42: {  	_ =	shalt  }
0x43: {  	_ =	shalt  }
0x44: {  	_ =	shalt  }
0x45: {  	_ =	shalt  }
0x46: {  	_ =	shalt  }
0x47: {  	_ =	shalt  }
0x48: {  	_ =	shalt  }
0x49: {  	_ =	shalt  }
0x4a: {  	_ =	shalt  }
0x4b: {  	_ =	shalt  }
0x4c: {  	_ =	shalt  }
0x4d: {  	_ =	shalt  }
0x4e: {  	_ =	shalt  }
0x4f: {  	_ =	shalt  }
0x50: {  	_ =	shalt  }
0x51: {  	_ =	shalt  }
0x52: {  	_ =	shalt  }
0x53: {  	_ =	shalt  }
0x54: {  	_ =	shalt  }
0x55: {  	_ =	shalt  }
0x56: {  	_ =	shalt  }
0x57: {  	_ =	shalt  }
0x58: {  	_ =	shalt  }
0x59: {  	_ =	shalt  }
0x5a: {  	_ =	shalt  }
0x5b: {  	_ =	shalt  }
0x5c: {  	_ =	shalt  }
0x5d: {  	_ =	shalt  }
0x5e: {  	_ =	shalt  }
0x5f: {  	_ =	shalt  }
0x60: {  	_ =	shalt  }
0x61: {  	_ =	shalt  }
0x62: {  	_ =	shalt  }
0x63: {  	_ =	shalt  }
0x64: {  	_ =	shalt  }
0x65: {  	_ =	shalt  }
0x66: {  	_ =	shalt  }
0x67: {  	_ =	shalt  }
0x68: {  	_ =	shalt  }
0x69: {  	_ =	shalt  }
0x6a: {  	_ =	shalt  }
0x6b: {  	_ =	shalt  }
0x6c: {  	_ =	shalt  }
0x6d: {  	_ =	shalt  }
0x6e: {  	_ =	shalt  }
0x6f: {  	_ =	shalt  }
0x70: {  	_ =	shalt  }
0x71: {  	_ =	shalt  }
0x72: {  	_ =	shalt  }
0x73: {  	_ =	shalt  }
0x74: {  	_ =	shalt  }
0x75: {  	_ =	shalt  }
0x76: {  	_ =	shalt  }
0x77: {  	_ =	shalt  }
0x78: {  	_ =	shalt  }
0x79: {  	_ =	shalt  }
0x7a: {  	_ =	shalt  }
0x7b: {  	_ =	shalt  }
0x7c: {  	_ =	shalt  }
0x7d: {  	_ =	shalt  }
0x7e: {  	_ =	shalt  }
0x7f: {  	_ =	shalt  }
0x80: {  	_ =	shalt  }
0x81: {  	_ =	shalt  }
0x82: {  	_ =	shalt  }
0x83: {  	_ =	shalt  }
0x84: {  	_ =	shalt  }
0x85: {  	_ =	shalt  }
0x86: {  	_ =	shalt  }
0x87: {  	_ =	shalt  }
.Lfunc_end0:
.L_simem_size_0:
called_computation.3_lowered:
.L_overlay_start_0:
0x88: {  	s2 =	sld [smem:$0x3FD9]  }
0x89: {  	s3 =	sld [smem:$0x3FFE];
	_ =	sdelay $0x1  }
0x8a: {  	s1 =	srdreg.scid  }
0x8b: {  	s0 =	sand.u32 $0x1, s1  }
0x8c: {  	s16 =	sshll.u32 s0, $0xA;
	s2 =	sadd.s32 s3, s2  }
0x8d: {  	s2 =	sadd.s32 s2, s16  }
0x8e: {  	[smem:$0x3FBC] =	sst s2  }
0x8f: {  	_ = 	snop  }
0x90: {  	(tm) =	ssettm $0x1  }
0x91: {  	s17 =	sld [smem:$0x3FFB];
	_ =	sdelay $0x3  }
0x92: {  	_ =	strace s17  }
0x93: {  	s2 =	sld [smem:$0x3FFC];
	_ =	sdelay $0x3  }
0x94: {  	_ =	strace s2  }
0x95: {  	s2 =	sld [smem:$0x3FFD];
	_ =	sdelay $0x3  }
0x96: {  	_ =	strace s2  }
0x97: {  	_ =	strace $0x8FFFFFFF  }
0x98: {  	s18 =	sld [smem:$0x3FDB];
	_ =	sdelay $0x1  }
0x99: {  	s19 =	simm.s32 $_scs_section_size  }
0x9a: {  	s4 =	simm.s32 $_size__tile_overlayer_lowered;
	s5 =	simm.s32 $_tile_overlayer_lowered  }
0x9b: {  	s22 =	simm.s32 $0x1BFF;
	s21 =	sshll.u32 s5, $0x1;
	s2 =	sadd.s32 s19, s18  }
0x9c: {  	s6 =	simm.s32 $0x0;
	s20 =	sshll.u32 s4, $0x1;
	s4 =	sadd.s32 s21, s2  }
0x9d: {  	[timem:s6], [sflag:s22] =	dma.local [hbm:s4], s20  }
0x9e: {  	_ =	swait.ge [sflag:s22], s20  }
0x9f: {  	s3 =	ssub.s32 $0x0, s20;
	[sflag:s22] =	ssyncset.done $0x0  }
0xa0: {  	[sflag:s22] =	ssyncadd.s32 s3;
	_ =	sdelay $0x1  }
0xa1: {  	s23 =	simm.s32 $0x1B8B  }
0xa2: {  	_ =	swait.ge [sflag:s23], $0x1  }
0xa3: {  	[sflag:s23] =	ssyncset.done $0x0  }
0xa4: {  	s25 =	simm.s32 $0x1B8E;
	s24 =	sld [smem:$0x3FFE];
	[sflag:s23] =	ssyncadd.s32 $0xFFFFFFFF  }
0xa5: {  	s26 =	simm.s32 $execute0_lowered;
	[smem:$0x3FD2] =	sst s25  }
0xa6: {  	s4 =	sshll.u32 s26, $0x1;
	_ =	strace $0x8000004F;
	[dreg:$0x1] =	wrdreg $0xFFFFFFFF  }
0xa7: {  	s28 =	simm.s32 $_size_execute0_lowered;
	s2 =	sadd.s32 s2, s4;
	[dreg:$0x0] =	wrdreg $0x0  }
0xa8: {  	s4 =	sshll.u32 s28, $0x1;
	[dreg:$0x2] =	wrdreg s2  }
0xa9: {  	[dreg:$0x3] =	wrdreg s4  }
0xaa: {  	[dreg:$0x4] =	wrdreg $0xC0  }
0xab: {  	_ =	task [dreg:s6], $0x5FFFF  }
0xac: {  	[dreg:$0x1] =	wrdreg $0xFFFFFFFF  }
0xad: {  	[dreg:$0x0] =	wrdreg $0x60  }
0xae: {  	[dreg:$0x2] =	wrdreg s24  }
0xaf: {  	[dreg:$0x3] =	wrdreg $0xB1000  }
0xb0: {  	[dreg:$0x4] =	wrdreg $0x9  }
0xb1: {  	_ =	task.clear_ibuf [dreg:s6], $0x5FFFF;
	_ =	strace $0x9000004F  }
0xb2: {  	s29 =	simm.s32 $0x9;
	_ =	strace $0x80000051  }
0xb3: {  	_ =	swait.ge [sflag:s29], $0x1  }
0xb4: {  	[sflag:s29] =	ssyncadd.s32 $0xFFFFFFFF  }
0xb5: {  	_ =	strace $0x90000051  }
0xb6: {  	_ =	sfence  }
0xb7: {  	s30 =	sld [smem:$0x0];
	_ =	sdelay $0x2  }
0xb8: {  	s31 =	sshll.u32 s1, $0xD;
	s1 =	sshrl.u32 s1, $0x2  }
0xb9: {  	s3 =	sand.u32 $0x4000, s31;
	s1 =	sadd.s32 s1, s30  }
0xba: {  	s0 =	sor.u32 s3, s0;
	s1 =	sshll.u32 s1, $0x11  }
0xbb: {  	s0 =	sor.u32 s1, s0  }
0xbc: {  	s0 =	sadd.s32 $0x8F2B, s0  }
0xbd: {  	[sflag:s0] =	ssyncadd.remote.s32 $0x1  }
0xbe: {  	_ =	sfence.sel $0xFFFF  }
0xbf: {  	[dreg:$0x0] =	wrdreg $0xFFFFFFFF;
	(pc) =	sbr.abs _section_cstart, $3  }
0xc0: {  	[dreg:$0x1] =	wrdreg $0xFFFFFFFF  }
0xc1: {  	_ =	task.clear_ibuf [dreg:s6], $0x2FFFF;
	_ =	strace $0x9FFFFFFF  }
0xc2: {  	(tm) =	ssettm $0x7FFFFFFF  }
0xc3: {  	_ =	shalt  }
tec
execute0_lowered:
.L_overlay_start_1:
0x0: {  	(tag) =	ssettag $0x1  }
0x1: {  	s0 =	rddreg [dreg:$0x0];
	s1 =	srdreg.scid  }
0x2: {  	s19 =	stileid.u32;
	s2 =	rddreg [dreg:$0x1];
	s3 =	simm.s32 $0x0  }
0x3: {  	s28 =	simm.s32 $0x2;
	s30 =	simm.s32 $0x2880;
	s31 =	simm.s32 $0x10  }
0x4: {  	s29 =	simm.s32 $0x0;
	s1 =	sand.u32 $0x1, s1;
	s7 =	smul.u32 $0x2780, s19  }
0x5: {  	s4 =	sshll.u32 s19, $0x1;
	[smem:$0x7FF] =	sst s3;
	s12 =	smul.u32 $0x4F000, s19  }
0x6: {  	s13 =	sadd.s32 $0x65400, s0;
	s15 =	smul.u32 $0x4E20, s19;
	s18 =	sadd.s32 $0x128400, s2  }
0x7: {  	p0 =	seq.s32 s19, $0xF;
	s4 =	sor.u32 s1, s4;
	_ =	strace $0x80000050  }
0x8: {  	s9 =	ssub.s32 $0x2, s1;
	s14 =	smul.u32 $0x27100, s1;
	s18 =	sshrl.u32 @p0 s18, $0x3  }
0x9: {  	s5 =	smul.u32 $0x2710, s4;
	s4 =	sadd.s32 $0x17000, s0;
	s11 =	sshrl.u32 s9, $0x1  }
0xa: {  	s10 =	sadd.s32 s7, s0;
	s26 =	sshrl.u32 s12, $0x2;
	s9 =	ssub.s32 s9, s11  }
0xb: {  	s11 =	smul.u32 $0x138800, s1;
	s20 =	sadd.s32 s26, s2;
	s16 =	sadd.s32 $0x3E200, s10  }
0xc: {  	s1 =	smul.u32 $0x2710, s1;
	s22 =	sadd.s32 s7, s14;
	s6 =	sshrl.u32 s5, $0x3  }
0xd: {  	s5 =	sadd.s32 $0xD200, s0;
	[dreg:$0x4] =	wrdreg s16;
	s12 =	sadd.s32 s13, s22  }
0xe: {  	s14 =	smax.u32 s9, $0x1;
	s20 =	sshrl.u32 @!p0 s20, $0x3;
	s22 =	simm.s32 $0x80  }
0xf: {  	s8 =	sadd.s32 s6, s0;
	s0 =	sadd.s32 $0x63280, s0;
	s23 =	sshrl.u32 s11, $0x3  }
0x10: {  	s1 =	sadd.s32 s1, s15;
	s8 =	sadd.s32 $0x3400, s8;
	[dreg:$0x5] =	wrdreg s0  }
0x11: {  	s24 =	sadd.s32 s13, s23;
	s25 =	sadd.s32 $0x80, s1;
	s15 =	sadd.s32 $0x100, s1  }
0x12: {  	s0 =	sshll.u32 @!p0 s19, $0x6;
	s23 =	simm.s32 $0x2900;
	[dreg:$0x3] =	wrdreg s8  }
0x13: {  	s8 =	sadd.s32 s5, s6;
	s13 =	sadd.s32 $0x25080, s24;
	s26 =	sshrl.u32 s25, $0x3  }
0x14: {  	s19 =	sor.u32 @!p0 $0x1C03, s0;
	s24 =	simm.s32 $0x2800;
	s25 =	simm.s32 $0x6900  }
0x15: {  	s0 =	simm.s32 $0xA900;
	s17 =	sadd.s32 $0x4D0, s8;
	s21 =	sadd.s32 $0x4E0, s8  }
0x16: {  	s16 =	sadd.s32 s26, s5;
	s26 =	simm.s32 $0x1;
	[dreg:$0x6] =	wrdreg s17  }
0x17: {  	[dreg:$0x7] =	wrdreg s21;
	s17 =	simm.s32 $0x3;
	s21 =	simm.s32 $0x2780  }
.LBB2_1:
0x18: {  	s1 =	rddreg [dreg:$0x3]  }
0x19: {  	[tilespmem:s3], [sflag:$0x3] =	stream.linear.gather [hbm4b:s1+s3], $0x2710, $0x38;
	[tilespmem:$0x1E980] =	vst v63  }
0x1a: {  	_ =	swait.ge [sflag:s17], $0x2710  }
0x1b: {  	[sflag:s17] =	ssyncset.done $0x0  }
0x1c: {  	s1 =	simm.s32 @p0 $0x1FC3;
	s6 =	rddreg [dreg:$0x5];
	[sflag:s17] =	ssyncadd.s32 $0xFFFFD8F0  }
0x1d: {  	[spmem:s18], [sflag:s1] =	dma.local @p0 [hbm:s6], $0x2080  }
0x1e: {  	s1 =	simm.s32 @p0 $0x3  }
0x1f: {  	_ =	swait.ge @p0 [sflag:s1], $0x2080  }
0x20: {  	[sflag:s1] =	ssyncset.done @p0 $0x0  }
0x21: {  	[sflag:s1] =	ssyncadd.s32 @p0 $0xFFFFDF80;
	s1 =	rddreg [dreg:$0x4]  }
0x22: {  	[spmem:s20], [sflag:s19] =	dma.local @!p0 [hbm:s1], $0x2780  }
0x23: {  	s1 =	simm.s32 @!p0 $0x3  }
0x24: {  	_ =	swait.ge @!p0 [sflag:s1], $0x2780  }
0x25: {  	[sflag:s1] =	ssyncset.done @!p0 $0x0  }
0x26: {  	[sflag:s1] =	ssyncadd.s32 @!p0 $0xFFFFD880  }
0x27: {  	[bflag:$0x0] =	sbarrier.arrive $0xFFFF  }
0x28: {  	[tilespmem:s21], [sflag:$0x1] =	stream.linear.gather [hbm4b:s8+s3], $0x80, $0x38;
	[tilespmem:$0x1E980] =	vst v63  }
0x29: {  	_ = 	snop  }
0x2a: {  	[tilespmem:s23], [sflag:$0x1] =	stream.indirect.gather [hbm4b:s4+s22], $0x80, s3, s22, $0xb8;
	[tilespmem:$0x1E980] =	vst v63  }
0x2b: {  	s7 =	sadd.s32 $0x0, s16  }
0x2c: {  	[tilespmem:s24], [sflag:$0x2] =	stream.linear.gather [hbm4b:s7+s3], $0x80, $0x38;
	[tilespmem:$0x1E980] =	vst v63  }
0x2d: {  	s9 =	simm.s32 $0x80  }
0x2e: {  	[tilespmem:s25], [sflag:$0x2] =	stream.indirect.gather [hbm4b:s4+s22], $0x80, s9, s22, $0xb8;
	[tilespmem:$0x1E980] =	vst v63  }
0x2f: {  	_ =	swait.ge [sflag:s26], $0x80  }
0x30: {  	[sflag:s26] =	ssyncset.done $0x0  }
0x31: {  	[sflag:s26] =	ssyncadd.s32 $0xFFFFFF80  }
0x32: {  	_ =	swait.ge [sflag:s26], $0x4000  }
0x33: {  	[sflag:s26] =	ssyncset.done $0x0  }
0x34: {  	[sflag:s26] =	ssyncadd.s32 $0xFFFFC000  }
0x35: {  	[spmem:s2] =	stream.indirect.scatter.add.f32 [tilespmem:s23], [sflag:$0x3], $0x80, s21, s22, $0xb8;
	[tilespmem:$0x1E980] =	vst v63  }
0x36: {  	_ =	swait.ge [sflag:s17], $0x4000  }
0x37: {  	s10 =	sshrl.u32 s15, $0x3;
	[sflag:s17] =	ssyncset.done $0x0  }
0x38: {  	s1 =	sadd.s32 s5, s10;
	[sflag:s17] =	ssyncadd.s32 $0xFFFFC000  }
0x39: {  	[tilespmem:s21], [sflag:$0x1] =	stream.linear.gather [hbm4b:s1+s3], $0x80, $0x38;
	[tilespmem:$0x1E980] =	vst v63  }
0x3a: {  	s11 =	simm.s32 $0x100  }
0x3b: {  	[tilespmem:s23], [sflag:$0x1] =	stream.indirect.gather [hbm4b:s4+s22], $0x80, s11, s22, $0xb8;
	[tilespmem:$0x1E980] =	vst v63  }
0x3c: {  	_ =	swait.ge [sflag:s28], $0x80  }
0x3d: {  	[sflag:s28] =	ssyncset.done $0x0  }
0x3e: {  	[sflag:s28] =	ssyncadd.s32 $0xFFFFFF80  }
0x3f: {  	_ =	swait.ge [sflag:s28], $0x4000  }
0x40: {  	[sflag:s28] =	ssyncset.done $0x0  }
0x41: {  	[sflag:s28] =	ssyncadd.s32 $0xFFFFC000  }
0x42: {  	[spmem:s2] =	stream.indirect.scatter.add.f32 [tilespmem:s25], [sflag:$0x3], $0x80, s24, s22, $0xb8;
	[tilespmem:$0x1E980] =	vst v63  }
0x43: {  	s6 =	sadd.s32 $0x100, s15;
	s7 =	simm.s32 $0x20;
	_ =	swait.ge [sflag:s17], $0x4000  }
0x44: {  	s9 =	simm.s32 $0x40;
	s1 =	simm.s32 $0x200;
	[sflag:s17] =	ssyncset.done $0x0  }
.LBB2_2:
0x45: {  	s10 =	sadd.s32 s7, s16  }
0x46: {  	[sflag:s17] =	ssyncadd.s32 $0xFFFFC000;
	s7 =	smov.u32 s9;
	s11 =	sadd.s32 $0x20, s9  }
0x47: {  	[tilespmem:s24], [sflag:$0x2] =	stream.linear.gather [hbm4b:s10+s3], $0x80, $0x38;
	[tilespmem:$0x1E980] =	vst v63  }
0x48: {  	p1 =	sne.s32 s9, $0x4A0;
	s9 =	sadd.s32 $0xFFFFFF80, s1  }
0x49: {  	[tilespmem:s25], [sflag:$0x2] =	stream.indirect.gather [hbm4b:s4+s22], $0x80, s9, s22, $0xb8;
	[tilespmem:$0x1E980] =	vst v63  }
0x4a: {  	_ =	swait.ge [sflag:s26], $0x80  }
0x4b: {  	[sflag:s26] =	ssyncset.done $0x0  }
0x4c: {  	[sflag:s26] =	ssyncadd.s32 $0xFFFFFF80  }
0x4d: {  	_ =	swait.ge [sflag:s26], $0x4000  }
0x4e: {  	[sflag:s26] =	ssyncset.done $0x0  }
0x4f: {  	[sflag:s26] =	ssyncadd.s32 $0xFFFFC000  }
0x50: {  	[spmem:s2] =	stream.indirect.scatter.add.f32 [tilespmem:s23], [sflag:$0x3], $0x80, s21, s22, $0xb8;
	[tilespmem:$0x1E980] =	vst v63  }
0x51: {  	_ =	swait.ge [sflag:s17], $0x4000  }
0x52: {  	s9 =	sshrl.u32 s6, $0x3;
	[sflag:s17] =	ssyncset.done $0x0  }
0x53: {  	s9 =	sadd.s32 s5, s9;
	[sflag:s17] =	ssyncadd.s32 $0xFFFFC000  }
0x54: {  	[tilespmem:s21], [sflag:$0x1] =	stream.linear.gather [hbm4b:s9+s3], $0x80, $0x38;
	[tilespmem:$0x1E980] =	vst v63  }
0x55: {  	_ = 	snop  }
0x56: {  	[tilespmem:s23], [sflag:$0x1] =	stream.indirect.gather [hbm4b:s4+s22], $0x80, s1, s22, $0xb8;
	[tilespmem:$0x1E980] =	vst v63  }
0x57: {  	_ =	swait.ge [sflag:s28], $0x80  }
0x58: {  	[sflag:s28] =	ssyncset.done $0x0  }
0x59: {  	[sflag:s28] =	ssyncadd.s32 $0xFFFFFF80  }
0x5a: {  	_ =	swait.ge [sflag:s28], $0x4000  }
.Ltmp0:
0x5b: {  	[sflag:s28] =	ssyncset.done $0x0;
	(pc) =	sbr.rel @p1 .LBB2_2-.Ltmp0, $4  }
0x5c: {  	[sflag:s28] =	ssyncadd.s32 $0xFFFFC000  }
0x5d: {  	[spmem:s2] =	stream.indirect.scatter.add.f32 [tilespmem:s25], [sflag:$0x3], $0x80, s24, s22, $0xb8;
	[tilespmem:$0x1E980] =	vst v63  }
0x5e: {  	s6 =	sadd.s32 $0x100, s6;
	_ =	swait.ge [sflag:s17], $0x4000  }
0x5f: {  	s9 =	smov.u32 s11;
	s1 =	sadd.s32 $0x100, s1;
	[sflag:s17] =	ssyncset.done $0x0  }
0x60: {  	s7 =	sadd.s32 s7, s16;
	[sflag:s17] =	ssyncadd.s32 $0xFFFFC000  }
0x61: {  	[tilespmem:s24], [sflag:$0x2] =	stream.linear.gather [hbm4b:s7+s3], $0x80, $0x38;
	[tilespmem:$0x1E980] =	vst v63  }
0x62: {  	s11 =	sadd.s32 $0xFFFFFF80, s1  }
0x63: {  	[tilespmem:s25], [sflag:$0x2] =	stream.indirect.gather [hbm4b:s4+s22], $0x80, s11, s22, $0xb8;
	[tilespmem:$0x1E980] =	vst v63  }
0x64: {  	_ =	swait.ge [sflag:s26], $0x80  }
0x65: {  	[sflag:s26] =	ssyncset.done $0x0  }
0x66: {  	[sflag:s26] =	ssyncadd.s32 $0xFFFFFF80  }
0x67: {  	_ =	swait.ge [sflag:s26], $0x4000  }
0x68: {  	[sflag:s26] =	ssyncset.done $0x0  }
0x69: {  	[sflag:s26] =	ssyncadd.s32 $0xFFFFC000  }
0x6a: {  	[spmem:s2] =	stream.indirect.scatter.add.f32 [tilespmem:s23], [sflag:$0x3], $0x80, s21, s22, $0xb8;
	[tilespmem:$0x1E980] =	vst v63  }
0x6b: {  	_ =	swait.ge [sflag:s17], $0x4000  }
0x6c: {  	s6 =	sshrl.u32 s6, $0x3;
	[sflag:s17] =	ssyncset.done $0x0  }
0x6d: {  	s6 =	sadd.s32 s5, s6;
	[sflag:s17] =	ssyncadd.s32 $0xFFFFC000  }
0x6e: {  	[tilespmem:s21], [sflag:$0x1] =	stream.linear.gather [hbm4b:s6+s3], $0x80, $0x38;
	[tilespmem:$0x1E980] =	vst v63  }
0x6f: {  	_ = 	snop  }
0x70: {  	[tilespmem:s23], [sflag:$0x1] =	stream.indirect.gather [hbm4b:s4+s22], $0x80, s1, s22, $0xb8;
	[tilespmem:$0x1E980] =	vst v63  }
0x71: {  	_ =	swait.ge [sflag:s28], $0x80  }
0x72: {  	[sflag:s28] =	ssyncset.done $0x0  }
0x73: {  	[sflag:s28] =	ssyncadd.s32 $0xFFFFFF80  }
0x74: {  	_ =	swait.ge [sflag:s28], $0x4000  }
0x75: {  	[sflag:s28] =	ssyncset.done $0x0  }
0x76: {  	[sflag:s28] =	ssyncadd.s32 $0xFFFFC000  }
0x77: {  	[spmem:s2] =	stream.indirect.scatter.add.f32 [tilespmem:s25], [sflag:$0x3], $0x80, s24, s22, $0xb8;
	[tilespmem:$0x1E980] =	vst v63  }
0x78: {  	_ =	swait.ge [sflag:s17], $0x4000  }
0x79: {  	[sflag:s17] =	ssyncset.done $0x0  }
0x7a: {  	s7 =	rddreg [dreg:$0x6];
	[sflag:s17] =	ssyncadd.s32 $0xFFFFC000  }
0x7b: {  	[tilespmem:s24], [sflag:$0x2] =	stream.linear.gather [hbm4b:s7+s3], $0x80, $0x38;
	[tilespmem:$0x1E980] =	vst v63  }
0x7c: {  	s9 =	simm.s32 $0x2680  }
0x7d: {  	[tilespmem:s25], [sflag:$0x2] =	stream.indirect.gather [hbm4b:s4+s22], $0x80, s9, s22, $0xb8;
	[tilespmem:$0x1E980] =	vst v63  }
0x7e: {  	_ =	swait.ge [sflag:s26], $0x80  }
0x7f: {  	[sflag:s26] =	ssyncset.done $0x0  }
0x80: {  	[sflag:s26] =	ssyncadd.s32 $0xFFFFFF80  }
0x81: {  	_ =	swait.ge [sflag:s26], $0x4000  }
0x82: {  	[sflag:s26] =	ssyncset.done $0x0  }
0x83: {  	[sflag:s26] =	ssyncadd.s32 $0xFFFFC000  }
0x84: {  	[spmem:s2] =	stream.indirect.scatter.add.f32 [tilespmem:s23], [sflag:$0x3], $0x80, s21, s22, $0xb8;
	[tilespmem:$0x1E980] =	vst v63  }
0x85: {  	_ =	swait.ge [sflag:s17], $0x4000  }
0x86: {  	[sflag:s17] =	ssyncset.done $0x0  }
0x87: {  	[sflag:s17] =	ssyncadd.s32 $0xFFFFC000  }
0x88: {  	_ =	swait.ge [sflag:s28], $0x80  }
0x89: {  	[sflag:s28] =	ssyncset.done $0x0  }
0x8a: {  	[sflag:s28] =	ssyncadd.s32 $0xFFFFFF80  }
0x8b: {  	_ =	swait.ge [sflag:s28], $0x4000  }
0x8c: {  	[sflag:s28] =	ssyncset.done $0x0  }
0x8d: {  	[sflag:s28] =	ssyncadd.s32 $0xFFFFC000  }
0x8e: {  	[spmem:s2] =	stream.indirect.scatter.add.f32 [tilespmem:s25], [sflag:$0x3], $0x80, s24, s22, $0xb8;
	[tilespmem:$0x1E980] =	vst v63  }
0x8f: {  	_ =	swait.ge [sflag:s17], $0x4000  }
0x90: {  	[sflag:s17] =	ssyncset.done $0x0  }
0x91: {  	s10 =	rddreg [dreg:$0x7];
	[sflag:s17] =	ssyncadd.s32 $0xFFFFC000  }
0x92: {  	[tilespmem:s30], [sflag:$0x1] =	stream.linear.gather [hbm4b:s10+s3], $0x10, $0x38;
	[tilespmem:$0x1E980] =	vst v63  }
0x93: {  	s11 =	simm.s32 $0x2700  }
0x94: {  	[tilespmem:s0], [sflag:$0x1] =	stream.indirect.gather [hbm4b:s4+s31], $0x80, s11, s31, $0xb8;
	[tilespmem:$0x1E980] =	vst v63  }
0x95: {  	_ =	swait.ge [sflag:s26], $0x10  }
0x96: {  	[sflag:s26] =	ssyncset.done $0x0  }
0x97: {  	[sflag:s26] =	ssyncadd.s32 $0xFFFFFFF0  }
0x98: {  	_ =	swait.ge [sflag:s26], $0x800  }
0x99: {  	[sflag:s26] =	ssyncset.done $0x0  }
0x9a: {  	[sflag:s26] =	ssyncadd.s32 $0xFFFFF800  }
0x9b: {  	[spmem:s2] =	stream.indirect.scatter.add.f32 [tilespmem:s0], [sflag:$0x3], $0x80, s30, s31, $0xb8;
	[tilespmem:$0x1E980] =	vst v63  }
0x9c: {  	_ =	swait.ge [sflag:s17], $0x800  }
0x9d: {  	[sflag:s17] =	ssyncset.done $0x0  }
0x9e: {  	[sflag:s17] =	ssyncadd.s32 $0xFFFFF800  }
0x9f: {  	s1 =	simm.s32 @p0 $0x1FC3;
	[bflag:$0x0] =	sbarrier.arrive $0xFFFF  }
0xa0: {  	[hbm:s13], [sflag:s1] =	dma.local @p0 [spmem:s18], $0x2080  }
0xa1: {  	s1 =	simm.s32 @p0 $0x3  }
0xa2: {  	s29 =	sadd.s32 $0x1, s29;
	_ =	swait.ge @p0 [sflag:s1], $0x2080  }
0xa3: {  	p1 =	sne.s32 s29, s14;
	[sflag:s1] =	ssyncset.done @p0 $0x0  }
.Ltmp1:
0xa4: {  	[sflag:s1] =	ssyncadd.s32 @p0 $0xFFFFDF80;
	s1 =	simm.s32 @!p0 $0x3;
	(pc) =	sbr.rel @p1 .LBB2_1-.Ltmp1, $4  }
0xa5: {  	[hbm:s12], [sflag:s19] =	dma.local @!p0 [spmem:s20], $0x2780  }
0xa6: {  	_ =	swait.ge @!p0 [sflag:s1], $0x2780  }
0xa7: {  	[sflag:s1] =	ssyncset.done @!p0 $0x0  }
0xa8: {  	[sflag:s1] =	ssyncadd.s32 @!p0 $0xFFFFD880  }
0xa9: {  	_ =	sfence.sel $0x180000  }
0xaa: {  	[bflag:$0x0] =	sbarrier.arrive $0xFFFF  }
0xab: {  	_ =	strace $0x90000050  }
0xac: {  	s0 =	stileid.u32;
	[bflag:$0x2] =	sbarrier.arrive $0xFFFF  }
0xad: {  	p0 =	sne.s32 s0, $0x0;
	s0 =	rddreg [dreg:$0x2]  }
0xae: {  	s0 =	sadd.s32 @!p0 $0x100000, s0  }
0xaf: {  	[sflag:s0] =	ssyncadd.tile.s32 @!p0 $0x1;
	_ =	shalt  }
.Lfunc_end2:
_tile_overlayer_lowered:
.L_overlay_start_2:
0xb0: {  	(tag) =	ssettag $0x2  }
0xb1: {  	s0 =	rddreg [dreg:$0x0];
	s2 =	stileid.u32  }
0xb2: {  	s1 =	rddreg [dreg:$0x1];
	p0 =	sne.s32 s2, $0x0  }
0xb3: {  	s3 =	rddreg [dreg:$0x2];
	[bflag:$0x3] =	sbarrier.arrive $0xFFFF;
	s2 =	simm.s32 @!p0 $0x1C03  }
0xb4: {  	[timem:s3], [sflag:s2] =	dma.local @!p0 [hbm:s0], s1  }
0xb5: {  	s0 =	simm.s32 @!p0 $0x3  }
0xb6: {  	_ =	swait.ge @!p0 [sflag:s0], s1  }
0xb7: {  	s1 =	ssub.s32 @!p0 $0x0, s1;
	[sflag:s0] =	ssyncset.done @!p0 $0x0  }
0xb8: {  	[sflag:s0] =	ssyncadd.s32 @!p0 s1  }
0xb9: {  	[bflag:$0x3] =	sbarrier.arrive $0xFFFF  }
0xba: {  	_ =	shalt  }

</sc_bundles>
